<compile_context>
chip_gen: v7x
topology: tpu7x:2x2x1
jax: 0.10.2.dev20260603
libtpu: 0.0.44.dev20260713+nightly
codegen_flags: <defaults>
</compile_context>

<pallas_src>
import jax
import jax.numpy as jnp
from jax.experimental import pallas as pl
from jax.experimental.pallas import tpu as pltpu

N = 2048
E = 65536
KTOT = 16 * N
KBLK = 1024
NSTEP = KTOT // KBLK


def _matvec_body(w_ref, f_ref, b_ref, vw_ref, vb_ref, probs_ref, val_ref,
                 acc_ref, vacc_ref):
    k = pl.program_id(0)
    fb = jnp.broadcast_to(f_ref[...], (KBLK, 128))
    part = jnp.dot(w_ref[...], fb, preferred_element_type=jnp.float32)
    vpart = jnp.dot(vw_ref[...], fb, preferred_element_type=jnp.float32)

    @pl.when(k == 0)
    def _():
        acc_ref[...] = part
        vacc_ref[...] = vpart

    @pl.when(k > 0)
    def _():
        acc_ref[...] += part
        vacc_ref[...] += vpart

    @pl.when(k == NSTEP - 1)
    def _():
        logits = acc_ref[:, 0:1] + b_ref[...]
        m = jnp.max(logits)
        e = jnp.exp(logits - m)
        probs_ref[...] = e / jnp.sum(e)
        val_ref[...] = vacc_ref[0:1, 0:1] + vb_ref[...]


def _matvec_softmax(policy_W, f, policy_b, value_W, value_b, interpret=False):
    f2 = f.reshape(KTOT, 1)
    b2 = policy_b.reshape(N, 1)
    vw2 = value_W.reshape(1, KTOT)
    vb2 = value_b.reshape(1, 1)
    probs, val = pl.pallas_call(
        _matvec_body,
        grid=(NSTEP,),
        in_specs=[
            pl.BlockSpec((N, KBLK), lambda k: (0, k)),
            pl.BlockSpec((KBLK, 1), lambda k: (k, 0)),
            pl.BlockSpec((N, 1), lambda k: (0, 0)),
            pl.BlockSpec((1, KBLK), lambda k: (0, k)),
            pl.BlockSpec((1, 1), lambda k: (0, 0)),
        ],
        out_specs=[
            pl.BlockSpec((N, 1), lambda k: (0, 0)),
            pl.BlockSpec((1, 1), lambda k: (0, 0)),
        ],
        out_shape=[
            jax.ShapeDtypeStruct((N, 1), jnp.float32),
            jax.ShapeDtypeStruct((1, 1), jnp.float32),
        ],
        scratch_shapes=[
            pltpu.VMEM((N, 128), jnp.float32),
            pltpu.VMEM((1, 128), jnp.float32),
        ],
        interpret=interpret,
    )(policy_W, f2, b2, vw2, vb2)
    return probs.reshape(N), val.reshape(1)


def _cheb_jnp(x, edge_index, W, b):
    src = edge_index[0]
    dst = edge_index[1]
    ones = jnp.ones((src.shape[0],), dtype=x.dtype)
    deg = jnp.zeros((N,), dtype=x.dtype).at[dst].add(ones)
    dis = jnp.where(deg > 0, 1.0 / jnp.sqrt(jnp.where(deg > 0, deg, 1.0)), 0.0)
    w = -dis[src] * dis[dst]

    def lap(h):
        msg = w[:, None] * jnp.take(h, src, axis=0)
        return jnp.zeros_like(h).at[dst].add(msg)

    Tx0 = x
    Tx1 = lap(Tx0)
    Tx2 = 2.0 * lap(Tx1) - Tx0
    return Tx0 @ W[0] + Tx1 @ W[1] + Tx2 @ W[2] + b


def kernel(subs_x, edge_index, vnr_x, j, cheb_W, cheb_b, vnr_W, vnr_b,
           policy_W, policy_b, value_W, value_b, perm):
    virt_graph = vnr_x @ vnr_W.T + vnr_b
    subs_graph = jax.nn.relu(_cheb_jnp(subs_x, edge_index, cheb_W, cheb_b))
    virt_node = jnp.broadcast_to(virt_graph[j][None, :], (N, 8))
    cat = jnp.concatenate([virt_node, subs_graph], axis=0).reshape(-1)
    fully_conn = jnp.tanh(jnp.take(cat, perm, axis=0))
    return _matvec_softmax(policy_W, fully_conn, policy_b, value_W, value_b)

# --- scband reference (transcript-rebuilt; emitter-appended) ---
"""Pipeline reference for scband-actor-critic-9165460210279 (READ-ONLY COPY).

The authoritative reference and input builder live on the scoring server;
editing this copy changes nothing except your own understanding.
"""

import jax, jax.numpy as jnp
import numpy as np

N = 2048
E = 65536
NVNR = 5

def setup_inputs(seed: int = 0) -> dict:
    key = jax.random.key(seed)
    ks = jax.random.split(key, 10)
    subs_x = jax.random.normal(ks[0], (N, 4), dtype=jnp.float32)
    edge_index = jax.random.randint(ks[1], (2, E), 0, N, dtype=jnp.int32)
    vnr_x = jax.random.normal(ks[2], (NVNR, 2), dtype=jnp.float32)
    # ChebConv(4 -> 8, K=3) params; weights init uniform(0, 0.5) per init_weights
    cheb_W = jax.random.uniform(ks[3], (3, 4, 8), dtype=jnp.float32, minval=0.0, maxval=0.5)
    cheb_b = jnp.zeros((8,), dtype=jnp.float32)
    # vnr_conn: Linear(2, 8)
    vnr_W = jax.random.normal(ks[4], (8, 2), dtype=jnp.float32) * 0.1
    vnr_b = jnp.zeros((8,), dtype=jnp.float32)
    # policy: Linear(16N, N); value_head: Linear(16N, 1)
    policy_W = jax.random.normal(ks[5], (N, 16 * N), dtype=jnp.float32) * 0.005
    policy_b = jnp.zeros((N,), dtype=jnp.float32)
    value_W = jax.random.normal(ks[6], (1, 16 * N), dtype=jnp.float32) * 0.005
    value_b = jnp.zeros((1,), dtype=jnp.float32)
    # fixed permutation standing in for torch.randperm (constant w.r.t. grads)
    perm = jax.random.permutation(ks[7], 16 * N)
    return {"subs_x": subs_x, "edge_index": edge_index, "vnr_x": vnr_x, "j": 0,
            "cheb_W": cheb_W, "cheb_b": cheb_b, "vnr_W": vnr_W, "vnr_b": vnr_b,
            "policy_W": policy_W, "policy_b": policy_b, "value_W": value_W,
            "value_b": value_b, "perm": perm}


def _cheb_conv(x, edge_index, W, b):
    # ChebConv with sym normalization, lambda_max=2: Lhat = -D^{-1/2} A D^{-1/2}
    src = edge_index[0]
    dst = edge_index[1]
    ones = jnp.ones((src.shape[0],), dtype=x.dtype)
    deg = jnp.zeros((N,), dtype=x.dtype).at[dst].add(ones)
    dis = jnp.where(deg > 0, 1.0 / jnp.sqrt(jnp.where(deg > 0, deg, 1.0)), 0.0)
    w = -dis[src] * dis[dst]

    def lap(h):
        msg = w[:, None] * jnp.take(h, src, axis=0)
        return jnp.zeros_like(h).at[dst].add(msg)

    Tx0 = x
    Tx1 = lap(Tx0)
    Tx2 = 2.0 * lap(Tx1) - Tx0
    return Tx0 @ W[0] + Tx1 @ W[1] + Tx2 @ W[2] + b


def reference(subs_x, edge_index, vnr_x, j, cheb_W, cheb_b, vnr_W, vnr_b,
              policy_W, policy_b, value_W, value_b, perm):
    # gcn_part: j == 0 -> virt_graph = vnr_conn(vnr.x)
    virt_graph = vnr_x @ vnr_W.T + vnr_b  # [NVNR, 8]
    # GCNNBlock: ChebConv + relu
    subs_graph = jax.nn.relu(_cheb_conv(subs_x, edge_index, cheb_W, cheb_b))  # [N, 8]
    virt_node = virt_graph[j]
    virt_node = jnp.broadcast_to(virt_node[None, :], (subs_graph.shape[0], 8))
    fully_conn = jnp.concatenate([virt_node, subs_graph], axis=0).reshape(-1)  # [16N]
    fully_conn = jnp.take(fully_conn, perm, axis=0)
    fully_conn = jnp.tanh(fully_conn)
    nodes_layer = fully_conn @ policy_W.T + policy_b  # [N]
    probs = jax.nn.softmax(nodes_layer, axis=0)
    value = fully_conn @ value_W.T + value_b  # [1]
    return (probs, value)

if __name__ == "__main__":
    import jax
    _d = setup_inputs()
    print(jax.jit(kernel)(*tuple(_d.values())))

</pallas_src>

<mosaic_0001>
module attributes {stable_mosaic.version = 14 : i64} {
  func.func @_matvec_body(%arg0: i32, %arg1: memref<2048x1024xf32, #tpu.memory_space<vmem>>, %arg2: memref<1024x1xf32, #tpu.memory_space<vmem>>, %arg3: memref<2048x1xf32, #tpu.memory_space<vmem>>, %arg4: memref<1x1024xf32, #tpu.memory_space<vmem>>, %arg5: memref<1x1xf32, #tpu.memory_space<vmem>>, %arg6: memref<2048x1xf32, #tpu.memory_space<vmem>>, %arg7: memref<1x1xf32, #tpu.memory_space<vmem>>, %arg8: memref<2048x128xf32, #tpu.memory_space<vmem>>, %arg9: memref<1x128xf32, #tpu.memory_space<vmem>>) attributes {dimension_semantics = [#tpu.dimension_semantics<arbitrary>], iteration_bounds = array<i64: 32>, scalar_prefetch = 0 : i64, scratch_operands = 2 : i64, tpu.core_type = #tpu.core_type<tc>, window_params = [{transform_indices = @transform_0, window_bounds = array<i64: 2048, 1024>}, {transform_indices = @transform_1, window_bounds = array<i64: 1024, 1>}, {pipeline_mode = #tpu.pipeline_mode<synchronous>, transform_indices = @transform_2, window_bounds = array<i64: 2048, 1>}, {transform_indices = @transform_3, window_bounds = array<i64: 1, 1024>}, {pipeline_mode = #tpu.pipeline_mode<synchronous>, transform_indices = @transform_4, window_bounds = array<i64: 1, 1>}, {pipeline_mode = #tpu.pipeline_mode<synchronous>, transform_indices = @transform_5, window_bounds = array<i64: 2048, 1>}, {pipeline_mode = #tpu.pipeline_mode<synchronous>, transform_indices = @transform_6, window_bounds = array<i64: 1, 1>}]} {
    %get3A = arith.constant 0 : index
    %get3A_0 = arith.constant 0 : index
    %get3A_1 = vector.load %arg2[%get3A, %get3A_0] : memref<1024x1xf32, #tpu.memory_space<vmem>>, vector<1024x1xf32>
    %broadcast_in_dim3A = vector.shape_cast %get3A_1 : vector<1024x1xf32> to vector<1024x1xf32>
    %broadcast_in_dim3A_2 = vector.broadcast %broadcast_in_dim3A : vector<1024x1xf32> to vector<1024x128xf32>
    %get3A_3 = arith.constant 0 : index
    %get3A_4 = arith.constant 0 : index
    %get3A_5 = vector.load %arg1[%get3A_3, %get3A_4] : memref<2048x1024xf32, #tpu.memory_space<vmem>>, vector<2048x1024xf32>
    %dot_general3A = arith.constant dense<0.000000e+00> : vector<2048x128xf32>
    %dot_general3A_6 = tpu.matmul %get3A_5, %broadcast_in_dim3A_2, %dot_general3A {dimension_numbers = #tpu.dot_dimension_numbers<[1], [0], [0], [1], [0, 0, 1, 1], [], []>, transpose_lhs_hint = false} : vector<2048x1024xf32>, vector<1024x128xf32>, vector<2048x128xf32> -> vector<2048x128xf32>
    %get3A_7 = arith.constant 0 : index
    %get3A_8 = arith.constant 0 : index
    %get3A_9 = vector.load %arg4[%get3A_7, %get3A_8] : memref<1x1024xf32, #tpu.memory_space<vmem>>, vector<1x1024xf32>
    %dot_general3A_10 = arith.constant dense<0.000000e+00> : vector<1x128xf32>
    %dot_general3A_11 = tpu.matmul %get3A_9, %broadcast_in_dim3A_2, %dot_general3A_10 {dimension_numbers = #tpu.dot_dimension_numbers<[1], [0], [0], [1], [0, 0, 1, 1], [], []>, transpose_lhs_hint = false} : vector<1x1024xf32>, vector<1024x128xf32>, vector<1x128xf32> -> vector<1x128xf32>
    %eq3A = arith.constant 0 : i32
    %eq3A_12 = arith.cmpi eq, %arg0, %eq3A : i32
    %convert_element_type3A = arith.extui %eq3A_12 : i1 to i32
    %cond3A = arith.constant 0 : i32
    %cond3A_13 = arith.cmpi ne, %convert_element_type3A, %cond3A : i32
    scf.if %cond3A_13 {
      %swap3A = arith.constant 0 : index
      %swap3A_23 = arith.constant 0 : index
      %swap3A_24 = vector.load %arg8[%swap3A, %swap3A_23] : memref<2048x128xf32, #tpu.memory_space<vmem>>, vector<2048x128xf32>
      tpu.vector_store %arg8[%swap3A, %swap3A_23], %dot_general3A_6 {strides = array<i32>} : memref<2048x128xf32, #tpu.memory_space<vmem>>, vector<2048x128xf32>,
      %swap3A_25 = arith.constant 0 : index
      %swap3A_26 = arith.constant 0 : index
      %swap3A_27 = vector.load %arg9[%swap3A_25, %swap3A_26] : memref<1x128xf32, #tpu.memory_space<vmem>>, vector<1x128xf32>
      tpu.vector_store %arg9[%swap3A_25, %swap3A_26], %dot_general3A_11 {strides = array<i32>} : memref<1x128xf32, #tpu.memory_space<vmem>>, vector<1x128xf32>,
    } else {
    }
    %gt3A = arith.constant 0 : i32
    %gt3A_14 = arith.cmpi sgt, %arg0, %gt3A : i32
    %convert_element_type3A_15 = arith.extui %gt3A_14 : i1 to i32
    %cond3A_16 = arith.constant 0 : i32
    %cond3A_17 = arith.cmpi ne, %convert_element_type3A_15, %cond3A_16 : i32
    scf.if %cond3A_17 {
      %get3A_23 = arith.constant 0 : index
      %get3A_24 = arith.constant 0 : index
      %get3A_25 = vector.load %arg8[%get3A_23, %get3A_24] : memref<2048x128xf32, #tpu.memory_space<vmem>>, vector<2048x128xf32>
      %add3A = arith.addf %get3A_25, %dot_general3A_6 : vector<2048x128xf32>
      %swap3A = arith.constant 0 : index
      %swap3A_26 = arith.constant 0 : index
      %swap3A_27 = vector.load %arg8[%swap3A, %swap3A_26] : memref<2048x128xf32, #tpu.memory_space<vmem>>, vector<2048x128xf32>
      tpu.vector_store %arg8[%swap3A, %swap3A_26], %add3A {strides = array<i32>} : memref<2048x128xf32, #tpu.memory_space<vmem>>, vector<2048x128xf32>,
      %get3A_28 = arith.constant 0 : index
      %get3A_29 = arith.constant 0 : index
      %get3A_30 = vector.load %arg9[%get3A_28, %get3A_29] : memref<1x128xf32, #tpu.memory_space<vmem>>, vector<1x128xf32>
      %add3A_31 = arith.addf %get3A_30, %dot_general3A_11 : vector<1x128xf32>
      %swap3A_32 = arith.constant 0 : index
      %swap3A_33 = arith.constant 0 : index
      %swap3A_34 = vector.load %arg9[%swap3A_32, %swap3A_33] : memref<1x128xf32, #tpu.memory_space<vmem>>, vector<1x128xf32>
      tpu.vector_store %arg9[%swap3A_32, %swap3A_33], %add3A_31 {strides = array<i32>} : memref<1x128xf32, #tpu.memory_space<vmem>>, vector<1x128xf32>,
    } else {
    }
    %eq3A_18 = arith.constant 31 : i32
    %eq3A_19 = arith.cmpi eq, %arg0, %eq3A_18 : i32
    %convert_element_type3A_20 = arith.extui %eq3A_19 : i1 to i32
    %cond3A_21 = arith.constant 0 : i32
    %cond3A_22 = arith.cmpi ne, %convert_element_type3A_20, %cond3A_21 : i32
    scf.if %cond3A_22 {
      %get3A_23 = arith.constant 0 : index
      %get3A_24 = arith.constant 0 : index
      %get3A_25 = vector.load %arg8[%get3A_23, %get3A_24] : memref<2048x128xf32, #tpu.memory_space<vmem>>, vector<2048x1xf32>
      %get3A_26 = arith.constant 0 : index
      %get3A_27 = arith.constant 0 : index
      %get3A_28 = vector.load %arg3[%get3A_26, %get3A_27] : memref<2048x1xf32, #tpu.memory_space<vmem>>, vector<2048x1xf32>
      %add3A = arith.addf %get3A_25, %get3A_28 : vector<2048x1xf32>
      %reduce_max3A = vector.shape_cast %add3A : vector<2048x1xf32> to vector<1x2048x1xf32>
      %reduce_max3A_29 = arith.constant dense<0xFF800000> : vector<1xf32>
      %reduce_max3A_30 = vector.multi_reduction <maximumf>, %reduce_max3A, %reduce_max3A_29 [1, 2] : vector<1x2048x1xf32> to vector<1xf32>
      %reduce_max3A_31 = vector.shape_cast %reduce_max3A_30 : vector<1xf32> to vector<1x1x1xf32>
      %reduce_max3A_32 = vector.extract %reduce_max3A_31[0, 0, 0] : f32 from vector<1x1x1xf32>
      %sub3A = vector.broadcast %reduce_max3A_32 : f32 to vector<2048x1xf32>
      %sub3A_33 = arith.subf %add3A, %sub3A : vector<2048x1xf32>
      %exp3A = math.exp %sub3A_33 : vector<2048x1xf32>
      %reduce_sum3A = vector.shape_cast %exp3A : vector<2048x1xf32> to vector<1x2048x1xf32>
      %reduce_sum3A_34 = arith.constant dense<0.000000e+00> : vector<1xf32>
      %reduce_sum3A_35 = vector.multi_reduction <add>, %reduce_sum3A, %reduce_sum3A_34 [1, 2] : vector<1x2048x1xf32> to vector<1xf32>
      %reduce_sum3A_36 = vector.shape_cast %reduce_sum3A_35 : vector<1xf32> to vector<1x1x1xf32>
      %reduce_sum3A_37 = vector.extract %reduce_sum3A_36[0, 0, 0] : f32 from vector<1x1x1xf32>
      %div3A = vector.broadcast %reduce_sum3A_37 : f32 to vector<2048x1xf32>
      %div3A_38 = arith.divf %exp3A, %div3A : vector<2048x1xf32>
      %swap3A = arith.constant 0 : index
      %swap3A_39 = arith.constant 0 : index
      %swap3A_40 = vector.load %arg6[%swap3A, %swap3A_39] : memref<2048x1xf32, #tpu.memory_space<vmem>>, vector<2048x1xf32>
      tpu.vector_store %arg6[%swap3A, %swap3A_39], %div3A_38 {strides = array<i32>} : memref<2048x1xf32, #tpu.memory_space<vmem>>, vector<2048x1xf32>,
      %get3A_41 = arith.constant 0 : index
      %get3A_42 = arith.constant 0 : index
      %get3A_43 = vector.load %arg9[%get3A_41, %get3A_42] : memref<1x128xf32, #tpu.memory_space<vmem>>, vector<1x1xf32>
      %get3A_44 = arith.constant 0 : index
      %get3A_45 = arith.constant 0 : index
      %get3A_46 = vector.load %arg5[%get3A_44, %get3A_45] : memref<1x1xf32, #tpu.memory_space<vmem>>, vector<1x1xf32>
      %add3A_47 = arith.addf %get3A_43, %get3A_46 : vector<1x1xf32>
      %swap3A_48 = arith.constant 0 : index
      %swap3A_49 = arith.constant 0 : index
      %swap3A_50 = vector.load %arg7[%swap3A_48, %swap3A_49] : memref<1x1xf32, #tpu.memory_space<vmem>>, vector<1x1xf32>
      tpu.vector_store %arg7[%swap3A_48, %swap3A_49], %add3A_47 {strides = array<i32>} : memref<1x1xf32, #tpu.memory_space<vmem>>, vector<1x1xf32>,
    } else {
    }
    return
  }
  func.func @transform_0(%arg0: i32) -> (i32, i32) {
    %c0_i32 = arith.constant 0 : i32
    %c0_i32_0 = arith.constant 0 : i32
    return %c0_i32, %arg0 : i32, i32
  }
  func.func @transform_1(%arg0: i32) -> (i32, i32) {
    %c0_i32 = arith.constant 0 : i32
    %c0_i32_0 = arith.constant 0 : i32
    return %arg0, %c0_i32 : i32, i32
  }
  func.func @transform_2(%arg0: i32) -> (i32, i32) {
    %c0_i32 = arith.constant 0 : i32
    %c0_i32_0 = arith.constant 0 : i32
    %c0_i32_1 = arith.constant 0 : i32
    return %c0_i32, %c0_i32_0 : i32, i32
  }
  func.func @transform_3(%arg0: i32) -> (i32, i32) {
    %c0_i32 = arith.constant 0 : i32
    %c0_i32_0 = arith.constant 0 : i32
    return %c0_i32, %arg0 : i32, i32
  }
  func.func @transform_4(%arg0: i32) -> (i32, i32) {
    %c0_i32 = arith.constant 0 : i32
    %c0_i32_0 = arith.constant 0 : i32
    %c0_i32_1 = arith.constant 0 : i32
    return %c0_i32, %c0_i32_0 : i32, i32
  }
  func.func @transform_5(%arg0: i32) -> (i32, i32) {
    %c0_i32 = arith.constant 0 : i32
    %c0_i32_0 = arith.constant 0 : i32
    %c0_i32_1 = arith.constant 0 : i32
    return %c0_i32, %c0_i32_0 : i32, i32
  }
  func.func @transform_6(%arg0: i32) -> (i32, i32) {
    %c0_i32 = arith.constant 0 : i32
    %c0_i32_0 = arith.constant 0 : i32
    %c0_i32_1 = arith.constant 0 : i32
    return %c0_i32, %c0_i32_0 : i32, i32
  }
}

</mosaic_0001>

<sc_bundles>
// kernel: gather_offload_async_start
scs
__scs_entry_jumppad:
0x0: {  	(pc) =	sbr.rel $0x88, $3  }
0x1: {  	(tag) =	ssettag $0x0;
	lr =	simm.s32 $0x1  }
0x2: {  	[smem:$0x3F94] =	sst lr;
	_ =	strace $0xD0000000  }
0x3: {  	_ = 	snop  }
0x4: {  	_ = 	snop  }
0x5: {  	_ = 	snop  }
0x6: {  	_ = 	snop  }
0x7: {  	_ = 	snop  }
__scs_overlays_trampoline_lowered:
0x8: {  	[smem:$0x3FA3] =	sst s0  }
0x9: {  	[smem:$0x3FA4] =	sst s1  }
0xa: {  	[smem:$0x3FA5] =	sst s2  }
0xb: {  	[smem:$0x3FA6] =	sst s3  }
0xc: {  	[smem:$0x3FA7] =	sst s4  }
0xd: {  	[smem:$0x3FA8] =	sst s5  }
0xe: {  	[smem:$0x3FA9] =	sst s6  }
0xf: {  	[smem:$0x3FAA] =	sst s7  }
0x10: {  	[smem:$0x3FAB] =	sst s8  }
0x11: {  	[smem:$0x3FAC] =	sst s9;
	s0 =	simm.s32 @!p0 $0x0  }
0x12: {  	s1 =	sld [smem:$0x3F92];
	s0 =	simm.s32 @p0 $0x1  }
0x13: {  	[smem:$0x3FAD] =	sst s0;
	s0 =	simm.s32 @!p1 $0x0  }
0x14: {  	s2 =	sld [smem:$0x3F91];
	s0 =	simm.s32 @p1 $0x1  }
0x15: {  	[smem:$0x3FAE] =	sst s0;
	s0 =	simm.s32 @!p2 $0x0  }
0x16: {  	s3 =	sld [smem:$0x3FDB];
	s0 =	simm.s32 @p2 $0x1  }
0x17: {  	s4 =	simm.s32 $0x1BF5;
	[smem:$0x3FB0] =	sst s0  }
0x18: {  	s0 =	sld [smem:$0x3F93];
	_ =	swait.ge [sflag:s4], $0x0  }
0x19: {  	s7 =	sld [smem:$0x3F94]  }
0x1a: {  	s8 =	sadd.s32 $0xFFFFE003, lr  }
0x1b: {  	s9 =	sadd.s32 $0xFFFFFEF7, lr;
	s5 =	simm.s32 $0xFFFFFFFF;
	p2 =	slt.u32 s8, $0xFFFFF086  }
0x1c: {  	p1 =	slt.u32 s9, $0xF7A;
	s5 =	simm.s32 @!p2 $0x0  }
0x1d: {  	s5 =	simm.s32 @p1 $0x1;
	p0 =	seq.s32 s7, s2  }
0x1e: {  	s7 =	smul.u32 @!p0 $0xF7A, s2;
	p2 =	seq.s32 @!p0 s5, $0x0  }
0x1f: {  	s9 =	smul.u32 $0xF7A, s1;
	s8 =	simm.s32 @!p0 $0x1BF5;
	p2 =	por !p2, p0  }
0x20: {  	[sflag:s8] =	ssyncset.s32 @!p0 $0xFFFFF086;
	s6 =	sadd.s32 @!p0 s3, s7;
	s7 =	simm.s32 @!p0 $0x108  }
0x21: {  	s3 =	sadd.s32 s3, s9;
	s6 =	sadd.s32 @!p0 $0x88, s6;
	s7 =	simm.s32 @p2 $0x1082  }
0x22: {  	[simem:s7], [sflag:s8] =	dma.local @!p0 [hbm:s6], $0xF7A  }
0x23: {  	s9 =	sor.u32 $0xD0000000, s2;
	s6 =	simm.s32 $0x108;
	_ =	swait.ge @!p0 [sflag:s8], $0x0  }
0x24: {  	s3 =	sadd.s32 $0x88, s3;
	s6 =	simm.s32 @!p1 $0x1082;
	[sflag:s4] =	ssyncset.s32 $0xFFFFF086  }
0x25: {  	[simem:s6], [sflag:s4] =	dma.local [hbm:s3], $0xF7A  }
0x26: {  	[smem:$0x3F94] =	sst s1;
	(tag) =	ssettag s2;
	_ =	strace s9  }
0x27: {  	s1 =	sld [smem:$0x3FA4]  }
0x28: {  	s2 =	sld [smem:$0x3FA5]  }
0x29: {  	s4 =	sld [smem:$0x3FA7]  }
0x2a: {  	p0 =	seq.s32 s5, $0x0;
	s5 =	sld [smem:$0x3FA8]  }
0x2b: {  	s6 =	sld [smem:$0x3FA9]  }
0x2c: {  	s7 =	sld [smem:$0x3FAA]  }
0x2d: {  	s3 =	simm.s32 $0x108;
	s8 =	sld [smem:$0x3FAB]  }
0x2e: {  	s3 =	simm.s32 @!p0 $0x1082;
	s9 =	sld [smem:$0x3FAC]  }
0x2f: {  	lr =	sadd.s32 s0, s3;
	s0 =	sld [smem:$0x3FA3]  }
0x30: {  	s3 =	sld [smem:$0x3FA6]  }
0x31: {  	[smem:$0x3FAF] =	sst s10  }
0x32: {  	s10 =	sld [smem:$0x3FAD];
	_ =	sdelay $0x3  }
0x33: {  	p0 =	seq.s32 s10, $0x1;
	s10 =	sld [smem:$0x3FAF];
	_ =	sdelay $0x3  }
0x34: {  	[smem:$0x3FAF] =	sst s10  }
0x35: {  	s10 =	sld [smem:$0x3FAE];
	_ =	sdelay $0x3  }
0x36: {  	p1 =	seq.s32 s10, $0x1;
	s10 =	sld [smem:$0x3FAF];
	_ =	sdelay $0x3  }
0x37: {  	[smem:$0x3FAF] =	sst s10  }
0x38: {  	s10 =	sld [smem:$0x3FB0]  }
0x39: {  	_ = 	snop;
	(pc) =	sbr.ind lr, $3  }
0x3a: {  	_ = 	snop  }
0x3b: {  	_ = 	snop  }
0x3c: {  	p2 =	seq.s32 s10, $0x1;
	s10 =	sld [smem:$0x3FAF]  }
0x3d: {  	_ =	shalt  }
0x3e: {  	_ =	shalt  }
0x3f: {  	_ =	shalt  }
0x40: {  	_ =	shalt  }
0x41: {  	_ =	shalt  }
0x42: {  	_ =	shalt  }
0x43: {  	_ =	shalt  }
0x44: {  	_ =	shalt  }
0x45: {  	_ =	shalt  }
0x46: {  	_ =	shalt  }
0x47: {  	_ =	shalt  }
0x48: {  	_ =	shalt  }
0x49: {  	_ =	shalt  }
0x4a: {  	_ =	shalt  }
0x4b: {  	_ =	shalt  }
0x4c: {  	_ =	shalt  }
0x4d: {  	_ =	shalt  }
0x4e: {  	_ =	shalt  }
0x4f: {  	_ =	shalt  }
0x50: {  	_ =	shalt  }
0x51: {  	_ =	shalt  }
0x52: {  	_ =	shalt  }
0x53: {  	_ =	shalt  }
0x54: {  	_ =	shalt  }
0x55: {  	_ =	shalt  }
0x56: {  	_ =	shalt  }
0x57: {  	_ =	shalt  }
0x58: {  	_ =	shalt  }
0x59: {  	_ =	shalt  }
0x5a: {  	_ =	shalt  }
0x5b: {  	_ =	shalt  }
0x5c: {  	_ =	shalt  }
0x5d: {  	_ =	shalt  }
0x5e: {  	_ =	shalt  }
0x5f: {  	_ =	shalt  }
0x60: {  	_ =	shalt  }
0x61: {  	_ =	shalt  }
0x62: {  	_ =	shalt  }
0x63: {  	_ =	shalt  }
0x64: {  	_ =	shalt  }
0x65: {  	_ =	shalt  }
0x66: {  	_ =	shalt  }
0x67: {  	_ =	shalt  }
0x68: {  	_ =	shalt  }
0x69: {  	_ =	shalt  }
0x6a: {  	_ =	shalt  }
0x6b: {  	_ =	shalt  }
0x6c: {  	_ =	shalt  }
0x6d: {  	_ =	shalt  }
0x6e: {  	_ =	shalt  }
0x6f: {  	_ =	shalt  }
0x70: {  	_ =	shalt  }
0x71: {  	_ =	shalt  }
0x72: {  	_ =	shalt  }
0x73: {  	_ =	shalt  }
0x74: {  	_ =	shalt  }
0x75: {  	_ =	shalt  }
0x76: {  	_ =	shalt  }
0x77: {  	_ =	shalt  }
0x78: {  	_ =	shalt  }
0x79: {  	_ =	shalt  }
0x7a: {  	_ =	shalt  }
0x7b: {  	_ =	shalt  }
0x7c: {  	_ =	shalt  }
0x7d: {  	_ =	shalt  }
0x7e: {  	_ =	shalt  }
0x7f: {  	_ =	shalt  }
0x80: {  	_ =	shalt  }
0x81: {  	_ =	shalt  }
0x82: {  	_ =	shalt  }
0x83: {  	_ =	shalt  }
0x84: {  	_ =	shalt  }
0x85: {  	_ =	shalt  }
0x86: {  	_ =	shalt  }
0x87: {  	_ =	shalt  }
.Lfunc_end0:
.L_simem_size_0:
called_computation.3_lowered:
.L_overlay_start_0:
0x88: {  	s2 =	sld [smem:$0x3FD9]  }
0x89: {  	s3 =	sld [smem:$0x3FFE];
	_ =	sdelay $0x1  }
0x8a: {  	s1 =	srdreg.scid  }
0x8b: {  	s0 =	sand.u32 $0x1, s1  }
0x8c: {  	s16 =	sshll.u32 s0, $0xA;
	s2 =	sadd.s32 s3, s2  }
0x8d: {  	s2 =	sadd.s32 s2, s16  }
0x8e: {  	[smem:$0x3FBB] =	sst s2  }
0x8f: {  	_ = 	snop  }
0x90: {  	(tm) =	ssettm $0x1  }
0x91: {  	s17 =	sld [smem:$0x3FFB];
	_ =	sdelay $0x3  }
0x92: {  	_ =	strace s17  }
0x93: {  	s2 =	sld [smem:$0x3FFC];
	_ =	sdelay $0x3  }
0x94: {  	_ =	strace s2  }
0x95: {  	s2 =	sld [smem:$0x3FFD];
	_ =	sdelay $0x3  }
0x96: {  	_ =	strace s2  }
0x97: {  	_ =	strace $0x8FFFFFFF  }
0x98: {  	s18 =	sld [smem:$0x3FDB];
	_ =	sdelay $0x1  }
0x99: {  	s19 =	simm.s32 $_scs_section_size  }
0x9a: {  	s4 =	simm.s32 $_size__tile_overlayer_lowered;
	s5 =	simm.s32 $_tile_overlayer_lowered  }
0x9b: {  	s22 =	simm.s32 $0x1BFF;
	s21 =	sshll.u32 s5, $0x1;
	s2 =	sadd.s32 s19, s18  }
0x9c: {  	s6 =	simm.s32 $0x0;
	s20 =	sshll.u32 s4, $0x1;
	s4 =	sadd.s32 s21, s2  }
0x9d: {  	[timem:s6], [sflag:s22] =	dma.local [hbm:s4], s20  }
0x9e: {  	_ =	swait.ge [sflag:s22], s20  }
0x9f: {  	s3 =	ssub.s32 $0x0, s20;
	[sflag:s22] =	ssyncset.done $0x0  }
0xa0: {  	[sflag:s22] =	ssyncadd.s32 s3;
	_ =	sdelay $0x1  }
0xa1: {  	s23 =	simm.s32 $0x1B8B  }
0xa2: {  	_ =	swait.ge [sflag:s23], $0x1  }
0xa3: {  	[sflag:s23] =	ssyncset.done $0x0  }
0xa4: {  	s25 =	simm.s32 $0x1B8E;
	s24 =	sld [smem:$0x3FFE];
	[sflag:s23] =	ssyncadd.s32 $0xFFFFFFFF  }
0xa5: {  	s26 =	simm.s32 $execute0_lowered;
	[smem:$0x3FD2] =	sst s25  }
0xa6: {  	s4 =	sshll.u32 s26, $0x1;
	_ =	strace $0x80000052;
	[dreg:$0x1] =	wrdreg $0xFFFFFFFF  }
0xa7: {  	s28 =	simm.s32 $_size_execute0_lowered;
	s2 =	sadd.s32 s2, s4;
	[dreg:$0x0] =	wrdreg $0x0  }
0xa8: {  	s4 =	sshll.u32 s28, $0x1;
	[dreg:$0x2] =	wrdreg s2  }
0xa9: {  	[dreg:$0x3] =	wrdreg s4  }
0xaa: {  	[dreg:$0x4] =	wrdreg $0xC0  }
0xab: {  	_ =	task [dreg:s6], $0x5FFFF  }
0xac: {  	[dreg:$0x1] =	wrdreg $0xFFFFFFFF  }
0xad: {  	[dreg:$0x0] =	wrdreg $0x60  }
0xae: {  	[dreg:$0x2] =	wrdreg s24  }
0xaf: {  	[dreg:$0x3] =	wrdreg $0x9  }
0xb0: {  	_ =	task.clear_ibuf [dreg:s6], $0x4FFFF;
	_ =	strace $0x90000052  }
0xb1: {  	s29 =	simm.s32 $0x9;
	_ =	strace $0x80000054  }
0xb2: {  	_ =	swait.ge [sflag:s29], $0x1  }
0xb3: {  	[sflag:s29] =	ssyncadd.s32 $0xFFFFFFFF  }
0xb4: {  	_ =	strace $0x90000054  }
0xb5: {  	_ =	sfence  }
0xb6: {  	s30 =	sld [smem:$0x0];
	_ =	sdelay $0x2  }
0xb7: {  	s31 =	sshll.u32 s1, $0xD;
	s1 =	sshrl.u32 s1, $0x2  }
0xb8: {  	s3 =	sand.u32 $0x4000, s31;
	s1 =	sadd.s32 s1, s30  }
0xb9: {  	s0 =	sor.u32 s3, s0;
	s1 =	sshll.u32 s1, $0x11  }
0xba: {  	s0 =	sor.u32 s1, s0  }
0xbb: {  	s0 =	sadd.s32 $0x8F2B, s0  }
0xbc: {  	[sflag:s0] =	ssyncadd.remote.s32 $0x1  }
0xbd: {  	_ =	sfence.sel $0xFFFF  }
0xbe: {  	[dreg:$0x0] =	wrdreg $0xFFFFFFFF;
	(pc) =	sbr.abs _section_cstart, $3  }
0xbf: {  	[dreg:$0x1] =	wrdreg $0xFFFFFFFF  }
0xc0: {  	_ =	task.clear_ibuf [dreg:s6], $0x2FFFF;
	_ =	strace $0x9FFFFFFF  }
0xc1: {  	(tm) =	ssettm $0x7FFFFFFF  }
tec
execute0_lowered:
.L_overlay_start_1:
0x0: {  	(tag) =	ssettag $0x1  }
0x1: {  	s0 =	srdreg.scid;
	s5 =	rddreg [dreg:$0x0]  }
0x2: {  	s1 =	stileid.u32;
	s6 =	simm.s32 $0x1;
	s9 =	simm.s32 $0x1  }
0x3: {  	s10 =	simm.s32 $0x3;
	s13 =	simm.s32 $0x0;
	s2 =	sshll.u32 s0, $0x9  }
0x4: {  	s12 =	simm.s32 $0x0;
	s3 =	sshll.u32 s1, $0xA;
	s2 =	sand.u32 $0x200, s2  }
0x5: {  	s0 =	rddreg [dreg:$0x1];
	_ =	strace $0x80000053;
	s2 =	sor.u32 s3, s2  }
0x6: {  	s4 =	sadd.s32 $0xC00, s5;
	[sflag:s6] =	ssyncpa.u1 $0x0;
	s8 =	ssub.s32 $0x8000, s2  }
.Ltmp0:
0x7: {  	s3 =	sadd.s32 $0x1C00, s5;
	s7 =	sand.u32 $0x3E00, s8;
	(pc) =	sbr.rel .LBB2_1-.Ltmp0, $4  }
0x8: {  	s5 =	sadd.s32 $0x2C00, s5;
	s11 =	smov.u32 s2;
	p0 =	sne.s32 s7, $0x0  }
0x9: {  	s8 =	sshrl.u32 s8, $0xE;
	s7 =	simm.s32 $0x2;
	s9 =	simm.s32 @!p0 $0x0  }
0xa: {  	[sflag:s7] =	ssyncpa.u1 $0x0;
	p0 =	por $0x0, $0x0;
	s8 =	sadd.s32 s9, s8  }
0xb: {  	vm0 =	vmmov $0xffff;
	[sflag:s10] =	ssyncpa.u1 $0x0;
	s10 =	simm.s32 $0x0;
	s9 =	sadd.s32 $0x1, s8  }
.LBB2_4:
0xc: {  	v2 =	vnsel vm1, $0x0, v2  }
0xd: {  	vm1 =	vgt.s32 v0, $0x0;
	v2 =	vmin.u32 v2, $0x7FFF  }
0xe: {  	v0 =	vnsel vm1, $0x0, v0  }
0xf: {  	v0 =	vmin.u32 v0, $0x7FFF  }
0x10: {  	[tilespmem:s15], [sflag:$0x1] =	stream.indirect_vreg.gather [hbm4b:s3+s10], $0x1, v1, vm0, $0x4038;
	[tilespmem:$0x800] =	vst v63  }
0x11: {  	(ifvalue) =	ssetifvalue $0x7FFFFFFF  }
0x12: {  	[tilespmem:s16], [sflag:$0x1] =	stream.indirect_vreg.gather [hbm4b:s3+s10], $0x1, v2, vm0, $0x4038;
	[tilespmem:$0x800] =	vst v63  }
0x13: {  	s29 =	sadd.s32 $0x10, s16;
	(ifvalue) =	ssetifvalue $0x7FFFFFFF  }
0x14: {  	[tilespmem:s29], [sflag:$0x1] =	stream.indirect_vreg.gather [hbm4b:s3+s10], $0x1, v0, vm0, $0x4038;
	[tilespmem:$0x800] =	vst v63  }
0x15: {  	_ =	swait.ge [sflag:s6], $0x200  }
0x16: {  	s30 =	sshrl.u32 s13, $0x3;
	[sflag:s6] =	ssyncset.done $0x0  }
0x17: {  	s31 =	sand.u32 $0x7, s13;
	s15 =	sadd.s32 s5, s30;
	[sflag:s6] =	ssyncadd.s32 $0xFFFFFE00  }
0x18: {  	[hbm4b:s15+s31] =	stream.linear.scatter [tilespmem:s14], [sflag:$0x3], $0x200, $0x38;
	[tilespmem:$0x800] =	vst v63  }
.LBB2_5:
0x19: {  	s15 =	sadd.s32 $0x4000, s11  }
0x1a: {  	p2 =	sgt.s32 s15, $0x7FFF  }
0x1b: {  	s15 =	smov.u32 @p2 s2;
	p2 =	sne.s32 s12, s9  }
.Ltmp1:
0x1c: {  	p1 =	slt.u32 s12, $0x2;
	(pc) =	sbr.rel @!p2 .LBB2_6-.Ltmp1, $4  }
0x1d: {  	s14 =	simm.s32 @!p1 $0x3  }
0x1e: {  	s16 =	sadd.s32 $0x1, s12;
	_ =	swait.ge @!p1 [sflag:s14], $0x200  }
0x1f: {  	s13 =	smov.u32 s11;
	p0 =	por !p0, !p0;
	[sflag:s14] =	ssyncset.done @!p1 $0x0  }
0x20: {  	s12 =	smov.u32 s16;
	s11 =	smov.u32 s15;
	[sflag:s14] =	ssyncadd.s32 @!p1 $0xFFFFFE00  }
.LBB2_1:
0x21: {  	p1 =	sge.u32 s12, s8  }
0x22: {  	s14 =	sxor.u32 @!p1 $0xFFFFFFFF, s12  }
0x23: {  	s31 =	sadd.s32 $0xFFFFFFFF, s12;
	s15 =	sshrl.u32 @!p1 s11, $0x3;
	s14 =	sshll.u32 @!p1 s14, $0x9  }
0x24: {  	s16 =	sand.u32 @!p1 $0x7, s11;
	s15 =	sadd.s32 @!p1 s4, s15;
	s14 =	sand.u32 @!p1 $0x200, s14  }
0x25: {  	[tilespmem:s14], [sflag:$0x2] =	stream.linear.gather @!p1 [hbm4b:s15+s16], $0x200, $0x38;
	[tilespmem:$0x800] =	vst v63  }
0x26: {  	p1 =	sge.u32 s31, s8  }
.Ltmp2:
0x27: {  	_ = 	snop;
	(pc) =	sbr.rel @p1 .LBB2_5-.Ltmp2, $1  }
0x28: {  	_ =	sdelay $0x3  }
0x29: {  	s14 =	simm.s32 $0x1  }
0x2a: {  	_ =	swait.ge [sflag:s7], $0x200;
	s14 =	simm.s32 @!p0 $0x0  }
0x2b: {  	[sflag:s7] =	ssyncset.done $0x0;
	s14 =	sshll.u32 s14, $0x9  }
0x2c: {  	[sflag:s7] =	ssyncadd.s32 $0xFFFFFE00;
	(ifvalue) =	ssetifvalue $0x7FFFFFFF;
	v0 =	vld.msk [tilespmem:s14+$0x0 ss:$0x1], $0xffff;
	_ =	sdelay $0x4  }
0x2d: {  	s15 =	sadd.s32 $0x10, s14;
	vm1 =	vgt.s32 v0, $0x0  }
0x2e: {  	v2 =	vld.msk [tilespmem:s15+$0x0 ss:$0x1], $0xffff;
	v1 =	vnsel vm1, $0x0, v0  }
0x2f: {  	v1 =	vmin.u32 v1, $0x7FFF;
	_ =	sdelay $0x1  }
0x30: {  	s16 =	sshll.u32 s12, $0x9;
	s18 =	simm.s32 $0x20  }
0x31: {  	s16 =	sand.u32 $0x200, s16;
	s17 =	sadd.s32 $0x10, s15;
	s15 =	sor.u32 $0x400, s14  }
0x32: {  	s14 =	sor.u32 $0x400, s16;
	s16 =	sadd.s32 $0x10, s15;
	v0 =	vld.msk [tilespmem:s17+$0x0 ss:$0x1], $0xffff;
	vm1 =	vgt.s32 v2, $0x0;
	(ifvalue) =	ssetifvalue $0x7FFFFFFF  }
.LBB2_3:
0x33: {  	[tilespmem:s15], [sflag:$0x1] =	stream.indirect_vreg.gather [hbm4b:s3+s10], $0x1, v1, vm0, $0x4038;
	[tilespmem:$0x800] =	vst v63  }
0x34: {  	s18 =	sadd.s32 $0x10, s18  }
0x35: {  	v2 =	vnsel vm1, $0x0, v2;
	p1 =	slt.u32 s18, $0x1F0  }
.Ltmp3:
0x36: {  	s15 =	smov.u32 s16;
	v1 =	vmin.u32 v2, $0x7FFF;
	(pc) =	sbr.rel @p1 .LBB2_3-.Ltmp3, $3  }
0x37: {  	_ =	sdelay $0x1  }
0x38: {  	s17 =	sadd.s32 $0x10, s17  }
0x39: {  	vm1 =	vgt.s32 v0, $0x0;
	s16 =	sadd.s32 $0x10, s16;
	v2 =	vmov v0;
	(ifvalue) =	ssetifvalue $0x7FFFFFFF;
	v0 =	vld.msk [tilespmem:s17+$0x0 ss:$0x1], $0xffff  }
.Ltmp4:
0x3a: {  	_ = 	snop;
	(pc) =	sbr.rel .LBB2_4-.Ltmp4, $1  }
0x3b: {  	_ =	sdelay $0x3  }
.LBB2_6:
0x3c: {  	_ =	sfence.sel $0x180000  }
0x3d: {  	s2 =	simm.s32 $0x2;
	[bflag:$0x0] =	sbarrier.arrive $0xFFFF  }
0x3e: {  	s30 =	simm.s32 $0x3;
	[sflag:s2] =	ssyncpa.u1 $0x1  }
0x3f: {  	s31 =	simm.s32 $0x1;
	[sflag:s30] =	ssyncpa.u1 $0x1  }
0x40: {  	[sflag:s31] =	ssyncpa.u1 $0x1  }
0x41: {  	p0 =	sne.s32 s1, $0x0;
	_ =	strace $0x90000053  }
0x42: {  	s0 =	sadd.s32 @!p0 $0x100000, s0;
	[bflag:$0x2] =	sbarrier.arrive $0xFFFF  }
0x43: {  	[sflag:s0] =	ssyncadd.tile.s32 @!p0 $0x1;
	_ =	shalt  }
.Lfunc_end2:
_tile_overlayer_lowered:
.L_overlay_start_2:
0x44: {  	(tag) =	ssettag $0x2  }
0x45: {  	s0 =	rddreg [dreg:$0x0];
	s2 =	stileid.u32  }
0x46: {  	s1 =	rddreg [dreg:$0x1];
	p0 =	sne.s32 s2, $0x0  }
0x47: {  	s3 =	rddreg [dreg:$0x2];
	[bflag:$0x3] =	sbarrier.arrive $0xFFFF;
	s2 =	simm.s32 @!p0 $0x1C01  }
0x48: {  	[timem:s3], [sflag:s2] =	dma.local @!p0 [hbm:s0], s1  }
0x49: {  	s0 =	simm.s32 @!p0 $0x1  }
0x4a: {  	_ =	swait.ge @!p0 [sflag:s0], s1  }
0x4b: {  	s1 =	ssub.s32 @!p0 $0x0, s1;
	[sflag:s0] =	ssyncset.done @!p0 $0x0  }
0x4c: {  	[sflag:s0] =	ssyncadd.s32 @!p0 s1  }
0x4d: {  	[bflag:$0x3] =	sbarrier.arrive $0xFFFF  }
0x4e: {  	_ =	shalt  }

// kernel: scatter_offload_async_start.1
scs
__scs_entry_jumppad:
0x0: {  	(pc) =	sbr.rel $0x88, $3  }
0x1: {  	(tag) =	ssettag $0x0;
	lr =	simm.s32 $0x1  }
0x2: {  	[smem:$0x3F94] =	sst lr;
	_ =	strace $0xD0000000  }
0x3: {  	_ = 	snop  }
0x4: {  	_ = 	snop  }
0x5: {  	_ = 	snop  }
0x6: {  	_ = 	snop  }
0x7: {  	_ = 	snop  }
__scs_overlays_trampoline_lowered:
0x8: {  	[smem:$0x3FA3] =	sst s0  }
0x9: {  	[smem:$0x3FA4] =	sst s1  }
0xa: {  	[smem:$0x3FA5] =	sst s2  }
0xb: {  	[smem:$0x3FA6] =	sst s3  }
0xc: {  	[smem:$0x3FA7] =	sst s4  }
0xd: {  	[smem:$0x3FA8] =	sst s5  }
0xe: {  	[smem:$0x3FA9] =	sst s6  }
0xf: {  	[smem:$0x3FAA] =	sst s7  }
0x10: {  	[smem:$0x3FAB] =	sst s8  }
0x11: {  	[smem:$0x3FAC] =	sst s9;
	s0 =	simm.s32 @!p0 $0x0  }
0x12: {  	s1 =	sld [smem:$0x3F92];
	s0 =	simm.s32 @p0 $0x1  }
0x13: {  	[smem:$0x3FAD] =	sst s0;
	s0 =	simm.s32 @!p1 $0x0  }
0x14: {  	s2 =	sld [smem:$0x3F91];
	s0 =	simm.s32 @p1 $0x1  }
0x15: {  	[smem:$0x3FAE] =	sst s0;
	s0 =	simm.s32 @!p2 $0x0  }
0x16: {  	s3 =	sld [smem:$0x3FDB];
	s0 =	simm.s32 @p2 $0x1  }
0x17: {  	s4 =	simm.s32 $0x1BF5;
	[smem:$0x3FB0] =	sst s0  }
0x18: {  	s0 =	sld [smem:$0x3F93];
	_ =	swait.ge [sflag:s4], $0x0  }
0x19: {  	s7 =	sld [smem:$0x3F94]  }
0x1a: {  	s8 =	sadd.s32 $0xFFFFE003, lr  }
0x1b: {  	s9 =	sadd.s32 $0xFFFFFEF7, lr;
	s5 =	simm.s32 $0xFFFFFFFF;
	p2 =	slt.u32 s8, $0xFFFFF086  }
0x1c: {  	p1 =	slt.u32 s9, $0xF7A;
	s5 =	simm.s32 @!p2 $0x0  }
0x1d: {  	s5 =	simm.s32 @p1 $0x1;
	p0 =	seq.s32 s7, s2  }
0x1e: {  	s7 =	smul.u32 @!p0 $0xF7A, s2;
	p2 =	seq.s32 @!p0 s5, $0x0  }
0x1f: {  	s9 =	smul.u32 $0xF7A, s1;
	s8 =	simm.s32 @!p0 $0x1BF5;
	p2 =	por !p2, p0  }
0x20: {  	[sflag:s8] =	ssyncset.s32 @!p0 $0xFFFFF086;
	s6 =	sadd.s32 @!p0 s3, s7;
	s7 =	simm.s32 @!p0 $0x108  }
0x21: {  	s3 =	sadd.s32 s3, s9;
	s6 =	sadd.s32 @!p0 $0x88, s6;
	s7 =	simm.s32 @p2 $0x1082  }
0x22: {  	[simem:s7], [sflag:s8] =	dma.local @!p0 [hbm:s6], $0xF7A  }
0x23: {  	s9 =	sor.u32 $0xD0000000, s2;
	s6 =	simm.s32 $0x108;
	_ =	swait.ge @!p0 [sflag:s8], $0x0  }
0x24: {  	s3 =	sadd.s32 $0x88, s3;
	s6 =	simm.s32 @!p1 $0x1082;
	[sflag:s4] =	ssyncset.s32 $0xFFFFF086  }
0x25: {  	[simem:s6], [sflag:s4] =	dma.local [hbm:s3], $0xF7A  }
0x26: {  	[smem:$0x3F94] =	sst s1;
	(tag) =	ssettag s2;
	_ =	strace s9  }
0x27: {  	s1 =	sld [smem:$0x3FA4]  }
0x28: {  	s2 =	sld [smem:$0x3FA5]  }
0x29: {  	s4 =	sld [smem:$0x3FA7]  }
0x2a: {  	p0 =	seq.s32 s5, $0x0;
	s5 =	sld [smem:$0x3FA8]  }
0x2b: {  	s6 =	sld [smem:$0x3FA9]  }
0x2c: {  	s7 =	sld [smem:$0x3FAA]  }
0x2d: {  	s3 =	simm.s32 $0x108;
	s8 =	sld [smem:$0x3FAB]  }
0x2e: {  	s3 =	simm.s32 @!p0 $0x1082;
	s9 =	sld [smem:$0x3FAC]  }
0x2f: {  	lr =	sadd.s32 s0, s3;
	s0 =	sld [smem:$0x3FA3]  }
0x30: {  	s3 =	sld [smem:$0x3FA6]  }
0x31: {  	[smem:$0x3FAF] =	sst s10  }
0x32: {  	s10 =	sld [smem:$0x3FAD];
	_ =	sdelay $0x3  }
0x33: {  	p0 =	seq.s32 s10, $0x1;
	s10 =	sld [smem:$0x3FAF];
	_ =	sdelay $0x3  }
0x34: {  	[smem:$0x3FAF] =	sst s10  }
0x35: {  	s10 =	sld [smem:$0x3FAE];
	_ =	sdelay $0x3  }
0x36: {  	p1 =	seq.s32 s10, $0x1;
	s10 =	sld [smem:$0x3FAF];
	_ =	sdelay $0x3  }
0x37: {  	[smem:$0x3FAF] =	sst s10  }
0x38: {  	s10 =	sld [smem:$0x3FB0]  }
0x39: {  	_ = 	snop;
	(pc) =	sbr.ind lr, $3  }
0x3a: {  	_ = 	snop  }
0x3b: {  	_ = 	snop  }
0x3c: {  	p2 =	seq.s32 s10, $0x1;
	s10 =	sld [smem:$0x3FAF]  }
0x3d: {  	_ =	shalt  }
0x3e: {  	_ =	shalt  }
0x3f: {  	_ =	shalt  }
0x40: {  	_ =	shalt  }
0x41: {  	_ =	shalt  }
0x42: {  	_ =	shalt  }
0x43: {  	_ =	shalt  }
0x44: {  	_ =	shalt  }
0x45: {  	_ =	shalt  }
0x46: {  	_ =	shalt  }
0x47: {  	_ =	shalt  }
0x48: {  	_ =	shalt  }
0x49: {  	_ =	shalt  }
0x4a: {  	_ =	shalt  }
0x4b: {  	_ =	shalt  }
0x4c: {  	_ =	shalt  }
0x4d: {  	_ =	shalt  }
0x4e: {  	_ =	shalt  }
0x4f: {  	_ =	shalt  }
0x50: {  	_ =	shalt  }
0x51: {  	_ =	shalt  }
0x52: {  	_ =	shalt  }
0x53: {  	_ =	shalt  }
0x54: {  	_ =	shalt  }
0x55: {  	_ =	shalt  }
0x56: {  	_ =	shalt  }
0x57: {  	_ =	shalt  }
0x58: {  	_ =	shalt  }
0x59: {  	_ =	shalt  }
0x5a: {  	_ =	shalt  }
0x5b: {  	_ =	shalt  }
0x5c: {  	_ =	shalt  }
0x5d: {  	_ =	shalt  }
0x5e: {  	_ =	shalt  }
0x5f: {  	_ =	shalt  }
0x60: {  	_ =	shalt  }
0x61: {  	_ =	shalt  }
0x62: {  	_ =	shalt  }
0x63: {  	_ =	shalt  }
0x64: {  	_ =	shalt  }
0x65: {  	_ =	shalt  }
0x66: {  	_ =	shalt  }
0x67: {  	_ =	shalt  }
0x68: {  	_ =	shalt  }
0x69: {  	_ =	shalt  }
0x6a: {  	_ =	shalt  }
0x6b: {  	_ =	shalt  }
0x6c: {  	_ =	shalt  }
0x6d: {  	_ =	shalt  }
0x6e: {  	_ =	shalt  }
0x6f: {  	_ =	shalt  }
0x70: {  	_ =	shalt  }
0x71: {  	_ =	shalt  }
0x72: {  	_ =	shalt  }
0x73: {  	_ =	shalt  }
0x74: {  	_ =	shalt  }
0x75: {  	_ =	shalt  }
0x76: {  	_ =	shalt  }
0x77: {  	_ =	shalt  }
0x78: {  	_ =	shalt  }
0x79: {  	_ =	shalt  }
0x7a: {  	_ =	shalt  }
0x7b: {  	_ =	shalt  }
0x7c: {  	_ =	shalt  }
0x7d: {  	_ =	shalt  }
0x7e: {  	_ =	shalt  }
0x7f: {  	_ =	shalt  }
0x80: {  	_ =	shalt  }
0x81: {  	_ =	shalt  }
0x82: {  	_ =	shalt  }
0x83: {  	_ =	shalt  }
0x84: {  	_ =	shalt  }
0x85: {  	_ =	shalt  }
0x86: {  	_ =	shalt  }
0x87: {  	_ =	shalt  }
.Lfunc_end0:
.L_simem_size_0:
called_computation.1_lowered:
.L_overlay_start_0:
0x88: {  	s2 =	sld [smem:$0x3FD9]  }
0x89: {  	s3 =	sld [smem:$0x3FFE];
	_ =	sdelay $0x1  }
0x8a: {  	s1 =	srdreg.scid  }
0x8b: {  	s0 =	sand.u32 $0x1, s1  }
0x8c: {  	s15 =	sshll.u32 s0, $0xA;
	s2 =	sadd.s32 s3, s2  }
0x8d: {  	s2 =	sadd.s32 s2, s15  }
0x8e: {  	[smem:$0x3FBB] =	sst s2  }
0x8f: {  	_ = 	snop  }
0x90: {  	(tm) =	ssettm $0x1  }
0x91: {  	s16 =	sld [smem:$0x3FFB];
	_ =	sdelay $0x3  }
0x92: {  	_ =	strace s16  }
0x93: {  	s2 =	sld [smem:$0x3FFC];
	_ =	sdelay $0x3  }
0x94: {  	_ =	strace s2  }
0x95: {  	s2 =	sld [smem:$0x3FFD];
	_ =	sdelay $0x3  }
0x96: {  	_ =	strace s2  }
0x97: {  	_ =	strace $0x8FFFFFFF  }
0x98: {  	s17 =	sld [smem:$0x3FDB];
	_ =	sdelay $0x1  }
0x99: {  	s18 =	simm.s32 $_scs_section_size  }
0x9a: {  	s4 =	simm.s32 $_size__tile_overlayer_lowered;
	s5 =	simm.s32 $_tile_overlayer_lowered  }
0x9b: {  	s6 =	simm.s32 $0x1BFF;
	s19 =	sshll.u32 s5, $0x1;
	s3 =	sadd.s32 s18, s17  }
0x9c: {  	s20 =	simm.s32 $0x0;
	s4 =	sshll.u32 s4, $0x1;
	s5 =	sadd.s32 s19, s3  }
0x9d: {  	[timem:s20], [sflag:s6] =	dma.local [hbm:s5], s4  }
0x9e: {  	_ =	swait.ge [sflag:s6], s4  }
0x9f: {  	s4 =	ssub.s32 $0x0, s4;
	[sflag:s6] =	ssyncset.done $0x0  }
0xa0: {  	[sflag:s6] =	ssyncadd.s32 s4;
	_ =	sdelay $0x1  }
0xa1: {  	s21 =	simm.s32 $0x1B8B  }
0xa2: {  	_ =	swait.ge [sflag:s21], $0x1  }
0xa3: {  	[sflag:s21] =	ssyncset.done $0x0  }
0xa4: {  	s22 =	sld [smem:$0x3FFE];
	[sflag:s21] =	ssyncadd.s32 $0xFFFFFFFF  }
0xa5: {  	s24 =	simm.s32 $0x1B8E;
	s23 =	sld [smem:$0x0]  }
0xa6: {  	s25 =	simm.s32 $execute0_lowered;
	[smem:$0x3FD2] =	sst s24  }
0xa7: {  	s6 =	sshll.u32 s25, $0x1;
	_ =	strace $0x80000049;
	[dreg:$0x1] =	wrdreg $0xFFFFFFFF  }
0xa8: {  	s7 =	simm.s32 $_size_execute0_lowered;
	s6 =	sadd.s32 s3, s6;
	[dreg:$0x0] =	wrdreg $0x0  }
0xa9: {  	s7 =	sshll.u32 s7, $0x1;
	[dreg:$0x2] =	wrdreg s6  }
0xaa: {  	[dreg:$0x3] =	wrdreg s7  }
0xab: {  	[dreg:$0x4] =	wrdreg $0xC0  }
0xac: {  	s26 =	simm.s32 $execute1_lowered;
	_ =	task [dreg:s20], $0x5FFFF  }
0xad: {  	s6 =	sshll.u32 s26, $0x1;
	[dreg:$0x1] =	wrdreg $0xFFFFFFFF  }
0xae: {  	s3 =	sadd.s32 s3, s6;
	[dreg:$0x0] =	wrdreg $0x60  }
0xaf: {  	[dreg:$0x2] =	wrdreg s3  }
0xb0: {  	[dreg:$0x3] =	wrdreg s22  }
0xb1: {  	[dreg:$0x4] =	wrdreg $0x9  }
0xb2: {  	_ =	task.clear_ibuf [dreg:s20], $0x5FFFF;
	_ =	strace $0x90000049  }
0xb3: {  	s28 =	simm.s32 $0x9;
	_ =	strace $0x8000004B  }
0xb4: {  	_ =	swait.ge [sflag:s28], $0x1  }
0xb5: {  	[sflag:s28] =	ssyncadd.s32 $0xFFFFFFFF  }
0xb6: {  	_ =	strace $0x9000004B  }
0xb7: {  	s3 =	sld [smem:$0x0]  }
0xb8: {  	s6 =	sand.u32 $0xFFFFFFFE, s1  }
0xb9: {  	p0 =	sne.s32 s1, s6  }
0xba: {  	s6 =	sshll.u32 @p0 s6, $0xE  }
0xbb: {  	s6 =	sadd.s32 @p0 $0x11BF3, s6;
	s7 =	sshll.u32 @p0 s3, $0x11  }
0xbc: {  	s6 =	sor.u32 @p0 s7, s6  }
0xbd: {  	[sflag:s6] =	ssyncadd.remote.s32 @p0 $0x1;
	_ =	sdelay $0x1  }
0xbe: {  	s6 =	simm.s32 @p0 $0x1BF3  }
0xbf: {  	_ =	swait.eq @p0 [sflag:s6], $0x1  }
0xc0: {  	[sflag:s6] =	ssyncadd.s32 @p0 $0xFFFFFFFF  }
0xc1: {  	s7 =	sshll.u32 @!p0 s1, $0xE  }
0xc2: {  	s7 =	sor.u32 @!p0 $0x4000, s7;
	s6 =	simm.s32 @!p0 $0x1BF3  }
0xc3: {  	s3 =	sshll.u32 @!p0 s3, $0x11;
	s7 =	sadd.s32 @!p0 $0x11BF3, s7;
	_ =	swait.eq @!p0 [sflag:s6], $0x1  }
0xc4: {  	s3 =	sor.u32 @!p0 s3, s7;
	[sflag:s6] =	ssyncadd.s32 @!p0 $0xFFFFFFFF  }
0xc5: {  	[sflag:s3] =	ssyncadd.remote.s32 @!p0 $0x1  }
0xc6: {  	_ =	strace $0x8000004C;
	[dreg:$0x1] =	wrdreg $0xFFFFFFFF  }
0xc7: {  	[dreg:$0x0] =	wrdreg $0x2030  }
0xc8: {  	[dreg:$0x2] =	wrdreg s22  }
0xc9: {  	[dreg:$0x3] =	wrdreg s1  }
0xca: {  	[dreg:$0x4] =	wrdreg s23  }
0xcb: {  	[dreg:$0x5] =	wrdreg $0xA  }
0xcc: {  	_ =	task.clear_ibuf [dreg:s20], $0x6FFFF;
	_ =	strace $0x9000004C  }
0xcd: {  	s29 =	simm.s32 $0xA;
	_ =	strace $0x8000004E  }
0xce: {  	_ =	swait.ge [sflag:s29], $0x1  }
0xcf: {  	[sflag:s29] =	ssyncadd.s32 $0xFFFFFFFF  }
0xd0: {  	_ =	strace $0x9000004E  }
0xd1: {  	_ =	sfence  }
0xd2: {  	s30 =	sld [smem:$0x0];
	_ =	sdelay $0x2  }
0xd3: {  	s31 =	sshll.u32 s1, $0xD;
	s1 =	sshrl.u32 s1, $0x2  }
0xd4: {  	s4 =	sand.u32 $0x4000, s31;
	s1 =	sadd.s32 s1, s30  }
0xd5: {  	s0 =	sor.u32 s4, s0;
	s1 =	sshll.u32 s1, $0x11  }
0xd6: {  	s0 =	sor.u32 s1, s0  }
0xd7: {  	s0 =	sadd.s32 $0x8F2B, s0  }
0xd8: {  	[sflag:s0] =	ssyncadd.remote.s32 $0x1  }
0xd9: {  	_ =	sfence.sel $0xFFFF  }
0xda: {  	[dreg:$0x0] =	wrdreg $0xFFFFFFFF;
	(pc) =	sbr.abs _section_cstart, $3  }
0xdb: {  	[dreg:$0x1] =	wrdreg $0xFFFFFFFF  }
0xdc: {  	_ =	task.clear_ibuf [dreg:s20], $0x2FFFF;
	_ =	strace $0x9FFFFFFF  }
0xdd: {  	(tm) =	ssettm $0x7FFFFFFF  }
tec
execute0_lowered:
.L_overlay_start_1:
0x0: {  	(tag) =	ssettag $0x1  }
0x1: {  	s2 =	rddreg [dreg:$0x0]  }
0x2: {  	s3 =	rddreg [dreg:$0x1]  }
0x3: {  	s0 =	rddreg [dreg:$0x2];
	s4 =	stileid.u32;
	[bflag:$0x3] =	sbarrier.arrive $0xFFFF  }
0x4: {  	s1 =	simm.s32 $_size_execute1_lowered;
	s29 =	srdreg.scid;
	p0 =	sne.s32 s4, $0x0  }
0x5: {  	s1 =	sshll.u32 s1, $0x1;
	s5 =	simm.s32 @!p0 $0x1C3F;
	s6 =	simm.s32 @!p0 $0x4060  }
0x6: {  	[timem:s6], [sflag:s5] =	dma.local @!p0 [hbm:s2], s1  }
0x7: {  	s8 =	simm.s32 $0x2;
	s12 =	simm.s32 $0x0;
	s2 =	sshll.u32 s29, $0x6  }
0x8: {  	s9 =	simm.s32 $0x80;
	s4 =	sshll.u32 s4, $0x7;
	s2 =	sand.u32 $0x40, s2  }
0x9: {  	s10 =	simm.s32 $0x0;
	s11 =	simm.s32 $0x0;
	s2 =	sor.u32 s4, s2  }
0xa: {  	_ =	strace $0x8000004A;
	s4 =	sshll.u32 s2, $0x4;
	s31 =	ssub.s32 $0x800, s2  }
.Ltmp0:
0xb: {  	s30 =	sadd.s32 s4, s3;
	s7 =	sand.u32 $0x7C0, s31;
	(pc) =	sbr.rel .LBB2_1-.Ltmp0, $4  }
0xc: {  	s3 =	sadd.s32 $0x117400, s3;
	p1 =	sne.s32 s7, $0x0;
	s7 =	simm.s32 $0x1  }
0xd: {  	s4 =	simm.s32 $0x1;
	s5 =	sshrl.u32 s31, $0xB;
	s7 =	simm.s32 @!p1 $0x0  }
0xe: {  	[sflag:s4] =	ssyncpa.u1 $0x0;
	s6 =	sadd.s32 $0x5400, s30;
	s5 =	sadd.s32 s7, s5  }
0xf: {  	[sflag:s8] =	ssyncpa.u1 $0x0;
	s8 =	simm.s32 $0x20;
	s7 =	sadd.s32 $0x1, s5  }
.LBB2_4:
0x10: {  	_ =	sdelay $0x2  }
0x11: {  	s12 =	sshll.u32 s12, $0x4  }
0x12: {  	[tilespmem:v1+s13+$0x0 ss:$0x1] =	vst.idx.msk $0xffff, v2;
	s12 =	sand.u32 $0x7FF0, s12  }
0x13: {  	[tilespmem:v1+s13+$0xFFFFFFF0 ss:$0x1] =	vst.idx.msk $0xffff, v3;
	s12 =	sadd.s32 s3, s12  }
0x14: {  	[hbm4b:s12+s8] =	stream.strided.scatter [tilespmem:s14], [sflag:$0x2], $0x800, s9, s8, $0x38;
	[tilespmem:$0x2000] =	vst v63  }
.LBB2_5:
0x15: {  	p2 =	sne.s32 s11, s7  }
.Ltmp1:
0x16: {  	p1 =	slt.u32 s11, $0x2;
	(pc) =	sbr.rel @!p2 .LBB2_6-.Ltmp1, $4  }
0x17: {  	s12 =	simm.s32 @!p1 $0x2  }
0x18: {  	_ =	swait.ge @!p1 [sflag:s12], $0x800  }
0x19: {  	s13 =	sadd.s32 $0x1, s11;
	s10 =	sadd.s32 $0x800, s10;
	[sflag:s12] =	ssyncset.done @!p1 $0x0  }
0x1a: {  	s11 =	smov.u32 s13;
	[sflag:s12] =	ssyncadd.s32 @!p1 $0xFFFFF800;
	s12 =	smov.u32 s2  }
.LBB2_1:
0x1b: {  	p1 =	sge.u32 s11, s5  }
0x1c: {  	s13 =	sxor.u32 @!p1 $0xFFFFFFFF, s11  }
0x1d: {  	s31 =	sadd.s32 $0xFFFFFFFF, s11;
	s13 =	sshll.u32 @!p1 s13, $0xB  }
0x1e: {  	s14 =	simm.s32 @!p1 $0x20;
	s15 =	simm.s32 @!p1 $0x80;
	s13 =	sand.u32 @!p1 $0x800, s13  }
0x1f: {  	[tilespmem:s13], [sflag:$0x1] =	stream.strided.gather @!p1 [hbm4b:s6+s14], $0x800, s15, s14, $0x38;
	[tilespmem:$0x2000] =	vst v63  }
0x20: {  	p1 =	sge.u32 s31, s5  }
.Ltmp2:
0x21: {  	_ = 	snop;
	(pc) =	sbr.rel @p1 .LBB2_5-.Ltmp2, $1  }
0x22: {  	_ =	sdelay $0x3  }
0x23: {  	s14 =	sand.u32 $0x800, s10  }
0x24: {  	s13 =	sor.u32 $0x10, s14  }
0x25: {  	v0 =	vmov s13;
	_ =	sdelay $0x1  }
0x26: {  	_ =	swait.ge [sflag:s4], $0x800  }
0x27: {  	[sflag:s4] =	ssyncset.done $0x0  }
0x28: {  	s15 =	sshll.u32 s11, $0xB;
	[sflag:s4] =	ssyncadd.s32 $0xFFFFF800;
	s13 =	simm.s32 $0x0  }
0x29: {  	s16 =	sor.u32 $0x1010, s14;
	s31 =	sand.u32 $0x800, s15;
	v2 =	vld.idx.msk [tilespmem:v0+s13+$0x0 ss:$0x1], $0xffff  }
0x2a: {  	s15 =	simm.s32 $0x80;
	s14 =	sor.u32 $0x1000, s31;
	v1 =	vmov s16;
	v3 =	vld.idx.msk [tilespmem:v0+s13+$0xFFFFFFF0 ss:$0x1], $0xffff  }
.LBB2_3:
0x2b: {  	p1 =	sne.s32 s15, $0x1F80  }
.Ltmp3:
0x2c: {  	_ = 	snop;
	(pc) =	sbr.rel @p1 .LBB2_3-.Ltmp3, $4  }
0x2d: {  	_ = 	snop  }
0x2e: {  	s16 =	sshra.s32 s15, $0x2;
	s15 =	sadd.s32 $0x80, s15  }
0x2f: {  	[tilespmem:v1+s13+$0x0 ss:$0x1] =	vst.idx.msk $0xffff, v2;
	v2 =	vld.idx.msk [tilespmem:v0+s16+$0x0 ss:$0x1], $0xffff  }
0x30: {  	[tilespmem:v1+s13+$0xFFFFFFF0 ss:$0x1] =	vst.idx.msk $0xffff, v3;
	v3 =	vld.idx.msk [tilespmem:v0+s16+$0xFFFFFFF0 ss:$0x1], $0xffff;
	s13 =	smov.u32 s16  }
.Ltmp4:
0x31: {  	_ = 	snop;
	(pc) =	sbr.rel .LBB2_4-.Ltmp4, $1  }
0x32: {  	_ =	sdelay $0x3  }
.LBB2_6:
0x33: {  	_ =	sfence.sel $0x180000  }
0x34: {  	s2 =	simm.s32 $0x1;
	[bflag:$0x0] =	sbarrier.arrive $0xFFFF  }
0x35: {  	s31 =	simm.s32 $0x2;
	[sflag:s2] =	ssyncpa.u1 $0x1  }
0x36: {  	[sflag:s31] =	ssyncpa.u1 $0x1  }
0x37: {  	_ =	strace $0x9000004A  }
0x38: {  	s0 =	sadd.s32 @!p0 $0x100000, s0;
	[bflag:$0x2] =	sbarrier.arrive $0xFFFF  }
0x39: {  	[sflag:s0] =	ssyncadd.tile.s32 @!p0 $0x1;
	s0 =	simm.s32 @!p0 $0x3F  }
0x3a: {  	_ =	swait.ge @!p0 [sflag:s0], s1  }
0x3b: {  	s1 =	ssub.s32 @!p0 $0x0, s1;
	[sflag:s0] =	ssyncset.done @!p0 $0x0  }
0x3c: {  	[sflag:s0] =	ssyncadd.s32 @!p0 s1  }
0x3d: {  	[bflag:$0x3] =	sbarrier.arrive $0xFFFF  }
0x3e: {  	_ =	shalt  }
.Lfunc_end2:
execute1_lowered:
.L_overlay_start_2:
0x3f: {  	(tag) =	ssettag $0x2  }
0x40: {  	s11 =	rddreg [dreg:$0x0]  }
0x41: {  	s2 =	rddreg [dreg:$0x1];
	_ =	strace $0x8000004D;
	s12 =	simm.s32 $0x1  }
0x42: {  	v0 =	vimm.s32 $0x0;
	[sflag:s12] =	ssyncpa.u1 $0x0  }
0x43: {  	[tilespmem:$0x28] =	vst v0  }
0x44: {  	[tilespmem:$0x38] =	vst v0  }
0x45: {  	[tilespmem:$0x48] =	vst v0  }
0x46: {  	[tilespmem:$0x58] =	vst v0  }
0x47: {  	[tilespmem:$0x68] =	vst v0  }
0x48: {  	[tilespmem:$0x78] =	vst v0  }
0x49: {  	[tilespmem:$0x88] =	vst v0  }
0x4a: {  	[tilespmem:$0x98] =	vst v0  }
0x4b: {  	[tilespmem:$0xA8] =	vst v0  }
0x4c: {  	[tilespmem:$0xB8] =	vst v0  }
0x4d: {  	[tilespmem:$0xC8] =	vst v0  }
0x4e: {  	[tilespmem:$0xD8] =	vst v0  }
0x4f: {  	[tilespmem:$0xE8] =	vst v0  }
0x50: {  	[tilespmem:$0xF8] =	vst v0  }
0x51: {  	[tilespmem:$0x108] =	vst v0  }
0x52: {  	[tilespmem:$0x118] =	vst v0  }
0x53: {  	[tilespmem:$0x128] =	vst v0  }
0x54: {  	[tilespmem:$0x138] =	vst v0  }
0x55: {  	[tilespmem:$0x148] =	vst v0  }
0x56: {  	[tilespmem:$0x158] =	vst v0  }
0x57: {  	[tilespmem:$0x168] =	vst v0  }
0x58: {  	[tilespmem:$0x178] =	vst v0  }
0x59: {  	[tilespmem:$0x188] =	vst v0  }
0x5a: {  	[tilespmem:$0x198] =	vst v0  }
0x5b: {  	[tilespmem:$0x1A8] =	vst v0  }
0x5c: {  	[tilespmem:$0x1B8] =	vst v0  }
0x5d: {  	[tilespmem:$0x1C8] =	vst v0  }
0x5e: {  	[tilespmem:$0x1D8] =	vst v0  }
0x5f: {  	[tilespmem:$0x1E8] =	vst v0  }
0x60: {  	[tilespmem:$0x1F8] =	vst v0  }
0x61: {  	[tilespmem:$0x208] =	vst v0  }
0x62: {  	[tilespmem:$0x218] =	vst v0  }
0x63: {  	[tilespmem:$0x228] =	vst v0  }
0x64: {  	[tilespmem:$0x238] =	vst v0  }
0x65: {  	[tilespmem:$0x248] =	vst v0  }
0x66: {  	[tilespmem:$0x258] =	vst v0  }
0x67: {  	[tilespmem:$0x268] =	vst v0  }
0x68: {  	[tilespmem:$0x278] =	vst v0  }
0x69: {  	[tilespmem:$0x288] =	vst v0  }
0x6a: {  	[tilespmem:$0x298] =	vst v0  }
0x6b: {  	[tilespmem:$0x2A8] =	vst v0  }
0x6c: {  	[tilespmem:$0x2B8] =	vst v0  }
0x6d: {  	[tilespmem:$0x2C8] =	vst v0  }
0x6e: {  	[tilespmem:$0x2D8] =	vst v0  }
0x6f: {  	[tilespmem:$0x2E8] =	vst v0  }
0x70: {  	[tilespmem:$0x2F8] =	vst v0  }
0x71: {  	[tilespmem:$0x308] =	vst v0  }
0x72: {  	[tilespmem:$0x318] =	vst v0  }
0x73: {  	[tilespmem:$0x328] =	vst v0  }
0x74: {  	[tilespmem:$0x338] =	vst v0  }
0x75: {  	[tilespmem:$0x348] =	vst v0  }
0x76: {  	[tilespmem:$0x358] =	vst v0  }
0x77: {  	[tilespmem:$0x368] =	vst v0  }
0x78: {  	[tilespmem:$0x378] =	vst v0  }
0x79: {  	[tilespmem:$0x388] =	vst v0  }
0x7a: {  	[tilespmem:$0x398] =	vst v0  }
0x7b: {  	[tilespmem:$0x3A8] =	vst v0  }
0x7c: {  	[tilespmem:$0x3B8] =	vst v0  }
0x7d: {  	[tilespmem:$0x3C8] =	vst v0  }
0x7e: {  	[tilespmem:$0x3D8] =	vst v0  }
0x7f: {  	[tilespmem:$0x3E8] =	vst v0  }
0x80: {  	[tilespmem:$0x3F8] =	vst v0  }
0x81: {  	[tilespmem:$0x408] =	vst v0  }
0x82: {  	[tilespmem:$0x418] =	vst v0  }
0x83: {  	[tilespmem:$0x428] =	vst v0  }
0x84: {  	[tilespmem:$0x438] =	vst v0  }
0x85: {  	[tilespmem:$0x448] =	vst v0  }
0x86: {  	[tilespmem:$0x458] =	vst v0  }
0x87: {  	[tilespmem:$0x468] =	vst v0  }
0x88: {  	[tilespmem:$0x478] =	vst v0  }
0x89: {  	[tilespmem:$0x488] =	vst v0  }
0x8a: {  	[tilespmem:$0x498] =	vst v0  }
0x8b: {  	[tilespmem:$0x4A8] =	vst v0  }
0x8c: {  	[tilespmem:$0x4B8] =	vst v0  }
0x8d: {  	[tilespmem:$0x4C8] =	vst v0  }
0x8e: {  	[tilespmem:$0x4D8] =	vst v0  }
0x8f: {  	[tilespmem:$0x4E8] =	vst v0  }
0x90: {  	[tilespmem:$0x4F8] =	vst v0  }
0x91: {  	[tilespmem:$0x508] =	vst v0  }
0x92: {  	[tilespmem:$0x518] =	vst v0  }
0x93: {  	[tilespmem:$0x528] =	vst v0  }
0x94: {  	[tilespmem:$0x538] =	vst v0  }
0x95: {  	[tilespmem:$0x548] =	vst v0  }
0x96: {  	[tilespmem:$0x558] =	vst v0  }
0x97: {  	[tilespmem:$0x568] =	vst v0  }
0x98: {  	[tilespmem:$0x578] =	vst v0  }
0x99: {  	[tilespmem:$0x588] =	vst v0  }
0x9a: {  	[tilespmem:$0x598] =	vst v0  }
0x9b: {  	[tilespmem:$0x5A8] =	vst v0  }
0x9c: {  	[tilespmem:$0x5B8] =	vst v0  }
0x9d: {  	[tilespmem:$0x5C8] =	vst v0  }
0x9e: {  	[tilespmem:$0x5D8] =	vst v0  }
0x9f: {  	[tilespmem:$0x5E8] =	vst v0  }
0xa0: {  	[tilespmem:$0x5F8] =	vst v0  }
0xa1: {  	[tilespmem:$0x608] =	vst v0  }
0xa2: {  	[tilespmem:$0x618] =	vst v0  }
0xa3: {  	[tilespmem:$0x628] =	vst v0  }
0xa4: {  	[tilespmem:$0x638] =	vst v0  }
0xa5: {  	[tilespmem:$0x648] =	vst v0  }
0xa6: {  	[tilespmem:$0x658] =	vst v0  }
0xa7: {  	[tilespmem:$0x668] =	vst v0  }
0xa8: {  	[tilespmem:$0x678] =	vst v0  }
0xa9: {  	[tilespmem:$0x688] =	vst v0  }
0xaa: {  	[tilespmem:$0x698] =	vst v0  }
0xab: {  	[tilespmem:$0x6A8] =	vst v0  }
0xac: {  	[tilespmem:$0x6B8] =	vst v0  }
0xad: {  	[tilespmem:$0x6C8] =	vst v0  }
0xae: {  	[tilespmem:$0x6D8] =	vst v0  }
0xaf: {  	[tilespmem:$0x6E8] =	vst v0  }
0xb0: {  	[tilespmem:$0x6F8] =	vst v0  }
0xb1: {  	[tilespmem:$0x708] =	vst v0  }
0xb2: {  	[tilespmem:$0x718] =	vst v0  }
0xb3: {  	[tilespmem:$0x728] =	vst v0  }
0xb4: {  	[tilespmem:$0x738] =	vst v0  }
0xb5: {  	[tilespmem:$0x748] =	vst v0  }
0xb6: {  	[tilespmem:$0x758] =	vst v0  }
0xb7: {  	[tilespmem:$0x768] =	vst v0  }
0xb8: {  	[tilespmem:$0x778] =	vst v0  }
0xb9: {  	[tilespmem:$0x788] =	vst v0  }
0xba: {  	[tilespmem:$0x798] =	vst v0  }
0xbb: {  	[tilespmem:$0x7A8] =	vst v0  }
0xbc: {  	[tilespmem:$0x7B8] =	vst v0  }
0xbd: {  	[tilespmem:$0x7C8] =	vst v0  }
0xbe: {  	[tilespmem:$0x7D8] =	vst v0  }
0xbf: {  	[tilespmem:$0x7E8] =	vst v0  }
0xc0: {  	[tilespmem:$0x7F8] =	vst v0  }
0xc1: {  	[tilespmem:$0x808] =	vst v0  }
0xc2: {  	[tilespmem:$0x818] =	vst v0  }
0xc3: {  	[tilespmem:$0x828] =	vst v0  }
0xc4: {  	[tilespmem:$0x838] =	vst v0  }
0xc5: {  	[tilespmem:$0x848] =	vst v0  }
0xc6: {  	[tilespmem:$0x858] =	vst v0  }
0xc7: {  	[tilespmem:$0x868] =	vst v0  }
0xc8: {  	[tilespmem:$0x878] =	vst v0  }
0xc9: {  	[tilespmem:$0x888] =	vst v0  }
0xca: {  	[tilespmem:$0x898] =	vst v0  }
0xcb: {  	[tilespmem:$0x8A8] =	vst v0  }
0xcc: {  	[tilespmem:$0x8B8] =	vst v0  }
0xcd: {  	[tilespmem:$0x8C8] =	vst v0  }
0xce: {  	[tilespmem:$0x8D8] =	vst v0  }
0xcf: {  	[tilespmem:$0x8E8] =	vst v0  }
0xd0: {  	[tilespmem:$0x8F8] =	vst v0  }
0xd1: {  	[tilespmem:$0x908] =	vst v0  }
0xd2: {  	[tilespmem:$0x918] =	vst v0  }
0xd3: {  	[tilespmem:$0x928] =	vst v0  }
0xd4: {  	[tilespmem:$0x938] =	vst v0  }
0xd5: {  	[tilespmem:$0x948] =	vst v0  }
0xd6: {  	[tilespmem:$0x958] =	vst v0  }
0xd7: {  	[tilespmem:$0x968] =	vst v0  }
0xd8: {  	[tilespmem:$0x978] =	vst v0  }
0xd9: {  	[tilespmem:$0x988] =	vst v0  }
0xda: {  	[tilespmem:$0x998] =	vst v0  }
0xdb: {  	[tilespmem:$0x9A8] =	vst v0  }
0xdc: {  	[tilespmem:$0x9B8] =	vst v0  }
0xdd: {  	[tilespmem:$0x9C8] =	vst v0  }
0xde: {  	[tilespmem:$0x9D8] =	vst v0  }
0xdf: {  	[tilespmem:$0x9E8] =	vst v0  }
0xe0: {  	[tilespmem:$0x9F8] =	vst v0  }
0xe1: {  	[tilespmem:$0xA08] =	vst v0  }
0xe2: {  	[tilespmem:$0xA18] =	vst v0  }
0xe3: {  	[tilespmem:$0xA28] =	vst v0  }
0xe4: {  	[tilespmem:$0xA38] =	vst v0  }
0xe5: {  	[tilespmem:$0xA48] =	vst v0  }
0xe6: {  	[tilespmem:$0xA58] =	vst v0  }
0xe7: {  	[tilespmem:$0xA68] =	vst v0  }
0xe8: {  	[tilespmem:$0xA78] =	vst v0  }
0xe9: {  	[tilespmem:$0xA88] =	vst v0  }
0xea: {  	[tilespmem:$0xA98] =	vst v0  }
0xeb: {  	[tilespmem:$0xAA8] =	vst v0  }
0xec: {  	[tilespmem:$0xAB8] =	vst v0  }
0xed: {  	[tilespmem:$0xAC8] =	vst v0  }
0xee: {  	[tilespmem:$0xAD8] =	vst v0  }
0xef: {  	[tilespmem:$0xAE8] =	vst v0  }
0xf0: {  	[tilespmem:$0xAF8] =	vst v0  }
0xf1: {  	[tilespmem:$0xB08] =	vst v0  }
0xf2: {  	[tilespmem:$0xB18] =	vst v0  }
0xf3: {  	[tilespmem:$0xB28] =	vst v0  }
0xf4: {  	[tilespmem:$0xB38] =	vst v0  }
0xf5: {  	[tilespmem:$0xB48] =	vst v0  }
0xf6: {  	[tilespmem:$0xB58] =	vst v0  }
0xf7: {  	[tilespmem:$0xB68] =	vst v0  }
0xf8: {  	[tilespmem:$0xB78] =	vst v0  }
0xf9: {  	[tilespmem:$0xB88] =	vst v0  }
0xfa: {  	[tilespmem:$0xB98] =	vst v0  }
0xfb: {  	[tilespmem:$0xBA8] =	vst v0  }
0xfc: {  	[tilespmem:$0xBB8] =	vst v0  }
0xfd: {  	[tilespmem:$0xBC8] =	vst v0  }
0xfe: {  	[tilespmem:$0xBD8] =	vst v0  }
0xff: {  	[tilespmem:$0xBE8] =	vst v0  }
0x100: {  	[tilespmem:$0xBF8] =	vst v0  }
0x101: {  	[tilespmem:$0xC08] =	vst v0  }
0x102: {  	[tilespmem:$0xC18] =	vst v0  }
0x103: {  	[tilespmem:$0xC28] =	vst v0  }
0x104: {  	[tilespmem:$0xC38] =	vst v0  }
0x105: {  	[tilespmem:$0xC48] =	vst v0  }
0x106: {  	[tilespmem:$0xC58] =	vst v0  }
0x107: {  	[tilespmem:$0xC68] =	vst v0  }
0x108: {  	[tilespmem:$0xC78] =	vst v0  }
0x109: {  	[tilespmem:$0xC88] =	vst v0  }
0x10a: {  	[tilespmem:$0xC98] =	vst v0  }
0x10b: {  	[tilespmem:$0xCA8] =	vst v0  }
0x10c: {  	[tilespmem:$0xCB8] =	vst v0  }
0x10d: {  	[tilespmem:$0xCC8] =	vst v0  }
0x10e: {  	[tilespmem:$0xCD8] =	vst v0  }
0x10f: {  	[tilespmem:$0xCE8] =	vst v0  }
0x110: {  	[tilespmem:$0xCF8] =	vst v0  }
0x111: {  	[tilespmem:$0xD08] =	vst v0  }
0x112: {  	[tilespmem:$0xD18] =	vst v0  }
0x113: {  	[tilespmem:$0xD28] =	vst v0  }
0x114: {  	[tilespmem:$0xD38] =	vst v0  }
0x115: {  	[tilespmem:$0xD48] =	vst v0  }
0x116: {  	[tilespmem:$0xD58] =	vst v0  }
0x117: {  	[tilespmem:$0xD68] =	vst v0  }
0x118: {  	[tilespmem:$0xD78] =	vst v0  }
0x119: {  	[tilespmem:$0xD88] =	vst v0  }
0x11a: {  	[tilespmem:$0xD98] =	vst v0  }
0x11b: {  	[tilespmem:$0xDA8] =	vst v0  }
0x11c: {  	[tilespmem:$0xDB8] =	vst v0  }
0x11d: {  	[tilespmem:$0xDC8] =	vst v0  }
0x11e: {  	[tilespmem:$0xDD8] =	vst v0  }
0x11f: {  	[tilespmem:$0xDE8] =	vst v0  }
0x120: {  	[tilespmem:$0xDF8] =	vst v0  }
0x121: {  	[tilespmem:$0xE08] =	vst v0  }
0x122: {  	[tilespmem:$0xE18] =	vst v0  }
0x123: {  	[tilespmem:$0xE28] =	vst v0  }
0x124: {  	[tilespmem:$0xE38] =	vst v0  }
0x125: {  	[tilespmem:$0xE48] =	vst v0  }
0x126: {  	[tilespmem:$0xE58] =	vst v0  }
0x127: {  	[tilespmem:$0xE68] =	vst v0  }
0x128: {  	[tilespmem:$0xE78] =	vst v0  }
0x129: {  	[tilespmem:$0xE88] =	vst v0  }
0x12a: {  	[tilespmem:$0xE98] =	vst v0  }
0x12b: {  	[tilespmem:$0xEA8] =	vst v0  }
0x12c: {  	[tilespmem:$0xEB8] =	vst v0  }
0x12d: {  	[tilespmem:$0xEC8] =	vst v0  }
0x12e: {  	[tilespmem:$0xED8] =	vst v0  }
0x12f: {  	[tilespmem:$0xEE8] =	vst v0  }
0x130: {  	[tilespmem:$0xEF8] =	vst v0  }
0x131: {  	[tilespmem:$0xF08] =	vst v0  }
0x132: {  	[tilespmem:$0xF18] =	vst v0  }
0x133: {  	[tilespmem:$0xF28] =	vst v0  }
0x134: {  	[tilespmem:$0xF38] =	vst v0  }
0x135: {  	[tilespmem:$0xF48] =	vst v0  }
0x136: {  	[tilespmem:$0xF58] =	vst v0  }
0x137: {  	[tilespmem:$0xF68] =	vst v0  }
0x138: {  	[tilespmem:$0xF78] =	vst v0  }
0x139: {  	[tilespmem:$0xF88] =	vst v0  }
0x13a: {  	[tilespmem:$0xF98] =	vst v0  }
0x13b: {  	[tilespmem:$0xFA8] =	vst v0  }
0x13c: {  	[tilespmem:$0xFB8] =	vst v0  }
0x13d: {  	[tilespmem:$0xFC8] =	vst v0  }
0x13e: {  	[tilespmem:$0xFD8] =	vst v0  }
0x13f: {  	[tilespmem:$0xFE8] =	vst v0  }
0x140: {  	[tilespmem:$0xFF8] =	vst v0  }
0x141: {  	[tilespmem:$0x1018] =	vst v0  }
0x142: {  	[tilespmem:$0x10D8] =	vst v0  }
0x143: {  	[tilespmem:$0x1B28] =	vst v0  }
0x144: {  	[tilespmem:$0x1B18] =	vst v0  }
0x145: {  	[tilespmem:$0x1B08] =	vst v0  }
0x146: {  	[tilespmem:$0x1AF8] =	vst v0  }
0x147: {  	[tilespmem:$0x1AE8] =	vst v0  }
0x148: {  	[tilespmem:$0x1AD8] =	vst v0  }
0x149: {  	[tilespmem:$0x1AC8] =	vst v0  }
0x14a: {  	[tilespmem:$0x1AB8] =	vst v0  }
0x14b: {  	[tilespmem:$0x1AA8] =	vst v0  }
0x14c: {  	[tilespmem:$0x1A98] =	vst v0  }
0x14d: {  	[tilespmem:$0x1A88] =	vst v0  }
0x14e: {  	[tilespmem:$0x1A78] =	vst v0  }
0x14f: {  	[tilespmem:$0x1A68] =	vst v0  }
0x150: {  	[tilespmem:$0x1A58] =	vst v0  }
0x151: {  	[tilespmem:$0x1A48] =	vst v0  }
0x152: {  	[tilespmem:$0x1A38] =	vst v0  }
0x153: {  	[tilespmem:$0x1A28] =	vst v0  }
0x154: {  	[tilespmem:$0x1A18] =	vst v0  }
0x155: {  	[tilespmem:$0x1A08] =	vst v0  }
0x156: {  	[tilespmem:$0x19F8] =	vst v0  }
0x157: {  	[tilespmem:$0x19E8] =	vst v0  }
0x158: {  	[tilespmem:$0x19D8] =	vst v0  }
0x159: {  	[tilespmem:$0x19C8] =	vst v0  }
0x15a: {  	[tilespmem:$0x19B8] =	vst v0  }
0x15b: {  	[tilespmem:$0x19A8] =	vst v0  }
0x15c: {  	[tilespmem:$0x1998] =	vst v0  }
0x15d: {  	[tilespmem:$0x1988] =	vst v0  }
0x15e: {  	[tilespmem:$0x1978] =	vst v0  }
0x15f: {  	[tilespmem:$0x1968] =	vst v0  }
0x160: {  	[tilespmem:$0x1958] =	vst v0  }
0x161: {  	[tilespmem:$0x1948] =	vst v0  }
0x162: {  	[tilespmem:$0x1938] =	vst v0  }
0x163: {  	[tilespmem:$0x1928] =	vst v0  }
0x164: {  	[tilespmem:$0x1918] =	vst v0  }
0x165: {  	[tilespmem:$0x1908] =	vst v0  }
0x166: {  	[tilespmem:$0x18F8] =	vst v0  }
0x167: {  	[tilespmem:$0x18E8] =	vst v0  }
0x168: {  	[tilespmem:$0x18D8] =	vst v0  }
0x169: {  	[tilespmem:$0x18C8] =	vst v0  }
0x16a: {  	[tilespmem:$0x18B8] =	vst v0  }
0x16b: {  	[tilespmem:$0x18A8] =	vst v0  }
0x16c: {  	[tilespmem:$0x1898] =	vst v0  }
0x16d: {  	[tilespmem:$0x1888] =	vst v0  }
0x16e: {  	[tilespmem:$0x1878] =	vst v0  }
0x16f: {  	[tilespmem:$0x1868] =	vst v0  }
0x170: {  	[tilespmem:$0x1858] =	vst v0  }
0x171: {  	[tilespmem:$0x1848] =	vst v0  }
0x172: {  	[tilespmem:$0x1838] =	vst v0  }
0x173: {  	[tilespmem:$0x1828] =	vst v0  }
0x174: {  	[tilespmem:$0x1818] =	vst v0  }
0x175: {  	[tilespmem:$0x1808] =	vst v0  }
0x176: {  	[tilespmem:$0x17F8] =	vst v0  }
0x177: {  	[tilespmem:$0x17E8] =	vst v0  }
0x178: {  	[tilespmem:$0x17D8] =	vst v0  }
0x179: {  	[tilespmem:$0x17C8] =	vst v0  }
0x17a: {  	[tilespmem:$0x17B8] =	vst v0  }
0x17b: {  	[tilespmem:$0x17A8] =	vst v0  }
0x17c: {  	[tilespmem:$0x1798] =	vst v0  }
0x17d: {  	[tilespmem:$0x1788] =	vst v0  }
0x17e: {  	[tilespmem:$0x1778] =	vst v0  }
0x17f: {  	[tilespmem:$0x1768] =	vst v0  }
0x180: {  	[tilespmem:$0x1758] =	vst v0  }
0x181: {  	[tilespmem:$0x1748] =	vst v0  }
0x182: {  	[tilespmem:$0x1738] =	vst v0  }
0x183: {  	[tilespmem:$0x1728] =	vst v0  }
0x184: {  	[tilespmem:$0x1718] =	vst v0  }
0x185: {  	[tilespmem:$0x1708] =	vst v0  }
0x186: {  	[tilespmem:$0x16F8] =	vst v0  }
0x187: {  	[tilespmem:$0x16E8] =	vst v0  }
0x188: {  	[tilespmem:$0x16D8] =	vst v0  }
0x189: {  	[tilespmem:$0x16C8] =	vst v0  }
0x18a: {  	[tilespmem:$0x16B8] =	vst v0  }
0x18b: {  	[tilespmem:$0x16A8] =	vst v0  }
0x18c: {  	[tilespmem:$0x1698] =	vst v0  }
0x18d: {  	[tilespmem:$0x1688] =	vst v0  }
0x18e: {  	[tilespmem:$0x1678] =	vst v0  }
0x18f: {  	[tilespmem:$0x1668] =	vst v0  }
0x190: {  	[tilespmem:$0x1658] =	vst v0  }
0x191: {  	[tilespmem:$0x1648] =	vst v0  }
0x192: {  	[tilespmem:$0x1638] =	vst v0  }
0x193: {  	[tilespmem:$0x1628] =	vst v0  }
0x194: {  	[tilespmem:$0x1618] =	vst v0  }
0x195: {  	[tilespmem:$0x1608] =	vst v0  }
0x196: {  	[tilespmem:$0x15F8] =	vst v0  }
0x197: {  	[tilespmem:$0x15E8] =	vst v0  }
0x198: {  	[tilespmem:$0x15D8] =	vst v0  }
0x199: {  	[tilespmem:$0x15C8] =	vst v0  }
0x19a: {  	[tilespmem:$0x15B8] =	vst v0  }
0x19b: {  	[tilespmem:$0x15A8] =	vst v0  }
0x19c: {  	[tilespmem:$0x1598] =	vst v0  }
0x19d: {  	[tilespmem:$0x1588] =	vst v0  }
0x19e: {  	[tilespmem:$0x1578] =	vst v0  }
0x19f: {  	[tilespmem:$0x1568] =	vst v0  }
0x1a0: {  	[tilespmem:$0x1558] =	vst v0  }
0x1a1: {  	[tilespmem:$0x1548] =	vst v0  }
0x1a2: {  	[tilespmem:$0x1538] =	vst v0  }
0x1a3: {  	[tilespmem:$0x1528] =	vst v0  }
0x1a4: {  	[tilespmem:$0x1518] =	vst v0  }
0x1a5: {  	[tilespmem:$0x1508] =	vst v0  }
0x1a6: {  	[tilespmem:$0x14F8] =	vst v0  }
0x1a7: {  	[tilespmem:$0x14E8] =	vst v0  }
0x1a8: {  	[tilespmem:$0x14D8] =	vst v0  }
0x1a9: {  	[tilespmem:$0x14C8] =	vst v0  }
0x1aa: {  	[tilespmem:$0x14B8] =	vst v0  }
0x1ab: {  	[tilespmem:$0x14A8] =	vst v0  }
0x1ac: {  	[tilespmem:$0x1498] =	vst v0  }
0x1ad: {  	[tilespmem:$0x1488] =	vst v0  }
0x1ae: {  	[tilespmem:$0x1478] =	vst v0  }
0x1af: {  	[tilespmem:$0x1468] =	vst v0  }
0x1b0: {  	[tilespmem:$0x1458] =	vst v0  }
0x1b1: {  	[tilespmem:$0x1448] =	vst v0  }
0x1b2: {  	[tilespmem:$0x1438] =	vst v0  }
0x1b3: {  	[tilespmem:$0x1428] =	vst v0  }
0x1b4: {  	[tilespmem:$0x1418] =	vst v0  }
0x1b5: {  	[tilespmem:$0x1408] =	vst v0  }
0x1b6: {  	[tilespmem:$0x13F8] =	vst v0  }
0x1b7: {  	[tilespmem:$0x13E8] =	vst v0  }
0x1b8: {  	[tilespmem:$0x13D8] =	vst v0  }
0x1b9: {  	[tilespmem:$0x13C8] =	vst v0  }
0x1ba: {  	[tilespmem:$0x13B8] =	vst v0  }
0x1bb: {  	[tilespmem:$0x13A8] =	vst v0  }
0x1bc: {  	[tilespmem:$0x1398] =	vst v0  }
0x1bd: {  	[tilespmem:$0x1388] =	vst v0  }
0x1be: {  	[tilespmem:$0x1378] =	vst v0  }
0x1bf: {  	[tilespmem:$0x1368] =	vst v0  }
0x1c0: {  	[tilespmem:$0x1358] =	vst v0  }
0x1c1: {  	[tilespmem:$0x1348] =	vst v0  }
0x1c2: {  	[tilespmem:$0x1338] =	vst v0  }
0x1c3: {  	[tilespmem:$0x1328] =	vst v0  }
0x1c4: {  	[tilespmem:$0x1318] =	vst v0  }
0x1c5: {  	[tilespmem:$0x1308] =	vst v0  }
0x1c6: {  	[tilespmem:$0x12F8] =	vst v0  }
0x1c7: {  	[tilespmem:$0x12E8] =	vst v0  }
0x1c8: {  	[tilespmem:$0x12D8] =	vst v0  }
0x1c9: {  	[tilespmem:$0x12C8] =	vst v0  }
0x1ca: {  	[tilespmem:$0x12B8] =	vst v0  }
0x1cb: {  	[tilespmem:$0x12A8] =	vst v0  }
0x1cc: {  	[tilespmem:$0x1298] =	vst v0  }
0x1cd: {  	[tilespmem:$0x1288] =	vst v0  }
0x1ce: {  	[tilespmem:$0x1278] =	vst v0  }
0x1cf: {  	[tilespmem:$0x1268] =	vst v0  }
0x1d0: {  	[tilespmem:$0x1258] =	vst v0  }
0x1d1: {  	[tilespmem:$0x1248] =	vst v0  }
0x1d2: {  	[tilespmem:$0x1238] =	vst v0  }
0x1d3: {  	[tilespmem:$0x1228] =	vst v0  }
0x1d4: {  	[tilespmem:$0x1218] =	vst v0  }
0x1d5: {  	[tilespmem:$0x1208] =	vst v0  }
0x1d6: {  	[tilespmem:$0x11F8] =	vst v0  }
0x1d7: {  	[tilespmem:$0x11E8] =	vst v0  }
0x1d8: {  	[tilespmem:$0x11D8] =	vst v0  }
0x1d9: {  	[tilespmem:$0x11C8] =	vst v0  }
0x1da: {  	[tilespmem:$0x11B8] =	vst v0  }
0x1db: {  	[tilespmem:$0x11A8] =	vst v0  }
0x1dc: {  	[tilespmem:$0x1198] =	vst v0  }
0x1dd: {  	[tilespmem:$0x1188] =	vst v0  }
0x1de: {  	[tilespmem:$0x1178] =	vst v0  }
0x1df: {  	[tilespmem:$0x1168] =	vst v0  }
0x1e0: {  	[tilespmem:$0x1158] =	vst v0  }
0x1e1: {  	[tilespmem:$0x1148] =	vst v0  }
0x1e2: {  	[tilespmem:$0x1138] =	vst v0  }
0x1e3: {  	[tilespmem:$0x1128] =	vst v0  }
0x1e4: {  	[tilespmem:$0x1118] =	vst v0  }
0x1e5: {  	s4 =	stileid.u32;
	[tilespmem:$0x1108] =	vst v0  }
0x1e6: {  	s0 =	sshll.u32 s4, $0x2;
	s1 =	smin.u32 s4, $0xC;
	[tilespmem:$0x10F8] =	vst v0  }
0x1e7: {  	[tilespmem:$0x10E8] =	vst v0;
	s0 =	sadd.s32 s1, s0  }
0x1e8: {  	p0 =	slt.u32 s4, $0xC;
	[tilespmem:$0x10C8] =	vst v0;
	s1 =	simm.s32 $0x870;
	s6 =	smul.u32 $0x1B0, s0  }
0x1e9: {  	s1 =	simm.s32 @!p0 $0x6C0;
	[tilespmem:$0x1038] =	vst v0  }
0x1ea: {  	[tilespmem:$0x10B8] =	vst v0;
	s0 =	sadd.s32 s1, s6  }
0x1eb: {  	[tilespmem:$0x10A8] =	vst v0;
	s7 =	smin.u32 s0, $0x8000  }
0x1ec: {  	[tilespmem:$0x1098] =	vst v0;
	s0 =	ssub.s32 s7, s6  }
0x1ed: {  	s3 =	simm.s32 $0x2;
	s8 =	simm.s32 $0x9;
	[tilespmem:$0x1088] =	vst v0;
	p0 =	sgt.s32 s0, $0x0  }
0x1ee: {  	s10 =	simm.s32 $0xA;
	s30 =	simm.s32 $0xB;
	[tilespmem:$0x1078] =	vst v0;
	s0 =	simm.s32 @!p0 $0x0  }
0x1ef: {  	s16 =	simm.s32 $0x0;
	p4 =	por $0x0, $0x0;
	[tilespmem:$0x1068] =	vst v0;
	s29 =	sand.u32 $0xFFF0, s0  }
0x1f0: {  	s17 =	simm.s32 $0xC;
	s21 =	simm.s32 $0x0;
	[tilespmem:$0x1058] =	vst v0;
	s1 =	sshrl.u32 s29, $0x4  }
0x1f1: {  	s18 =	simm.s32 $0x0;
	s2 =	sand.u32 $0x1, s2;
	[tilespmem:$0x1048] =	vst v0;
	s1 =	smul.u32 $0x12F7, s1  }
0x1f2: {  	s20 =	simm.s32 $0x0;
	s31 =	sshll.u32 s4, $0x5;
	[dreg:$0x5] =	wrdreg s2;
	[tilespmem:$0x1028] =	vst v0  }
0x1f3: {  	[tilespmem:$0x1008] =	vst v0;
	s2 =	sshll.u32 s2, $0xC;
	[sflag:s3] =	ssyncpa.u1 $0x0;
	s1 =	sshrl.u32 s1, $0x11  }
0x1f4: {  	v0 =	vimm.s32 $0xFFFFFFFF;
	s3 =	sadd.s32 $0x117400, s11;
	[dreg:$0x4] =	wrdreg s31;
	s5 =	smul.u32 $0x1B0, s1  }
.Ltmp5:
0x1f5: {  	s2 =	sadd.s32 s2, s11;
	[tilespmem:$0x3648] =	vst v0;
	[sflag:s8] =	ssyncpa.u1 $0x0;
	(pc) =	sbr.rel .LBB3_1-.Ltmp5, $4  }
0x1f6: {  	s11 =	sadd.s32 $0x17400, s11;
	[sflag:s10] =	ssyncpa.u1 $0x0;
	p0 =	sne.s32 s0, s5  }
0x1f7: {  	s14 =	sadd.s32 $0x15400, s2;
	s15 =	sadd.s32 $0x13400, s2;
	s12 =	simm.s32 @!p0 $0x0  }
0x1f8: {  	[sflag:s30] =	ssyncpa.u1 $0x0;
	s19 =	smov.u32 s6;
	s12 =	sadd.s32 s1, s12  }
0x1f9: {  	v0 =	vlaneseq.u32;
	[dreg:$0x6] =	wrdreg s6;
	p0 =	por $0x1, $0x1;
	s4 =	sadd.s32 $0x1, s12  }
.LBB3_18:
0x1fa: {  	s0 =	simm.s32 $0x2  }
0x1fb: {  	_ =	swait.ge [sflag:s0], $0x0  }
0x1fc: {  	[sflag:s0] =	ssyncset.done $0x0;
	s0 =	simm.s32 $0x0  }
.LBB3_19:
0x1fd: {  	_ =	swait.ge [sflag:s17], s0  }
0x1fe: {  	s31 =	ssub.s32 $0x0, s0;
	v1 =	vmov s23;
	vm0 =	veq.s32 v0, $0x0;
	[sflag:s17] =	ssyncset.done $0x0  }
0x1ff: {  	vm15 =	veq.s32 v0, $0x2;
	v1 =	vsel vm0, s28, v1;
	[sflag:s17] =	ssyncadd.s32 s31  }
0x200: {  	v1 =	vsel vm15, s21, v1;
	[sflag:s17] =	ssyncpa.u1 $0x1  }
0x201: {  	[tilespmem:$0x3648] =	vst v1  }
.LBB3_20:
0x202: {  	s0 =	sadd.s32 $0x1B0, s19  }
0x203: {  	s1 =	smov.u32 s6;
	p1 =	slt.s32 s0, s7  }
0x204: {  	s1 =	smov.u32 @p1 s0;
	p1 =	sne.s32 s20, s4  }
.Ltmp6:
0x205: {  	_ = 	snop;
	(pc) =	sbr.rel @!p1 .LBB3_21-.Ltmp6, $4  }
0x206: {  	_ = 	snop  }
0x207: {  	s21 =	smov.u32 s18  }
0x208: {  	s31 =	sadd.s32 $0x1, s20;
	s18 =	smov.u32 s19;
	p0 =	por !p0, !p0  }
0x209: {  	p4 =	por !p4, !p4;
	s20 =	smov.u32 s31;
	s19 =	smov.u32 s1  }
.LBB3_1:
0x20a: {  	p2 =	sge.u32 s20, s12  }
0x20b: {  	s0 =	smulhi.u32 @!p2 $0xAAAAAAAB, s20  }
0x20c: {  	s1 =	smov.u32 s19;
	p3 =	sgt.s32 @!p2 s19, $0x7E50  }
0x20d: {  	s2 =	sshra.s32 @!p2 s19, $0x1F;
	p3 =	por !p3, p2;
	s0 =	sshrl.u32 @!p2 s0, $0x1  }
0x20e: {  	s2 =	sand.u32 @!p2 s2, s19;
	s1 =	simm.s32 @p3 $0x7E50;
	s0 =	smul.u32 @!p2 $0x3, s0  }
0x20f: {  	s1 =	ssub.s32 @!p2 s1, s2  }
0x210: {  	s23 =	sadd.s32 $0xFFFFFFFF, s20;
	s1 =	sadd.s32 @!p2 $0xFFFF81B0, s1;
	s0 =	ssub.s32 @!p2 s20, s0  }
0x211: {  	s2 =	sshll.u32 @!p2 s1, $0x2;
	p3 =	sgt.s32 @!p2 s1, $0x1AF;
	s0 =	smul.u32 @!p2 $0x6C0, s0  }
0x212: {  	s5 =	sand.u32 @!p2 $0x7, s19;
	s1 =	ssub.s32 @!p2 $0x6C0, s2;
	p3 =	por !p3, p2  }
0x213: {  	s2 =	sshrl.u32 @!p2 s19, $0x3;
	s1 =	sshrl.u32 @!p2 s1, $0x2;
	s0 =	sshrl.u32 @!p2 s0, $0x2  }
0x214: {  	s2 =	sadd.s32 @!p2 s2, s14;
	s1 =	simm.s32 @!p3 $0x0;
	s0 =	sadd.s32 @!p2 $0x3888, s0  }
0x215: {  	[tilespmem:s0], [sflag:$0xA] =	stream.linear.gather @!p2 [hbm4b:s2+s5], s1, $0x38;
	[tilespmem:$0x1F0F8] =	vst v63  }
0x216: {  	p2 =	sge.u32 s23, s12  }
0x217: {  	p3 =	sgt.s32 @!p2 s18, $0x7E50  }
0x218: {  	s0 =	smov.u32 s18;
	s1 =	sshra.s32 @!p2 s18, $0x1F;
	p3 =	por !p3, p2  }
0x219: {  	s1 =	sand.u32 @!p2 s1, s18;
	s0 =	simm.s32 @p3 $0x7E50  }
0x21a: {  	s0 =	ssub.s32 @!p2 s0, s1  }
0x21b: {  	s0 =	sadd.s32 @!p2 $0xFFFF81B0, s0  }
0x21c: {  	s1 =	sshll.u32 @!p2 s0, $0x2  }
0x21d: {  	p3 =	sgt.s32 @!p2 s0, $0x1AF;
	s0 =	ssub.s32 @!p2 $0x6C0, s1  }
0x21e: {  	s22 =	ssub.s32 @!p2 $0x8000, s18;
	p3 =	por !p3, p2;
	s0 =	sshrl.u32 @!p2 s0, $0x2  }
0x21f: {  	s1 =	sand.u32 @!p2 $0x1, s23;
	s0 =	simm.s32 @!p3 $0x0;
	p3 =	slt.s32 @!p2 s22, $0x1  }
0x220: {  	s2 =	simm.s32 @!p2 $0xA;
	s1 =	smul.u32 @!p2 $0x6C0, s1;
	p3 =	por p2, p3  }
.Ltmp7:
0x221: {  	_ =	swait.ge @!p2 [sflag:s2], s0;
	(pc) =	sbr.rel @p3 .LBB3_7-.Ltmp7, $4  }
0x222: {  	s5 =	ssub.s32 @!p2 $0x0, s0;
	[sflag:s2] =	ssyncset.done @!p2 $0x0  }
0x223: {  	s1 =	sshrl.u32 @!p2 s1, $0x2;
	[sflag:s2] =	ssyncadd.s32 @!p2 s5;
	s2 =	sshrl.u32 @!p2 s18, $0x3  }
0x224: {  	s1 =	sadd.s32 @!p2 $0x3D98, s1;
	s5 =	sand.u32 @!p2 $0x7, s18;
	s2 =	sadd.s32 @!p2 s2, s15  }
0x225: {  	[tilespmem:s1], [sflag:$0xB] =	stream.linear.gather @!p2 [hbm4b:s2+s5], s0, $0x38;
	[tilespmem:$0x1F0F8] =	vst v63  }
0x226: {  	s0 =	smulhi.u32 $0xAAAAAAAB, s23;
	_ =	sdelay $0x1  }
0x227: {  	s0 =	sshrl.u32 s0, $0x1  }
0x228: {  	s0 =	smul.u32 $0x3, s0;
	_ =	sdelay $0x1  }
0x229: {  	s0 =	ssub.s32 s23, s0  }
0x22a: {  	s1 =	simm.s32 $0x1;
	s0 =	smul.u32 $0x6C0, s0  }
.Ltmp8:
0x22b: {  	s1 =	simm.s32 @!p0 $0x0;
	(pc) =	sbr.rel .LBB3_4-.Ltmp8, $4  }
0x22c: {  	s1 =	smul.u32 $0x36000, s1  }
0x22d: {  	p3 =	slt.s32 @!p2 s22, $0x1B0;
	s0 =	sshrl.u32 s0, $0x2  }
0x22e: {  	p2 =	por !p3, p2;
	s1 =	sshrl.u32 s1, $0x2;
	s0 =	sadd.s32 $0x3888, s0  }
0x22f: {  	s24 =	simm.s32 $0x0;
	s22 =	simm.s32 @p2 $0x1B0;
	s23 =	sadd.s32 $0x40F8, s1;
	v1 =	vmov s0  }
.LBB3_3:
0x230: {  	p2 =	sge.s32 s24, s22  }
.Ltmp9:
0x231: {  	_ = 	snop;
	(pc) =	sbr.rel @p2 .LBB3_7-.Ltmp9, $2  }
0x232: {  	_ =	sdelay $0x2  }
0x233: {  	s23 =	sadd.s32 $0x800, s23  }
.LBB3_4:
0x234: {  	p2 =	sle.s32 s22, s24  }
.Ltmp10:
0x235: {  	_ = 	snop;
	(pc) =	sbr.rel @p2 .LBB3_3-.Ltmp10, $2  }
0x236: {  	_ =	sdelay $0x2  }
0x237: {  	s0 =	smov.u32 s24;
	s24 =	sadd.s32 $0x10, s24  }
0x238: {  	s1 =	ssub.s32 s22, s0  }
0x239: {  	p2 =	slt.s32 s1, $0x10  }
0x23a: {  	s1 =	simm.s32 @!p2 $0x10  }
0x23b: {  	v2 =	vmov s1  }
0x23c: {  	vm0 =	vgt.s32 v2, v0;
	_ =	sdelay $0x5  }
0x23d: {  	v2 =	vld.idx.msk [tilespmem:v1+s0+$0x0 ss:$0x1], vm0;
	_ =	sdelay $0x2  }
0x23e: {  	p2 =	slt.s32 s24, s22;
	s1 =	smov.u32 s22  }
0x23f: {  	s2 =	smov.u32 s23;
	s25 =	simm.s32 $0x0;
	s1 =	smov.u32 @p2 s24  }
.LBB3_6:
0x240: {  	(v2sf) =	vpush v2, s25;
	_ =	sdelay $0xc  }
0x241: {  	s25 =	sadd.s32 $0x1, s25  }
0x242: {  	s31 =	sadd.s32 s25, s0  }
0x243: {  	p2 =	slt.s32 s31, s1;
	s5 =	spop (v2sf)  }
.Ltmp11:
0x244: {  	s5 =	sshll.u32 s5, $0x4;
	(pc) =	sbr.rel @p2 .LBB3_6-.Ltmp11, $4  }
0x245: {  	s5 =	sand.u32 $0x1FFFFFF0, s5  }
0x246: {  	s5 =	sadd.s32 s11, s5  }
0x247: {  	[tilespmem:s2], [sflag:$0x9] =	stream.linear.gather [hbm4b:s5+s16], $0x4, $0x38;
	[tilespmem:$0x1F0F8] =	vst v63  }
0x248: {  	s2 =	sadd.s32 $0x80, s2  }
.Ltmp12:
0x249: {  	_ = 	snop;
	(pc) =	sbr.rel .LBB3_3-.Ltmp12, $1  }
0x24a: {  	_ =	sdelay $0x3  }
.LBB3_7:
0x24b: {  	p2 =	slt.u32 s20, $0x2  }
.Ltmp13:
0x24c: {  	_ = 	snop;
	(pc) =	sbr.rel @p2 .LBB3_20-.Ltmp13, $1  }
0x24d: {  	_ =	sdelay $0x3  }
0x24e: {  	p2 =	sgt.s32 s21, $0x7E50  }
0x24f: {  	s0 =	smov.u32 s21;
	s1 =	sshra.s32 s21, $0x1F;
	s2 =	ssub.s32 $0x8000, s21  }
0x250: {  	s0 =	simm.s32 @!p2 $0x7E50;
	s1 =	sand.u32 s1, s21;
	p2 =	slt.s32 s2, $0x1B0  }
0x251: {  	s0 =	ssub.s32 s0, s1;
	s2 =	simm.s32 @!p2 $0x1B0  }
0x252: {  	s0 =	sadd.s32 $0xFFFF81B0, s0;
	s24 =	sshll.u32 s2, $0x2  }
0x253: {  	s28 =	simm.s32 $0x9;
	s25 =	sshll.u32 s0, $0x2;
	s1 =	sand.u32 $0x3FFFFFFC, s24  }
0x254: {  	p2 =	sgt.s32 s0, $0x1AF;
	s26 =	ssub.s32 $0x6C0, s25;
	_ =	swait.ge [sflag:s28], s1  }
0x255: {  	s1 =	ssub.s32 $0x0, s1;
	[sflag:s28] =	ssyncset.done $0x0;
	s0 =	sshrl.u32 s26, $0x2  }
0x256: {  	s30 =	simm.s32 $0xB;
	[sflag:s28] =	ssyncadd.s32 s1;
	s0 =	simm.s32 @p2 $0x0  }
0x257: {  	_ =	swait.ge [sflag:s30], s0  }
0x258: {  	s0 =	ssub.s32 $0x0, s0;
	[sflag:s30] =	ssyncset.done $0x0  }
0x259: {  	[sflag:s30] =	ssyncadd.s32 s0  }
0x25a: {  	v1 =	vld [tilespmem:$0x3648];
	_ =	sdelay $0x4  }
0x25b: {  	(v2sf) =	vpush v1, $0x0  }
0x25c: {  	(v2sf) =	vpush v1, $0x1  }
0x25d: {  	(v2sf) =	vpush v1, $0x2;
	_ =	sdelay $0x3  }
0x25e: {  	s0 =	sadd.s32 $0x1B0, s21  }
0x25f: {  	s1 =	ssub.s32 $0x10000, s21;
	p2 =	slt.s32 s7, s0  }
0x260: {  	s0 =	smov.u32 @p2 s7;
	p2 =	sgt.s32 s1, $0x0  }
0x261: {  	s25 =	ssub.s32 s0, s21;
	s1 =	simm.s32 @!p2 $0x0  }
0x262: {  	p2 =	slt.s32 s1, s25  }
0x263: {  	s25 =	smov.u32 @p2 s1  }
0x264: {  	s24 =	simm.s32 $0x1;
	p2 =	slt.s32 s25, $0x1  }
.Ltmp14:
0x265: {  	s24 =	simm.s32 @!p4 $0x0;
	(pc) =	sbr.rel @p2 .LBB3_12-.Ltmp14, $4  }
0x266: {  	s31 =	smul.u32 $0x6C0, s24  }
0x267: {  	s26 =	spop (v2sf)  }
0x268: {  	s0 =	sshrl.u32 s31, $0x2;
	s29 =	spop (v2sf)  }
0x269: {  	s22 =	sadd.s32 $0x3D98, s0;
	s21 =	spop (v2sf)  }
0x26a: {  	s0 =	smin.u32 s25, $0x10  }
0x26b: {  	v1 =	vmov s0  }
0x26c: {  	p3 =	sgt.s32 s25, $0x10;
	vm1 =	vgt.u32 v1, v0  }
.Ltmp15:
0x26d: {  	_ = 	snop;
	(pc) =	sbr.rel @!p3 .LBB3_11-.Ltmp15, $2  }
0x26e: {  	_ =	sdelay $0x2  }
0x26f: {  	s23 =	simm.s32 $0x10;
	s28 =	sadd.s32 $0xFFFFFFF0, s25;
	s0 =	smov.u32 s22;
	vm0 =	vmmov vm1  }
.LBB3_10:
0x270: {  	s1 =	smin.u32 s28, $0x10;
	s23 =	sadd.s32 $0x10, s23;
	v1 =	vld.msk [tilespmem:s0+$0x0 ss:$0x1], vm1  }
0x271: {  	v2 =	vmov s1;
	p3 =	slt.s32 s23, s25  }
0x272: {  	vm1 =	vgt.u32 v2, v0  }
.Ltmp16:
0x273: {  	(pc) =	sbr.rel @p3 .LBB3_10-.Ltmp16, $3  }
0x274: {  	_ =	sdelay $0x1  }
0x275: {  	v1 =	vshll.u32 v1, $0x4  }
0x276: {  	s28 =	sadd.s32 $0xFFFFFFF0, s28;
	[tilespmem:s0+$0x0] =	vst.msk vm0, v1;
	s0 =	sadd.s32 $0x10, s0;
	vm0 =	vmmov vm1  }
.LBB3_11:
0x277: {  	_ =	sdelay $0x4  }
0x278: {  	v1 =	vld.msk [tilespmem:s0+$0x0 ss:$0x1], vm1;
	_ =	sdelay $0x4  }
0x279: {  	v1 =	vshll.u32 v1, $0x4  }
0x27a: {  	[tilespmem:s0+$0x0] =	vst.msk vm0, v1  }
.LBB3_12:
0x27b: {  	s0 =	sand.u32 $0x1, s20  }
0x27c: {  	s0 =	smul.u32 $0x1B0, s0  }
0x27d: {  	p3 =	sne.s32 s29, $0xFFFFFFFF  }
0x27e: {  	v1 =	vld.msk @!p3 [tilespmem:s0+$0x3D98], $0x1;
	_ =	sdelay $0x4  }
0x27f: {  	(v2sf) =	vpush @!p3 v1, $0x0;
	_ =	sdelay $0xc  }
.Ltmp17:
0x280: {  	_ = 	snop;
	(pc) =	sbr.rel @p2 .LBB3_18-.Ltmp17, $4  }
0x281: {  	_ = 	snop  }
0x282: {  	s28 =	spop @!p3 (v2sf)  }
0x283: {  	s21 =	simm.s32 @!p3 $0x0;
	s23 =	smov.u32 s28  }
0x284: {  	[sflag:s17] =	ssyncpa.u1 $0x0;
	s28 =	smov.u32 @p3 s26;
	s23 =	smov.u32 @p3 s29  }
0x285: {  	v1 =	vld.msk [tilespmem:s22+$0x0], $0x1;
	_ =	sdelay $0x4  }
0x286: {  	(v2sf) =	vpush v1, $0x0;
	_ =	sdelay $0xe  }
0x287: {  	s0 =	simm.s32 @!p4 $0x0;
	s26 =	smul.u32 $0x36000, s24;
	s31 =	spop (v2sf)  }
0x288: {  	s29 =	ssub.s32 $0x0, s25;
	s0 =	simm.s32 @p4 $0x1;
	p2 =	seq.s32 s28, s31  }
0x289: {  	s1 =	smov.u32 s28;
	[smem:$0x7FD] =	sst s0;
	p3 =	sgt.s32 @!p2 s28, $0x0  }
0x28a: {  	s0 =	sshrl.u32 s26, $0x2;
	s26 =	sadd.s32 $0x1, s29;
	p3 =	por !p3, p2  }
0x28b: {  	s1 =	simm.s32 @p3 $0x0;
	p3 =	seq.s32 s26, $0x0  }
.Ltmp18:
0x28c: {  	_ = 	snop;
	(pc) =	sbr.rel @p3 .LBB3_15-.Ltmp18, $4  }
0x28d: {  	s6 =	smov.u32 s4;
	s25 =	simm.s32 $0x0  }
0x28e: {  	s24 =	sadd.s32 $0x40F8, s0;
	s0 =	simm.s32 @!p2 $0x1;
	s2 =	smin.u32 @!p2 s1, $0x7FFF  }
0x28f: {  	s30 =	sadd.s32 $0x1, s22;
	s0 =	smov.u32 @p2 s25;
	s5 =	sand.u32 @!p2 $0x7FF8, s2  }
0x290: {  	s1 =	simm.s32 @!p2 $0x1B38;
	s2 =	sand.u32 @!p2 $0x7, s2;
	s5 =	sadd.s32 @!p2 s3, s5  }
.LBB3_14:
0x291: {  	s4 =	smov.u32 s0  }
0x292: {  	[tilespmem:s1], [sflag:$0x2] =	stream.linear.gather @!p2 [hbm4b:s5+s2], $0x4, $0x38;
	[tilespmem:$0x1F0F8] =	vst v63  }
0x293: {  	s26 =	sadd.s32 $0x1, s26;
	s2 =	smov.u32 s31;
	v1 =	vld.msk [tilespmem:s30+$0x0], $0x1  }
0x294: {  	p3 =	seq.s32 s26, $0x0;
	_ =	sdelay $0x3  }
0x295: {  	(v2sf) =	vpush v1, $0x0;
	_ =	sdelay $0xe  }
0x296: {  	s31 =	spop (v2sf)  }
0x297: {  	p2 =	seq.s32 s2, s31  }
0x298: {  	p4 =	sgt.s32 @!p2 s2, $0x0;
	s1 =	sshll.u32 @!p2 s0, $0x6;
	s0 =	sadd.s32 @!p2 $0x1, s0  }
.Ltmp19:
0x299: {  	p4 =	por !p4, p2;
	s1 =	sshra.s32 @!p2 s1, $0x2;
	(pc) =	sbr.rel @!p3 .LBB3_14-.Ltmp19, $4  }
0x29a: {  	s0 =	smov.u32 @p2 s4;
	s2 =	simm.s32 @p4 $0x0;
	s1 =	sadd.s32 @!p2 $0x1B38, s1  }
0x29b: {  	s2 =	smin.u32 @!p2 s2, $0x7FFF  }
0x29c: {  	s4 =	sand.u32 @!p2 $0x7FF8, s2;
	s2 =	sand.u32 @!p2 $0x7, s2  }
0x29d: {  	s30 =	sadd.s32 $0x1, s30;
	s5 =	sadd.s32 @!p2 s3, s4  }
.LBB3_15:
0x29e: {  	[tilespmem:s1], [sflag:$0x2] =	stream.linear.gather @!p2 [hbm4b:s5+s2], $0x4, $0x38;
	[tilespmem:$0x1F0F8] =	vst v63  }
0x29f: {  	s0 =	sshll.u32 s0, $0x2  }
0x2a0: {  	s31 =	simm.s32 $0x2;
	s0 =	sand.u32 $0x3FFFFFFC, s0  }
0x2a1: {  	_ =	swait.ge [sflag:s31], s0  }
0x2a2: {  	s0 =	ssub.s32 $0x0, s0;
	[sflag:s31] =	ssyncset.done $0x0  }
0x2a3: {  	[sflag:s31] =	ssyncadd.s32 s0  }
0x2a4: {  	v1 =	vld.msk [tilespmem:s22+$0x0], $0x1;
	_ =	sdelay $0x4  }
0x2a5: {  	(v2sf) =	vpush v1, $0x0;
	_ =	sdelay $0xe  }
0x2a6: {  	s26 =	spop (v2sf)  }
0x2a7: {  	p2 =	sne.s32 s28, s26  }
0x2a8: {  	p4 =	sne.s32 @p2 s28, s23  }
0x2a9: {  	p3 =	por !p4, !p2  }
0x2aa: {  	s0 =	simm.s32 @!p3 $0x0  }
0x2ab: {  	v1 =	vld.msk @!p3 [tilespmem:s0+$0x1B38], $0xf  }
0x2ac: {  	p5 =	sgt.u32 @!p3 s28, $0x7FFF  }
0x2ad: {  	s1 =	sshll.u32 @!p3 s21, $0x6;
	p6 =	por @p2 p5, !p4  }
0x2ae: {  	s1 =	sshra.s32 @!p3 s1, $0x2;
	p1 =	por p6, !p2;
	p6 =	por p4, !p2  }
0x2af: {  	s2 =	sadd.s32 @!p3 $0x28, s1;
	s4 =	sand.u32 @!p1 $0x7FF8, s28;
	s5 =	sshll.u32 @!p6 s21, $0x6  }
0x2b0: {  	s28 =	sand.u32 @!p1 $0x7, s28;
	[tilespmem:s1+$0x28] =	vst.add.f32.msk @!p3 $0xf, v1;
	s1 =	sadd.s32 @!p1 s3, s4;
	s4 =	sshra.s32 @!p6 s5, $0x2  }
0x2b1: {  	[hbm4b:s1+s28] =	stream.linear.scatter @!p1 [tilespmem:s2], [sflag:$0xC], $0x4, $0x38;
	[tilespmem:$0x1F0F8] =	vst v63  }
0x2b2: {  	s0 =	rddreg [dreg:$0x4];
	s1 =	sadd.s32 @!p6 $0x28, s4;
	s2 =	simm.s32 @!p6 $0x1  }
0x2b3: {  	[spmem:s0] =	stream.linear.scatter @!p6 [tilespmem:s1], [sflag:$0x1], $0x4, $0x38;
	[tilespmem:$0x1F0F8] =	vst v63  }
0x2b4: {  	s0 =	sadd.s32 @p2 $0x1, s21;
	_ =	swait.ge @!p6 [sflag:s2], $0x4  }
0x2b5: {  	s1 =	sshrl.u32 @p2 s0, $0x4;
	[sflag:s2] =	ssyncset.done @!p6 $0x0  }
0x2b6: {  	s1 =	smulhi.u32 @p2 $0x97B425F, s1;
	[sflag:s2] =	ssyncadd.s32 @!p6 $0xFFFFFFFC  }
0x2b7: {  	s28 =	sadd.s32 $0x1, s29;
	v1 =	vld.msk @p2 [tilespmem:s24+$0x0], $0xf  }
0x2b8: {  	p1 =	por @p2 !p5, !p4;
	p4 =	seq.s32 s28, $0x0;
	s1 =	smul.u32 @p2 $0x1B0, s1  }
.Ltmp20:
0x2b9: {  	p1 =	por !p1, !p2;
	s2 =	simm.s32 @!p3 $0x0;
	(pc) =	sbr.rel @p4 .LBB3_17-.Ltmp20, $4  }
0x2ba: {  	s4 =	sshll.u32 @!p2 s21, $0x6;
	s2 =	simm.s32 @!p1 $0x10;
	s0 =	ssub.s32 @p2 s0, s1  }
0x2bb: {  	s29 =	simm.s32 $0x0;
	s2 =	sadd.s32 @!p3 $0x0, s2;
	s5 =	sshll.u32 @p2 s0, $0x4  }
0x2bc: {  	s30 =	sshra.s32 @!p2 s4, $0x2;
	s1 =	simm.s32 @p2 $0x1;
	s2 =	smov.u32 @p3 s25;
	[tilespmem:s5+$0x28] =	vst.msk @p2 $0xf, v1  }
0x2bd: {  	s21 =	smov.u32 @p2 s0;
	s29 =	smov.u32 @p2 s2;
	s25 =	smov.u32 @p2 s1;
	v1 =	vld.msk @!p2 [tilespmem:s24+$0x0], $0xf  }
.LBB3_16:
0x2be: {  	_ =	sdelay $0x3  }
0x2bf: {  	s22 =	sadd.s32 $0x1, s22;
	[tilespmem:s30+$0x28] =	vst.add.f32.msk @!p2 $0xf, v1  }
0x2c0: {  	v1 =	vld.msk [tilespmem:s22+$0x0], $0x1;
	_ =	sdelay $0x4  }
0x2c1: {  	(v2sf) =	vpush v1, $0x0;
	_ =	sdelay $0xe  }
0x2c2: {  	s0 =	smov.u32 s26;
	s26 =	spop (v2sf)  }
0x2c3: {  	p2 =	sne.s32 s0, s26  }
0x2c4: {  	p5 =	sne.s32 @p2 s0, s23  }
0x2c5: {  	s4 =	sshll.u32 @!p2 s21, $0x6;
	p4 =	por !p5, !p2  }
0x2c6: {  	s30 =	sshra.s32 @!p2 s4, $0x2;
	s4 =	sshll.u32 @!p4 s25, $0x6  }
0x2c7: {  	s4 =	sshra.s32 @!p4 s4, $0x2  }
0x2c8: {  	p1 =	sgt.u32 @!p4 s0, $0x7FFF;
	v1 =	vld.msk @!p4 [tilespmem:s4+$0x1B38], $0xf  }
0x2c9: {  	s31 =	sshll.u32 @!p4 s21, $0x6;
	p6 =	por @p2 p1, !p5;
	p1 =	por @p2 !p1, !p5  }
0x2ca: {  	s8 =	simm.s32 @!p4 $0x0;
	s31 =	sshra.s32 @!p4 s31, $0x2;
	p1 =	por !p1, !p2  }
0x2cb: {  	p5 =	por p5, !p2;
	s8 =	simm.s32 @!p1 $0x10;
	p1 =	por p6, !p2  }
0x2cc: {  	s4 =	sadd.s32 @!p4 $0x28, s31;
	s13 =	sshll.u32 @!p5 s21, $0x6;
	s10 =	sand.u32 @!p1 $0x7FF8, s0  }
0x2cd: {  	s13 =	sshra.s32 @!p5 s13, $0x2;
	s0 =	sand.u32 @!p1 $0x7, s0;
	s10 =	sadd.s32 @!p1 s3, s10;
	[tilespmem:s31+$0x28] =	vst.add.f32.msk @!p4 $0xf, v1  }
0x2ce: {  	[hbm4b:s10+s0] =	stream.linear.scatter @!p1 [tilespmem:s4], [sflag:$0xC], $0x4, $0x38;
	[tilespmem:$0x1F0F8] =	vst v63  }
0x2cf: {  	s1 =	rddreg [dreg:$0x4];
	s0 =	sadd.s32 @!p5 $0x28, s13;
	s4 =	simm.s32 @!p5 $0x1  }
0x2d0: {  	[spmem:s1] =	stream.linear.scatter @!p5 [tilespmem:s0], [sflag:$0x1], $0x4, $0x38;
	[tilespmem:$0x1F0F8] =	vst v63  }
0x2d1: {  	s2 =	sadd.s32 @p2 $0x1, s21;
	_ =	swait.ge @!p5 [sflag:s4], $0x4  }
0x2d2: {  	s5 =	sshrl.u32 @p2 s2, $0x4;
	[sflag:s4] =	ssyncset.done @!p5 $0x0  }
0x2d3: {  	s24 =	sadd.s32 $0x80, s24;
	s5 =	smulhi.u32 @p2 $0x97B425F, s5;
	[sflag:s4] =	ssyncadd.s32 @!p5 $0xFFFFFFFC  }
0x2d4: {  	s28 =	sadd.s32 $0x1, s28;
	v1 =	vld.msk @p2 [tilespmem:s24+$0x0], $0xf  }
0x2d5: {  	p3 =	seq.s32 s28, $0x0;
	s5 =	smul.u32 @p2 $0x1B0, s5  }
.Ltmp21:
0x2d6: {  	_ = 	snop;
	(pc) =	sbr.rel @!p3 .LBB3_16-.Ltmp21, $4  }
0x2d7: {  	s2 =	ssub.s32 @p2 s2, s5  }
0x2d8: {  	s8 =	sadd.s32 @!p4 s8, s29;
	s5 =	sshll.u32 @p2 s2, $0x4  }
0x2d9: {  	s9 =	sadd.s32 @p2 $0x1, s25;
	s8 =	smov.u32 @p4 s29;
	[tilespmem:s5+$0x28] =	vst.msk @p2 $0xf, v1  }
0x2da: {  	s25 =	smov.u32 @p2 s9;
	s21 =	smov.u32 @p2 s2;
	s29 =	smov.u32 @p2 s8;
	v1 =	vld.msk @!p2 [tilespmem:s24+$0x0], $0xf  }
.LBB3_17:
.Ltmp22:
0x2db: {  	_ = 	snop;
	(pc) =	sbr.rel .LBB3_19-.Ltmp22, $3  }
0x2dc: {  	s1 =	sld [smem:$0x7FD];
	_ =	sdelay $0x1  }
0x2dd: {  	s0 =	sshrl.u32 s29, $0x2;
	s28 =	smov.u32 s26  }
0x2de: {  	s4 =	smov.u32 s6;
	s6 =	rddreg [dreg:$0x6];
	p4 =	seq.s32 s1, $0x1;
	[tilespmem:s30+$0x28] =	vst.add.f32.msk @!p2 $0xf, v1  }
.LBB3_21:
0x2df: {  	_ =	sfence.sel $0x180000  }
0x2e0: {  	s0 =	simm.s32 $0x9;
	[bflag:$0x0] =	sbarrier.arrive $0xFFFF  }
0x2e1: {  	s24 =	simm.s32 $0xA;
	[sflag:s0] =	ssyncpa.u1 $0x1  }
0x2e2: {  	s25 =	simm.s32 $0xB;
	[sflag:s24] =	ssyncpa.u1 $0x1  }
0x2e3: {  	s26 =	simm.s32 $0x2;
	[sflag:s25] =	ssyncpa.u1 $0x1  }
0x2e4: {  	[sflag:s26] =	ssyncpa.u1 $0x1  }
0x2e5: {  	v0 =	vld [tilespmem:$0x3648];
	_ =	sdelay $0x4  }
0x2e6: {  	(v2sf) =	vpush v0, $0x0  }
0x2e7: {  	(v2sf) =	vpush v0, $0x1;
	_ =	sdelay $0x1  }
0x2e8: {  	(v2sf) =	vpush v0, $0x2;
	_ =	sdelay $0xb  }
0x2e9: {  	s0 =	spop (v2sf)  }
0x2ea: {  	s1 =	spop (v2sf)  }
0x2eb: {  	s2 =	smov.u32 s0;
	p0 =	sne.s32 s0, s1  }
0x2ec: {  	s4 =	spop (v2sf);
	s2 =	simm.s32 @!p0 $0xFFFFFFFF  }
0x2ed: {  	v2 =	vimm.s32 $0x1;
	v3 =	vlaneseq.u32;
	p0 =	seq.s32 s4, $0xFFFFFFFF;
	v1 =	vmov s2  }
0x2ee: {  	s16 =	stileid.u32;
	v0 =	vperm.xlane v0, v2;
	p1 =	sne.s32 @!p0 s0, s1;
	v1 =	vperm.xlane v1, v3  }
0x2ef: {  	vm0 =	vcmask $0x3F04;
	s6 =	simm.s32 $0x3648;
	s0 =	simm.s32 @!p0 $0x1;
	p1 =	por !p1, p0  }
0x2f0: {  	s2 =	sshll.u32 s16, $0x1;
	s1 =	sshll.u32 @!p0 s4, $0x6;
	s0 =	simm.s32 @p1 $0x0;
	v0 =	vsel vm0, v1, v0  }
0x2f1: {  	s5 =	sor.u32 $0x200, s2;
	s1 =	sshra.s32 @!p0 s1, $0x2;
	s0 =	sor.u32 @!p0 s0, s2;
	[tilespmem:$0x3648] =	vst v0  }
0x2f2: {  	[spmem:s5] =	stream.linear.scatter [tilespmem:s6], [sflag:$0x1], $0x2, $0x38;
	[tilespmem:$0x1F0F8] =	vst v63  }
0x2f3: {  	s1 =	sadd.s32 @!p0 $0x28, s1;
	s0 =	sshll.u32 @!p0 s0, $0x4  }
0x2f4: {  	[spmem:s0] =	stream.linear.scatter @!p0 [tilespmem:s1], [sflag:$0x1], $0x10, $0x38;
	[tilespmem:$0x1F0F8] =	vst v63  }
0x2f5: {  	s0 =	simm.s32 @!p0 $0x12  }
0x2f6: {  	s28 =	simm.s32 $0x1;
	s0 =	simm.s32 @p0 $0x2  }
0x2f7: {  	_ =	swait.ge [sflag:s28], s0  }
0x2f8: {  	s0 =	ssub.s32 $0x0, s0;
	[sflag:s28] =	ssyncset.done $0x0  }
0x2f9: {  	p0 =	sne.s32 s16, $0x0;
	[sflag:s28] =	ssyncadd.s32 s0  }
.Ltmp23:
0x2fa: {  	_ =	sfence.stream.spmem;
	(pc) =	sbr.rel @p0 .LBB3_38-.Ltmp23, $4  }
0x2fb: {  	s29 =	simm.s32 $0x3;
	[bflag:$0x0] =	sbarrier.arrive $0xFFFF  }
0x2fc: {  	s30 =	simm.s32 $0x4;
	[sflag:s29] =	ssyncpa.u1 $0x1  }
0x2fd: {  	s31 =	simm.s32 $0x3C;
	[sflag:s30] =	ssyncpa.u1 $0x1  }
0x2fe: {  	s17 =	rddreg [dreg:$0x5];
	[sflag:s31] =	ssyncpa.u1 $0x1  }
0x2ff: {  	_ =	sfence.stream.spmem;
	s0 =	simm.s32 $0x5  }
0x300: {  	s1 =	simm.s32 $0x200;
	s2 =	simm.s32 $0x3658;
	[sflag:s0] =	ssyncpa.u1 $0x0  }
0x301: {  	[tilespmem:s2], [sflag:$0x5] =	stream.linear.gather [spmem:s1], $0x20, $0x38;
	[tilespmem:$0x1F0F8] =	vst v63  }
0x302: {  	s26 =	simm.s32 $0x0;
	s28 =	simm.s32 $0x3678  }
0x303: {  	[tilespmem:s28], [sflag:$0x5] =	stream.linear.gather [spmem:s26], $0x200, $0x38;
	[tilespmem:$0x1F0F8] =	vst v63  }
0x304: {  	_ =	swait.ge [sflag:s0], $0x220  }
0x305: {  	[sflag:s0] =	ssyncset.done $0x0  }
0x306: {  	s29 =	simm.s32 $0x0;
	[sflag:s0] =	ssyncadd.s32 $0xFFFFFDE0  }
0x307: {  	v0 =	vld.msk [tilespmem:s29+$0x3658], $0x1;
	_ =	sdelay $0x1  }
0x308: {  	s30 =	simm.s32 $0x1  }
0x309: {  	v1 =	vld.msk [tilespmem:s30+$0x3658], $0x1;
	_ =	sdelay $0x1  }
0x30a: {  	(v2sf) =	vpush v0, $0x0;
	_ =	sdelay $0x2  }
0x30b: {  	(v2sf) =	vpush v1, $0x0;
	_ =	sdelay $0x2  }
0x30c: {  	s31 =	simm.s32 $0x2  }
0x30d: {  	v0 =	vld.msk [tilespmem:s31+$0x3658], $0x1;
	_ =	sdelay $0x2  }
0x30e: {  	s6 =	simm.s32 $0xFFFFFFFF;
	s1 =	simm.s32 $0xFFFFFFFF;
	s0 =	simm.s32 $0xC  }
.LBB3_23:
0x30f: {  	s2 =	smov.u32 s6;
	s4 =	smov.u32 s1  }
0x310: {  	s1 =	sshra.s32 s0, $0x2;
	p1 =	sne.s32 s0, $0x7C;
	s0 =	sadd.s32 $0x4, s0;
	(v2sf) =	vpush v0, $0x0  }
0x311: {  	v0 =	vld.msk [tilespmem:s1+$0x3658], $0x1  }
.Ltmp24:
0x312: {  	(pc) =	sbr.rel @p1 .LBB3_23-.Ltmp24, $4  }
0x313: {  	s6 =	spop (v2sf)  }
0x314: {  	p2 =	sne.s32 s4, $0xFFFFFFFF;
	s1 =	smov.u32 s6  }
0x315: {  	p3 =	seq.s32 s6, $0xFFFFFFFF;
	s1 =	smov.u32 @p2 s4  }
0x316: {  	s6 =	smov.u32 @p3 s2;
	s1 =	smov.u32 @p3 s4  }
0x317: {  	(v2sf) =	vpush v0, $0x0;
	_ =	sdelay $0x8  }
0x318: {  	s0 =	spop (v2sf)  }
0x319: {  	p1 =	sne.s32 s1, $0xFFFFFFFF;
	s2 =	smov.u32 s0  }
0x31a: {  	s9 =	simm.s32 $0x6;
	p2 =	seq.s32 s0, $0xFFFFFFFF;
	s2 =	smov.u32 @p1 s1  }
0x31b: {  	s10 =	simm.s32 $0x3638;
	s2 =	smov.u32 @p2 s1;
	s1 =	spop (v2sf)  }
0x31c: {  	s0 =	smov.u32 @p2 s6;
	p1 =	sne.s32 s2, $0xFFFFFFFF;
	s4 =	smov.u32 s1  }
.Ltmp25:
0x31d: {  	p2 =	seq.s32 s1, $0xFFFFFFFF;
	s4 =	smov.u32 @p1 s2;
	(pc) =	sbr.rel .LBB3_25-.Ltmp25, $4  }
0x31e: {  	s11 =	simm.s32 $0x0;
	s4 =	smov.u32 @p2 s2;
	s7 =	spop (v2sf)  }
0x31f: {  	[sflag:s9] =	ssyncpa.u1 $0x0;
	p1 =	sne.s32 s4, $0xFFFFFFFF;
	s8 =	smov.u32 s7  }
0x320: {  	s1 =	smov.u32 @p2 s0;
	p2 =	seq.s32 s7, $0xFFFFFFFF;
	s8 =	smov.u32 @p1 s4  }
0x321: {  	s6 =	simm.s32 $0x0;
	s7 =	smov.u32 @p2 s1;
	s8 =	smov.u32 @p2 s4  }
.LBB3_30:
0x322: {  	p1 =	sgt.u32 s12, $0x7FFF  }
0x323: {  	p2 =	seq.s32 @!p1 s12, s8  }
0x324: {  	p1 =	por p1, p2  }
0x325: {  	p2 =	sne.s32 @!p1 s12, s7  }
0x326: {  	p1 =	por p1, !p2  }
0x327: {  	s0 =	sshll.u32 @p1 s11, $0x6  }
0x328: {  	s0 =	sand.u32 @!p1 $0x7FF8, s12  }
0x329: {  	s1 =	sand.u32 @!p1 $0x7, s12;
	s0 =	sadd.s32 @!p1 s3, s0  }
0x32a: {  	[tilespmem:s10], [sflag:$0x6] =	stream.linear.gather @!p1 [hbm4b:s0+s1], $0x4, $0x38;
	[tilespmem:$0x1F0F8] =	vst v63  }
0x32b: {  	_ =	swait.ge @!p1 [sflag:s9], $0x4  }
0x32c: {  	[sflag:s9] =	ssyncset.done @!p1 $0x0  }
0x32d: {  	[sflag:s9] =	ssyncadd.s32 @!p1 $0xFFFFFFFC  }
0x32e: {  	v1 =	vld @!p1 [tilespmem:$0x3638];
	_ =	sdelay $0x2  }
0x32f: {  	s0 =	sshll.u32 @!p1 s11, $0x6  }
0x330: {  	s1 =	sshrl.u32 @!p1 s0, $0x2  }
0x331: {  	[tilespmem:s1+$0x3678] =	vst.add.f32.msk @!p1 $0xffff, v1  }
0x332: {  	s0 =	sshrl.u32 s0, $0x2;
	[tilespmem:s6+$0x3658] =	vst.msk $0x1, v0  }
0x333: {  	v0 =	vld [tilespmem:s0+$0x3678];
	_ =	sdelay $0x2  }
0x334: {  	s31 =	sshll.u32 s6, $0x6  }
0x335: {  	s0 =	sshra.s32 s31, $0x2  }
0x336: {  	s6 =	sadd.s32 $0x1, s6;
	[tilespmem:s0+$0x3678] =	vst v0  }
.LBB3_32:
0x337: {  	s11 =	sadd.s32 $0x1, s11  }
0x338: {  	p1 =	sne.s32 s11, $0x20  }
.Ltmp26:
0x339: {  	_ = 	snop;
	(pc) =	sbr.rel @!p1 .LBB3_33-.Ltmp26, $1  }
0x33a: {  	_ =	sdelay $0x3  }
.LBB3_25:
0x33b: {  	v0 =	vld.msk [tilespmem:s11+$0x3658], $0x1;
	_ =	sdelay $0x4  }
0x33c: {  	(v2sf) =	vpush v0, $0x0;
	_ =	sdelay $0xe  }
0x33d: {  	s12 =	spop (v2sf)  }
0x33e: {  	p1 =	seq.s32 s12, $0xFFFFFFFF  }
.Ltmp27:
0x33f: {  	_ = 	snop;
	(pc) =	sbr.rel @p1 .LBB3_32-.Ltmp27, $1  }
0x340: {  	_ =	sdelay $0x3  }
0x341: {  	p1 =	slt.s32 s6, $0x1  }
.Ltmp28:
0x342: {  	_ = 	snop;
	(pc) =	sbr.rel @p1 .LBB3_30-.Ltmp28, $1  }
0x343: {  	_ =	sdelay $0x3  }
0x344: {  	s13 =	simm.s32 $0x3658;
	p1 =	por $0x0, $0x0  }
0x345: {  	v1 =	vld.msk @!p1 [tilespmem:s13+$0x0], $0x1;
	_ =	sdelay $0x4  }
0x346: {  	(v2sf) =	vpush @!p1 v1, $0x0;
	_ =	sdelay $0xd  }
0x347: {  	p3 =	sne.s32 s6, $0x1  }
.Ltmp29:
0x348: {  	s0 =	spop @!p1 (v2sf);
	(pc) =	sbr.rel @!p3 .LBB3_29-.Ltmp29, $4  }
0x349: {  	p2 =	seq.s32 @!p1 s12, s0  }
0x34a: {  	s14 =	simm.s32 $0x0;
	p2 =	por !p2, p1  }
0x34b: {  	s0 =	simm.s32 $0xFFFFFFFF;
	s14 =	simm.s32 @p2 $0xFFFFFFFF  }
0x34c: {  	s15 =	simm.s32 $0x1;
	s14 =	smov.u32 @p1 s0  }
.LBB3_28:
0x34d: {  	s0 =	smov.u32 s14;
	p1 =	sne.s32 s14, $0xFFFFFFFF  }
0x34e: {  	s13 =	sadd.s32 $0x1, s13;
	s14 =	smov.u32 s15;
	s15 =	sadd.s32 $0x1, s15  }
0x34f: {  	p2 =	sne.s32 s6, s15;
	v1 =	vld.msk @!p1 [tilespmem:s13+$0x0], $0x1;
	_ =	sdelay $0x4  }
0x350: {  	(v2sf) =	vpush @!p1 v1, $0x0;
	_ =	sdelay $0xe  }
.Ltmp30:
0x351: {  	s1 =	spop @!p1 (v2sf);
	(pc) =	sbr.rel @p2 .LBB3_28-.Ltmp30, $4  }
0x352: {  	p3 =	seq.s32 @!p1 s12, s1  }
0x353: {  	p3 =	por !p3, p1  }
0x354: {  	s14 =	simm.s32 @p3 $0xFFFFFFFF  }
0x355: {  	s14 =	smov.u32 @p1 s0  }
.LBB3_29:
0x356: {  	p1 =	sne.s32 s14, $0xFFFFFFFF  }
.Ltmp31:
0x357: {  	_ = 	snop;
	(pc) =	sbr.rel @!p1 .LBB3_30-.Ltmp31, $1  }
0x358: {  	_ =	sdelay $0x3  }
0x359: {  	s0 =	sshll.u32 s11, $0x4  }
0x35a: {  	s0 =	sand.u32 $0x3FFFFFF0, s0  }
0x35b: {  	v0 =	vld [tilespmem:s0+$0x3678]  }
.Ltmp32:
0x35c: {  	_ = 	snop;
	(pc) =	sbr.rel .LBB3_32-.Ltmp32, $4  }
0x35d: {  	_ = 	snop  }
0x35e: {  	s31 =	sshll.u32 s14, $0x6  }
0x35f: {  	s0 =	sshra.s32 s31, $0x2  }
0x360: {  	[tilespmem:s0+$0x3678] =	vst.add.f32.msk $0xffff, v0  }
.LBB3_33:
0x361: {  	s0 =	simm.s32 $0x6;
	p1 =	seq.s32 s6, $0x0  }
0x362: {  	[sflag:s0] =	ssyncpa.u1 $0x1;
	v0 =	vimm.s32 @p1 $0xFFFFFFFF  }
0x363: {  	s9 =	sadd.s32 $0xFFFFFFFF, s6;
	[tilespmem:$0x3878] =	vst @p1 v0  }
0x364: {  	v0 =	vld.msk @!p1 [tilespmem:s9+$0x3658], $0x1;
	_ =	sdelay $0x1  }
0x365: {  	v1 =	vld.msk @!p1 [tilespmem:$0x3658], $0x1;
	_ =	sdelay $0x2  }
0x366: {  	p2 =	seq.s32 @!p1 s9, $0x0;
	v0 =	vbroadcast @!p1 v0, $0x0  }
0x367: {  	vm0 =	vmmov @!p1 $0x1;
	p2 =	por !p2, p1  }
0x368: {  	v1 =	vnsel @!p1 vm0, $0xFFFFFFFF, v1;
	vm0 =	vcmask @!p1 $0x308;
	v0 =	vpsel !p2, $0xFFFFFFFF, v0  }
0x369: {  	p2 =	sne.s32 @!p1 s8, s7;
	v0 =	vsel @!p1 vm0, v1, v0  }
0x36a: {  	s0 =	simm.s32 @!p1 $0x3678;
	s1 =	simm.s32 @!p1 $0x0;
	p3 =	por !p2, p1;
	[tilespmem:$0x3878] =	vst @!p1 v0  }
0x36b: {  	[spmem:s1] =	stream.linear.scatter @!p1 [tilespmem:s0], [sflag:$0x1], $0x10, $0x38;
	[tilespmem:$0x1F0F8] =	vst v63  }
0x36c: {  	s0 =	sshll.u32 @!p3 s9, $0x6  }
0x36d: {  	s0 =	sshra.s32 @!p3 s0, $0x2  }
0x36e: {  	s1 =	simm.s32 @!p3 $0x10;
	s0 =	sadd.s32 @!p3 $0x3678, s0  }
0x36f: {  	[spmem:s1] =	stream.linear.scatter @!p3 [tilespmem:s0], [sflag:$0x1], $0x10, $0x38;
	[tilespmem:$0x1F0F8] =	vst v63  }
0x370: {  	s0 =	simm.s32 @!p3 $0x1  }
0x371: {  	_ =	swait.ge @!p3 [sflag:s0], $0x20  }
0x372: {  	p1 =	por p2, p1;
	[sflag:s0] =	ssyncset.done @!p3 $0x0  }
0x373: {  	[sflag:s0] =	ssyncadd.s32 @!p3 $0xFFFFFFE0;
	s0 =	simm.s32 @!p1 $0x1  }
0x374: {  	_ =	swait.ge @!p1 [sflag:s0], $0x10  }
0x375: {  	s29 =	simm.s32 $0x3878;
	[sflag:s0] =	ssyncset.done @!p1 $0x0  }
0x376: {  	s30 =	simm.s32 $0x200;
	s31 =	simm.s32 $0x1;
	[sflag:s0] =	ssyncadd.s32 @!p1 $0xFFFFFFF0  }
0x377: {  	[spmem:s30] =	stream.linear.scatter [tilespmem:s29], [sflag:$0x1], $0x10, $0x38;
	[tilespmem:$0x1F0F8] =	vst v63  }
0x378: {  	_ =	swait.ge [sflag:s31], $0x10  }
0x379: {  	[sflag:s31] =	ssyncset.done $0x0  }
0x37a: {  	p1 =	seq.s32 s17, $0x0;
	s8 =	rddreg [dreg:$0x1];
	[sflag:s31] =	ssyncadd.s32 $0xFFFFFFF0  }
0x37b: {  	s1 =	sshll.u32 @p1 s8, $0xE;
	s7 =	rddreg [dreg:$0x2]  }
0x37c: {  	s0 =	sadd.s32 @p1 $0x15C3C, s1;
	s1 =	sshll.u32 @p1 s7, $0x11  }
0x37d: {  	_ =	sfence.stream.spmem;
	s0 =	sor.u32 @p1 s1, s0  }
0x37e: {  	[sflag:s0] =	ssyncadd.remote.s32 @p1 $0x1;
	s0 =	simm.s32 @p1 $0x4  }
0x37f: {  	s2 =	simm.s32 @!p1 $0x3C;
	s1 =	sand.u32 $0xFFFFFFFE, s8;
	_ =	swait.ge @p1 [sflag:s0], $0x6  }
0x380: {  	s4 =	simm.s32 @!p1 $0x0;
	s1 =	sadd.s32 @!p1 $0x4, s1;
	[sflag:s0] =	ssyncset.done @p1 $0x0  }
0x381: {  	s5 =	simm.s32 @!p1 $0x20;
	[sflag:s0] =	ssyncadd.s32 @p1 $0xFFFFFFFA;
	s0 =	sshll.u32 @!p1 s1, $0x1A  }
0x382: {  	s1 =	sshll.u32 @!p1 s1, $0xD;
	s0 =	sor.u32 @!p1 s0, s7;
	_ =	swait.eq @!p1 [sflag:s2], $0x1  }
0x383: {  	s1 =	sor.u32 @!p1 $0x1C04, s1;
	s2 =	simm.s32 @!p1 $0x1C03;
	s0 =	sor.u32 @!p1 $0x80004000, s0  }
0x384: {  	[spmem:s5], [sflag:s1] =	dma.general @!p1 [spmem:s4], [sflag:s2], length:$0x4, [dreg:$0x0], stride_count:$0x0, ici_dest:s0, dma_misc:DstOpCode:WRITE  }
0x385: {  	p2 =	slt.s32 s9, $0x2;
	s4 =	simm.s32 @!p1 $0x40;
	s5 =	simm.s32 @!p1 $0x42  }
0x386: {  	[spmem:s5], [sflag:s1] =	dma.general @!p1 [spmem:s4], [sflag:s2], length:$0x2, [dreg:$0x0], stride_count:$0x0, ici_dest:s0, dma_misc:DstOpCode:WRITE  }
.Ltmp33:
0x387: {  	s0 =	simm.s32 @!p1 $0x3;
	(pc) =	sbr.rel @p2 .LBB3_37-.Ltmp33, $4  }
0x388: {  	s1 =	sshll.u32 @!p1 s8, $0xE;
	_ =	swait.ge @!p1 [sflag:s0], $0x6  }
0x389: {  	s2 =	sshll.u32 @!p1 s7, $0x11;
	s1 =	sadd.s32 @!p1 $0x11C3C, s1;
	[sflag:s0] =	ssyncset.done @!p1 $0x0  }
0x38a: {  	[sflag:s0] =	ssyncadd.s32 @!p1 $0xFFFFFFFA;
	s0 =	sor.u32 @!p1 s2, s1  }
0x38b: {  	[sflag:s0] =	ssyncadd.remote.s32 @!p1 $0xFFFFFFFF;
	s0 =	simm.s32 $0x0  }
0x38c: {  	s0 =	simm.s32 $0x3659  }
0x38d: {  	v0 =	vld.msk [tilespmem:s0+$0x0], $0x1;
	_ =	sdelay $0x4  }
0x38e: {  	(v2sf) =	vpush v0, $0x0;
	_ =	sdelay $0xd  }
0x38f: {  	s2 =	sadd.s32 $0xFFFFFFFE, s6  }
0x390: {  	s2 =	sadd.s32 $0xFFFFFFFF, s2;
	s0 =	spop (v2sf)  }
0x391: {  	p2 =	sne.s32 s2, $0x0;
	p1 =	sgt.u32 s0, $0x7FFF  }
.Ltmp34:
0x392: {  	s4 =	sand.u32 @!p1 $0x7FF8, s0;
	(pc) =	sbr.rel @!p2 .LBB3_36-.Ltmp34, $4  }
0x393: {  	s1 =	simm.s32 $0x3688;
	s0 =	sand.u32 @!p1 $0x7, s0;
	s4 =	sadd.s32 @!p1 s3, s4  }
0x394: {  	[hbm4b:s4+s0] =	stream.linear.scatter @!p1 [tilespmem:s1], [sflag:$0x5], $0x4, $0x38;
	[tilespmem:$0x1F0F8] =	vst v63  }
0x395: {  	s0 =	simm.s32 $0x0  }
0x396: {  	s6 =	simm.s32 $0x0;
	s7 =	simm.s32 $0x365A;
	s0 =	simm.s32 @!p1 $0x10  }
.LBB3_35:
0x397: {  	v0 =	vld.msk [tilespmem:s7+$0x0], $0x1;
	s2 =	sadd.s32 $0xFFFFFFFF, s2;
	s6 =	sadd.s32 s6, s0  }
0x398: {  	p1 =	sne.s32 s2, $0x0;
	_ =	sdelay $0x3  }
0x399: {  	(v2sf) =	vpush v0, $0x0;
	_ =	sdelay $0xe  }
.Ltmp35:
0x39a: {  	s4 =	spop (v2sf);
	(pc) =	sbr.rel @p1 .LBB3_35-.Ltmp35, $4  }
0x39b: {  	s0 =	simm.s32 $0x0;
	p2 =	sgt.u32 s4, $0x7FFF  }
0x39c: {  	s1 =	sadd.s32 $0x10, s1;
	s0 =	simm.s32 @!p2 $0x10;
	s5 =	sand.u32 @!p2 $0x7FF8, s4  }
0x39d: {  	s7 =	sadd.s32 $0x1, s7;
	s4 =	sand.u32 @!p2 $0x7, s4;
	s5 =	sadd.s32 @!p2 s3, s5  }
0x39e: {  	[hbm4b:s5+s4] =	stream.linear.scatter @!p2 [tilespmem:s1], [sflag:$0x5], $0x4, $0x38;
	[tilespmem:$0x1F0F8] =	vst v63  }
.LBB3_36:
0x39f: {  	s0 =	sadd.s32 s6, s0  }
0x3a0: {  	s0 =	sshrl.u32 s0, $0x2  }
.LBB3_37:
0x3a1: {  	s1 =	simm.s32 $0x5  }
0x3a2: {  	_ =	swait.ge [sflag:s1], s0  }
0x3a3: {  	s31 =	ssub.s32 $0x0, s0;
	[sflag:s1] =	ssyncset.done $0x0  }
0x3a4: {  	[sflag:s1] =	ssyncadd.s32 s31  }
0x3a5: {  	[sflag:s1] =	ssyncpa.u1 $0x1  }
.LBB3_38:
0x3a6: {  	s0 =	sor.u32 s17, s16  }
0x3a7: {  	p1 =	sne.s32 s0, $0x0  }
.Ltmp36:
0x3a8: {  	_ = 	snop;
	(pc) =	sbr.rel @p1 .LBB3_53-.Ltmp36, $3  }
0x3a9: {  	_ =	sdelay $0x1  }
0x3aa: {  	[bflag:$0x0] =	sbarrier.arrive $0xFFFF  }
0x3ab: {  	_ =	sfence  }
0x3ac: {  	s0 =	simm.s32 $0x7  }
0x3ad: {  	s1 =	simm.s32 $0x200;
	s2 =	simm.s32 $0x3658;
	[sflag:s0] =	ssyncpa.u1 $0x0  }
0x3ae: {  	[tilespmem:s2], [sflag:$0x7] =	stream.linear.gather [spmem:s1], $0x20, $0x38;
	[tilespmem:$0x1F0F8] =	vst v63  }
0x3af: {  	s30 =	simm.s32 $0x3678;
	s1 =	simm.s32 $0x0  }
0x3b0: {  	[tilespmem:s30], [sflag:$0x7] =	stream.linear.gather [spmem:s1], $0x200, $0x38;
	[tilespmem:$0x1F0F8] =	vst v63  }
.Ltmp37:
0x3b1: {  	_ = 	snop;
	(pc) =	sbr.rel .LBB3_40-.Ltmp37, $4  }
0x3b2: {  	_ =	swait.ge [sflag:s0], $0x220  }
0x3b3: {  	[sflag:s0] =	ssyncset.done $0x0  }
0x3b4: {  	s31 =	simm.s32 $0x8;
	[sflag:s0] =	ssyncadd.s32 $0xFFFFFDE0  }
0x3b5: {  	s2 =	simm.s32 $0x0;
	[sflag:s31] =	ssyncpa.u1 $0x0  }
.LBB3_45:
0x3b6: {  	p1 =	slt.u32 s4, $0x8000  }
0x3b7: {  	s0 =	sand.u32 @p1 $0x7FF8, s4  }
0x3b8: {  	s4 =	sand.u32 @p1 $0x7, s4;
	s5 =	simm.s32 @p1 $0x3638;
	s0 =	sadd.s32 @p1 s3, s0  }
0x3b9: {  	[tilespmem:s5], [sflag:$0x8] =	stream.linear.gather @p1 [hbm4b:s0+s4], $0x4, $0x38;
	[tilespmem:$0x1F0F8] =	vst v63  }
0x3ba: {  	s0 =	simm.s32 @p1 $0x8  }
0x3bb: {  	_ =	swait.ge @p1 [sflag:s0], $0x4  }
0x3bc: {  	[sflag:s0] =	ssyncset.done @p1 $0x0  }
0x3bd: {  	[sflag:s0] =	ssyncadd.s32 @p1 $0xFFFFFFFC  }
0x3be: {  	v1 =	vld @p1 [tilespmem:$0x3638];
	_ =	sdelay $0x2  }
0x3bf: {  	s0 =	sshll.u32 @p1 s2, $0x6  }
0x3c0: {  	s5 =	sshll.u32 @!p1 s2, $0x6;
	s4 =	sshrl.u32 @p1 s0, $0x2  }
0x3c1: {  	s5 =	smov.u32 @p1 s0;
	[tilespmem:s4+$0x3678] =	vst.add.f32.msk @p1 $0xffff, v1  }
0x3c2: {  	s0 =	sshrl.u32 s5, $0x2;
	[tilespmem:s1+$0x3658] =	vst.msk $0x1, v0  }
0x3c3: {  	v0 =	vld [tilespmem:s0+$0x3678];
	_ =	sdelay $0x2  }
0x3c4: {  	s31 =	sshll.u32 s1, $0x6  }
0x3c5: {  	s0 =	sshra.s32 s31, $0x2  }
0x3c6: {  	s1 =	sadd.s32 $0x1, s1;
	[tilespmem:s0+$0x3678] =	vst v0  }
.LBB3_47:
0x3c7: {  	s2 =	sadd.s32 $0x1, s2  }
0x3c8: {  	p1 =	sne.s32 s2, $0x20  }
.Ltmp38:
0x3c9: {  	_ = 	snop;
	(pc) =	sbr.rel @!p1 .LBB3_48-.Ltmp38, $1  }
0x3ca: {  	_ =	sdelay $0x3  }
.LBB3_40:
0x3cb: {  	v0 =	vld.msk [tilespmem:s2+$0x3658], $0x1;
	_ =	sdelay $0x4  }
0x3cc: {  	(v2sf) =	vpush v0, $0x0;
	_ =	sdelay $0xe  }
0x3cd: {  	s4 =	spop (v2sf)  }
0x3ce: {  	p1 =	seq.s32 s4, $0xFFFFFFFF  }
.Ltmp39:
0x3cf: {  	_ = 	snop;
	(pc) =	sbr.rel @p1 .LBB3_47-.Ltmp39, $1  }
0x3d0: {  	_ =	sdelay $0x3  }
0x3d1: {  	p1 =	slt.s32 s1, $0x1  }
.Ltmp40:
0x3d2: {  	_ = 	snop;
	(pc) =	sbr.rel @p1 .LBB3_45-.Ltmp40, $1  }
0x3d3: {  	_ =	sdelay $0x3  }
0x3d4: {  	s5 =	simm.s32 $0x3658;
	p1 =	por $0x0, $0x0  }
0x3d5: {  	v1 =	vld.msk @!p1 [tilespmem:s5+$0x0], $0x1;
	_ =	sdelay $0x4  }
0x3d6: {  	(v2sf) =	vpush @!p1 v1, $0x0;
	_ =	sdelay $0xd  }
0x3d7: {  	p3 =	sne.s32 s1, $0x1  }
.Ltmp41:
0x3d8: {  	s0 =	spop @!p1 (v2sf);
	(pc) =	sbr.rel @!p3 .LBB3_44-.Ltmp41, $4  }
0x3d9: {  	p2 =	seq.s32 @!p1 s4, s0  }
0x3da: {  	s6 =	simm.s32 $0x0;
	p2 =	por !p2, p1  }
0x3db: {  	s0 =	simm.s32 $0xFFFFFFFF;
	s6 =	simm.s32 @p2 $0xFFFFFFFF  }
0x3dc: {  	s7 =	simm.s32 $0x1;
	s6 =	smov.u32 @p1 s0  }
.LBB3_43:
0x3dd: {  	s0 =	smov.u32 s6;
	p1 =	sne.s32 s6, $0xFFFFFFFF  }
0x3de: {  	s5 =	sadd.s32 $0x1, s5;
	s6 =	smov.u32 s7;
	s7 =	sadd.s32 $0x1, s7  }
0x3df: {  	p2 =	sne.s32 s1, s7;
	v1 =	vld.msk @!p1 [tilespmem:s5+$0x0], $0x1;
	_ =	sdelay $0x4  }
0x3e0: {  	(v2sf) =	vpush @!p1 v1, $0x0;
	_ =	sdelay $0xe  }
.Ltmp42:
0x3e1: {  	s8 =	spop @!p1 (v2sf);
	(pc) =	sbr.rel @p2 .LBB3_43-.Ltmp42, $4  }
0x3e2: {  	p3 =	seq.s32 @!p1 s4, s8  }
0x3e3: {  	p3 =	por !p3, p1  }
0x3e4: {  	s6 =	simm.s32 @p3 $0xFFFFFFFF  }
0x3e5: {  	s6 =	smov.u32 @p1 s0  }
.LBB3_44:
0x3e6: {  	p1 =	sne.s32 s6, $0xFFFFFFFF  }
.Ltmp43:
0x3e7: {  	_ = 	snop;
	(pc) =	sbr.rel @!p1 .LBB3_45-.Ltmp43, $1  }
0x3e8: {  	_ =	sdelay $0x3  }
0x3e9: {  	s0 =	sshll.u32 s2, $0x4  }
0x3ea: {  	s0 =	sand.u32 $0x3FFFFFF0, s0  }
0x3eb: {  	v0 =	vld [tilespmem:s0+$0x3678]  }
.Ltmp44:
0x3ec: {  	_ = 	snop;
	(pc) =	sbr.rel .LBB3_47-.Ltmp44, $4  }
0x3ed: {  	_ = 	snop  }
0x3ee: {  	s31 =	sshll.u32 s6, $0x6  }
0x3ef: {  	s0 =	sshra.s32 s31, $0x2  }
0x3f0: {  	[tilespmem:s0+$0x3678] =	vst.add.f32.msk $0xffff, v0  }
.LBB3_48:
0x3f1: {  	p1 =	slt.s32 s1, $0x1  }
.Ltmp45:
0x3f2: {  	_ = 	snop;
	(pc) =	sbr.rel @p1 .LBB3_52-.Ltmp45, $3  }
0x3f3: {  	_ =	sdelay $0x1  }
0x3f4: {  	s0 =	simm.s32 $0x8  }
0x3f5: {  	s2 =	simm.s32 $0x0;
	[sflag:s0] =	ssyncpa.u1 $0x1  }
0x3f6: {  	s0 =	simm.s32 $0x3658  }
0x3f7: {  	v0 =	vld.msk [tilespmem:s0+$0x0], $0x1;
	_ =	sdelay $0x4  }
0x3f8: {  	(v2sf) =	vpush v0, $0x0;
	_ =	sdelay $0xe  }
0x3f9: {  	s1 =	sadd.s32 $0xFFFFFFFF, s1;
	s0 =	spop (v2sf)  }
0x3fa: {  	p2 =	sne.s32 s1, $0x0;
	p1 =	sgt.u32 s0, $0x7FFF  }
.Ltmp46:
0x3fb: {  	s5 =	sand.u32 @!p1 $0x7FF8, s0;
	(pc) =	sbr.rel @!p2 .LBB3_51-.Ltmp46, $4  }
0x3fc: {  	s4 =	simm.s32 $0x3678;
	s0 =	sand.u32 @!p1 $0x7, s0;
	s5 =	sadd.s32 @!p1 s3, s5  }
0x3fd: {  	[hbm4b:s5+s0] =	stream.linear.scatter @!p1 [tilespmem:s4], [sflag:$0x7], $0x4, $0x38;
	[tilespmem:$0x1F0F8] =	vst v63  }
0x3fe: {  	s0 =	simm.s32 $0x0  }
0x3ff: {  	s5 =	simm.s32 $0x3659;
	s0 =	simm.s32 @!p1 $0x10  }
.LBB3_50:
0x400: {  	v0 =	vld.msk [tilespmem:s5+$0x0], $0x1;
	s1 =	sadd.s32 $0xFFFFFFFF, s1;
	s2 =	sadd.s32 s2, s0  }
0x401: {  	p1 =	sne.s32 s1, $0x0;
	_ =	sdelay $0x3  }
0x402: {  	(v2sf) =	vpush v0, $0x0;
	_ =	sdelay $0xe  }
.Ltmp47:
0x403: {  	s6 =	spop (v2sf);
	(pc) =	sbr.rel @p1 .LBB3_50-.Ltmp47, $4  }
0x404: {  	s0 =	simm.s32 $0x0;
	p2 =	sgt.u32 s6, $0x7FFF  }
0x405: {  	s4 =	sadd.s32 $0x10, s4;
	s0 =	simm.s32 @!p2 $0x10;
	s7 =	sand.u32 @!p2 $0x7FF8, s6  }
0x406: {  	s5 =	sadd.s32 $0x1, s5;
	s6 =	sand.u32 @!p2 $0x7, s6;
	s7 =	sadd.s32 @!p2 s3, s7  }
0x407: {  	[hbm4b:s7+s6] =	stream.linear.scatter @!p2 [tilespmem:s4], [sflag:$0x7], $0x4, $0x38;
	[tilespmem:$0x1F0F8] =	vst v63  }
.LBB3_51:
0x408: {  	s0 =	sadd.s32 s2, s0  }
0x409: {  	s2 =	sshrl.u32 s0, $0x2  }
.LBB3_52:
0x40a: {  	s0 =	simm.s32 $0x7  }
0x40b: {  	_ =	swait.ge [sflag:s0], s2  }
0x40c: {  	s1 =	ssub.s32 $0x0, s2;
	[sflag:s0] =	ssyncset.done $0x0  }
0x40d: {  	[sflag:s0] =	ssyncadd.s32 s1  }
0x40e: {  	[sflag:s0] =	ssyncpa.u1 $0x1  }
.LBB3_53:
0x40f: {  	_ =	sfence;
	s0 =	simm.s32 $0x1  }
0x410: {  	[sflag:s0] =	ssyncpa.u1 $0x1  }
0x411: {  	_ =	strace $0x9000004D  }
0x412: {  	[bflag:$0x2] =	sbarrier.arrive $0xFFFF  }
0x413: {  	s0 =	rddreg [dreg:$0x3]  }
0x414: {  	s0 =	sadd.s32 @!p0 $0x100000, s0  }
0x415: {  	[sflag:s0] =	ssyncadd.tile.s32 @!p0 $0x1;
	_ =	shalt  }
.Lfunc_end3:
_tile_overlayer_lowered:
.L_overlay_start_3:
0x416: {  	(tag) =	ssettag $0x3  }
0x417: {  	s0 =	rddreg [dreg:$0x0];
	s2 =	stileid.u32  }
0x418: {  	s1 =	rddreg [dreg:$0x1];
	p0 =	sne.s32 s2, $0x0  }
0x419: {  	s3 =	rddreg [dreg:$0x2];
	[bflag:$0x3] =	sbarrier.arrive $0xFFFF;
	s2 =	simm.s32 @!p0 $0x1C01  }
0x41a: {  	[timem:s3], [sflag:s2] =	dma.local @!p0 [hbm:s0], s1  }
0x41b: {  	s0 =	simm.s32 @!p0 $0x1  }
0x41c: {  	_ =	swait.ge @!p0 [sflag:s0], s1  }
0x41d: {  	s1 =	ssub.s32 @!p0 $0x0, s1;
	[sflag:s0] =	ssyncset.done @!p0 $0x0  }
0x41e: {  	[sflag:s0] =	ssyncadd.s32 @!p0 s1  }
0x41f: {  	[bflag:$0x3] =	sbarrier.arrive $0xFFFF  }
0x420: {  	_ =	shalt  }

// kernel: scatter_offload_async_start.2
scs
__scs_entry_jumppad:
0x0: {  	(pc) =	sbr.rel $0x88, $3  }
0x1: {  	(tag) =	ssettag $0x0;
	lr =	simm.s32 $0x1  }
0x2: {  	[smem:$0x3F94] =	sst lr;
	_ =	strace $0xD0000000  }
0x3: {  	_ = 	snop  }
0x4: {  	_ = 	snop  }
0x5: {  	_ = 	snop  }
0x6: {  	_ = 	snop  }
0x7: {  	_ = 	snop  }
__scs_overlays_trampoline_lowered:
0x8: {  	[smem:$0x3FA3] =	sst s0  }
0x9: {  	[smem:$0x3FA4] =	sst s1  }
0xa: {  	[smem:$0x3FA5] =	sst s2  }
0xb: {  	[smem:$0x3FA6] =	sst s3  }
0xc: {  	[smem:$0x3FA7] =	sst s4  }
0xd: {  	[smem:$0x3FA8] =	sst s5  }
0xe: {  	[smem:$0x3FA9] =	sst s6  }
0xf: {  	[smem:$0x3FAA] =	sst s7  }
0x10: {  	[smem:$0x3FAB] =	sst s8  }
0x11: {  	[smem:$0x3FAC] =	sst s9;
	s0 =	simm.s32 @!p0 $0x0  }
0x12: {  	s1 =	sld [smem:$0x3F92];
	s0 =	simm.s32 @p0 $0x1  }
0x13: {  	[smem:$0x3FAD] =	sst s0;
	s0 =	simm.s32 @!p1 $0x0  }
0x14: {  	s2 =	sld [smem:$0x3F91];
	s0 =	simm.s32 @p1 $0x1  }
0x15: {  	[smem:$0x3FAE] =	sst s0;
	s0 =	simm.s32 @!p2 $0x0  }
0x16: {  	s3 =	sld [smem:$0x3FDB];
	s0 =	simm.s32 @p2 $0x1  }
0x17: {  	s4 =	simm.s32 $0x1BF5;
	[smem:$0x3FB0] =	sst s0  }
0x18: {  	s0 =	sld [smem:$0x3F93];
	_ =	swait.ge [sflag:s4], $0x0  }
0x19: {  	s7 =	sld [smem:$0x3F94]  }
0x1a: {  	s8 =	sadd.s32 $0xFFFFE003, lr  }
0x1b: {  	s9 =	sadd.s32 $0xFFFFFEF7, lr;
	s5 =	simm.s32 $0xFFFFFFFF;
	p2 =	slt.u32 s8, $0xFFFFF086  }
0x1c: {  	p1 =	slt.u32 s9, $0xF7A;
	s5 =	simm.s32 @!p2 $0x0  }
0x1d: {  	s5 =	simm.s32 @p1 $0x1;
	p0 =	seq.s32 s7, s2  }
0x1e: {  	s7 =	smul.u32 @!p0 $0xF7A, s2;
	p2 =	seq.s32 @!p0 s5, $0x0  }
0x1f: {  	s9 =	smul.u32 $0xF7A, s1;
	s8 =	simm.s32 @!p0 $0x1BF5;
	p2 =	por !p2, p0  }
0x20: {  	[sflag:s8] =	ssyncset.s32 @!p0 $0xFFFFF086;
	s6 =	sadd.s32 @!p0 s3, s7;
	s7 =	simm.s32 @!p0 $0x108  }
0x21: {  	s3 =	sadd.s32 s3, s9;
	s6 =	sadd.s32 @!p0 $0x88, s6;
	s7 =	simm.s32 @p2 $0x1082  }
0x22: {  	[simem:s7], [sflag:s8] =	dma.local @!p0 [hbm:s6], $0xF7A  }
0x23: {  	s9 =	sor.u32 $0xD0000000, s2;
	s6 =	simm.s32 $0x108;
	_ =	swait.ge @!p0 [sflag:s8], $0x0  }
0x24: {  	s3 =	sadd.s32 $0x88, s3;
	s6 =	simm.s32 @!p1 $0x1082;
	[sflag:s4] =	ssyncset.s32 $0xFFFFF086  }
0x25: {  	[simem:s6], [sflag:s4] =	dma.local [hbm:s3], $0xF7A  }
0x26: {  	[smem:$0x3F94] =	sst s1;
	(tag) =	ssettag s2;
	_ =	strace s9  }
0x27: {  	s1 =	sld [smem:$0x3FA4]  }
0x28: {  	s2 =	sld [smem:$0x3FA5]  }
0x29: {  	s4 =	sld [smem:$0x3FA7]  }
0x2a: {  	p0 =	seq.s32 s5, $0x0;
	s5 =	sld [smem:$0x3FA8]  }
0x2b: {  	s6 =	sld [smem:$0x3FA9]  }
0x2c: {  	s7 =	sld [smem:$0x3FAA]  }
0x2d: {  	s3 =	simm.s32 $0x108;
	s8 =	sld [smem:$0x3FAB]  }
0x2e: {  	s3 =	simm.s32 @!p0 $0x1082;
	s9 =	sld [smem:$0x3FAC]  }
0x2f: {  	lr =	sadd.s32 s0, s3;
	s0 =	sld [smem:$0x3FA3]  }
0x30: {  	s3 =	sld [smem:$0x3FA6]  }
0x31: {  	[smem:$0x3FAF] =	sst s10  }
0x32: {  	s10 =	sld [smem:$0x3FAD];
	_ =	sdelay $0x3  }
0x33: {  	p0 =	seq.s32 s10, $0x1;
	s10 =	sld [smem:$0x3FAF];
	_ =	sdelay $0x3  }
0x34: {  	[smem:$0x3FAF] =	sst s10  }
0x35: {  	s10 =	sld [smem:$0x3FAE];
	_ =	sdelay $0x3  }
0x36: {  	p1 =	seq.s32 s10, $0x1;
	s10 =	sld [smem:$0x3FAF];
	_ =	sdelay $0x3  }
0x37: {  	[smem:$0x3FAF] =	sst s10  }
0x38: {  	s10 =	sld [smem:$0x3FB0]  }
0x39: {  	_ = 	snop;
	(pc) =	sbr.ind lr, $3  }
0x3a: {  	_ = 	snop  }
0x3b: {  	_ = 	snop  }
0x3c: {  	p2 =	seq.s32 s10, $0x1;
	s10 =	sld [smem:$0x3FAF]  }
0x3d: {  	_ =	shalt  }
0x3e: {  	_ =	shalt  }
0x3f: {  	_ =	shalt  }
0x40: {  	_ =	shalt  }
0x41: {  	_ =	shalt  }
0x42: {  	_ =	shalt  }
0x43: {  	_ =	shalt  }
0x44: {  	_ =	shalt  }
0x45: {  	_ =	shalt  }
0x46: {  	_ =	shalt  }
0x47: {  	_ =	shalt  }
0x48: {  	_ =	shalt  }
0x49: {  	_ =	shalt  }
0x4a: {  	_ =	shalt  }
0x4b: {  	_ =	shalt  }
0x4c: {  	_ =	shalt  }
0x4d: {  	_ =	shalt  }
0x4e: {  	_ =	shalt  }
0x4f: {  	_ =	shalt  }
0x50: {  	_ =	shalt  }
0x51: {  	_ =	shalt  }
0x52: {  	_ =	shalt  }
0x53: {  	_ =	shalt  }
0x54: {  	_ =	shalt  }
0x55: {  	_ =	shalt  }
0x56: {  	_ =	shalt  }
0x57: {  	_ =	shalt  }
0x58: {  	_ =	shalt  }
0x59: {  	_ =	shalt  }
0x5a: {  	_ =	shalt  }
0x5b: {  	_ =	shalt  }
0x5c: {  	_ =	shalt  }
0x5d: {  	_ =	shalt  }
0x5e: {  	_ =	shalt  }
0x5f: {  	_ =	shalt  }
0x60: {  	_ =	shalt  }
0x61: {  	_ =	shalt  }
0x62: {  	_ =	shalt  }
0x63: {  	_ =	shalt  }
0x64: {  	_ =	shalt  }
0x65: {  	_ =	shalt  }
0x66: {  	_ =	shalt  }
0x67: {  	_ =	shalt  }
0x68: {  	_ =	shalt  }
0x69: {  	_ =	shalt  }
0x6a: {  	_ =	shalt  }
0x6b: {  	_ =	shalt  }
0x6c: {  	_ =	shalt  }
0x6d: {  	_ =	shalt  }
0x6e: {  	_ =	shalt  }
0x6f: {  	_ =	shalt  }
0x70: {  	_ =	shalt  }
0x71: {  	_ =	shalt  }
0x72: {  	_ =	shalt  }
0x73: {  	_ =	shalt  }
0x74: {  	_ =	shalt  }
0x75: {  	_ =	shalt  }
0x76: {  	_ =	shalt  }
0x77: {  	_ =	shalt  }
0x78: {  	_ =	shalt  }
0x79: {  	_ =	shalt  }
0x7a: {  	_ =	shalt  }
0x7b: {  	_ =	shalt  }
0x7c: {  	_ =	shalt  }
0x7d: {  	_ =	shalt  }
0x7e: {  	_ =	shalt  }
0x7f: {  	_ =	shalt  }
0x80: {  	_ =	shalt  }
0x81: {  	_ =	shalt  }
0x82: {  	_ =	shalt  }
0x83: {  	_ =	shalt  }
0x84: {  	_ =	shalt  }
0x85: {  	_ =	shalt  }
0x86: {  	_ =	shalt  }
0x87: {  	_ =	shalt  }
.Lfunc_end0:
.L_simem_size_0:
called_computation.2_lowered:
.L_overlay_start_0:
0x88: {  	s2 =	sld [smem:$0x3FD9]  }
0x89: {  	s3 =	sld [smem:$0x3FFE];
	_ =	sdelay $0x1  }
0x8a: {  	s1 =	srdreg.scid  }
0x8b: {  	s0 =	sand.u32 $0x1, s1  }
0x8c: {  	s15 =	sshll.u32 s0, $0xA;
	s2 =	sadd.s32 s3, s2  }
0x8d: {  	s2 =	sadd.s32 s2, s15  }
0x8e: {  	[smem:$0x3FBB] =	sst s2  }
0x8f: {  	_ = 	snop  }
0x90: {  	(tm) =	ssettm $0x1  }
0x91: {  	s16 =	sld [smem:$0x3FFB];
	_ =	sdelay $0x3  }
0x92: {  	_ =	strace s16  }
0x93: {  	s2 =	sld [smem:$0x3FFC];
	_ =	sdelay $0x3  }
0x94: {  	_ =	strace s2  }
0x95: {  	s2 =	sld [smem:$0x3FFD];
	_ =	sdelay $0x3  }
0x96: {  	_ =	strace s2  }
0x97: {  	_ =	strace $0x8FFFFFFF  }
0x98: {  	s17 =	sld [smem:$0x3FDB];
	_ =	sdelay $0x1  }
0x99: {  	s18 =	simm.s32 $_scs_section_size  }
0x9a: {  	s4 =	simm.s32 $_size__tile_overlayer_lowered;
	s5 =	simm.s32 $_tile_overlayer_lowered  }
0x9b: {  	s21 =	simm.s32 $0x1BFF;
	s20 =	sshll.u32 s5, $0x1;
	s2 =	sadd.s32 s18, s17  }
0x9c: {  	s6 =	simm.s32 $0x0;
	s19 =	sshll.u32 s4, $0x1;
	s4 =	sadd.s32 s20, s2  }
0x9d: {  	[timem:s6], [sflag:s21] =	dma.local [hbm:s4], s19  }
0x9e: {  	_ =	swait.ge [sflag:s21], s19  }
0x9f: {  	s3 =	ssub.s32 $0x0, s19;
	[sflag:s21] =	ssyncset.done $0x0  }
0xa0: {  	[sflag:s21] =	ssyncadd.s32 s3;
	_ =	sdelay $0x1  }
0xa1: {  	s22 =	simm.s32 $0x1B8B  }
0xa2: {  	_ =	swait.ge [sflag:s22], $0x1  }
0xa3: {  	[sflag:s22] =	ssyncset.done $0x0  }
0xa4: {  	s23 =	sld [smem:$0x3FFE];
	[sflag:s22] =	ssyncadd.s32 $0xFFFFFFFF  }
0xa5: {  	s25 =	simm.s32 $0x1B8E;
	s24 =	sld [smem:$0x0]  }
0xa6: {  	s26 =	simm.s32 $execute0_lowered;
	[smem:$0x3FD2] =	sst s25  }
0xa7: {  	s5 =	sshll.u32 s26, $0x1;
	_ =	strace $0x8000004F;
	[dreg:$0x1] =	wrdreg $0xFFFFFFFF  }
0xa8: {  	s28 =	simm.s32 $_size_execute0_lowered;
	s2 =	sadd.s32 s2, s5;
	[dreg:$0x0] =	wrdreg $0x0  }
0xa9: {  	s5 =	sshll.u32 s28, $0x1;
	[dreg:$0x2] =	wrdreg s2  }
0xaa: {  	[dreg:$0x3] =	wrdreg s5  }
0xab: {  	[dreg:$0x4] =	wrdreg $0xC0  }
0xac: {  	_ =	task [dreg:s6], $0x5FFFF  }
0xad: {  	[dreg:$0x1] =	wrdreg $0xFFFFFFFF  }
0xae: {  	[dreg:$0x0] =	wrdreg $0x60  }
0xaf: {  	[dreg:$0x2] =	wrdreg s23  }
0xb0: {  	[dreg:$0x3] =	wrdreg s1  }
0xb1: {  	[dreg:$0x4] =	wrdreg s24  }
0xb2: {  	[dreg:$0x5] =	wrdreg $0x9  }
0xb3: {  	_ =	task.clear_ibuf [dreg:s6], $0x6FFFF;
	_ =	strace $0x9000004F  }
0xb4: {  	s29 =	simm.s32 $0x9;
	_ =	strace $0x80000051  }
0xb5: {  	_ =	swait.ge [sflag:s29], $0x1  }
0xb6: {  	[sflag:s29] =	ssyncadd.s32 $0xFFFFFFFF  }
0xb7: {  	_ =	strace $0x90000051  }
0xb8: {  	_ =	sfence  }
0xb9: {  	s30 =	sld [smem:$0x0];
	_ =	sdelay $0x2  }
0xba: {  	s31 =	sshll.u32 s1, $0xD;
	s1 =	sshrl.u32 s1, $0x2  }
0xbb: {  	s3 =	sand.u32 $0x4000, s31;
	s1 =	sadd.s32 s1, s30  }
0xbc: {  	s0 =	sor.u32 s3, s0;
	s1 =	sshll.u32 s1, $0x11  }
0xbd: {  	s0 =	sor.u32 s1, s0  }
0xbe: {  	s0 =	sadd.s32 $0x8F2B, s0  }
0xbf: {  	[sflag:s0] =	ssyncadd.remote.s32 $0x1  }
0xc0: {  	_ =	sfence.sel $0xFFFF  }
0xc1: {  	[dreg:$0x0] =	wrdreg $0xFFFFFFFF;
	(pc) =	sbr.abs _section_cstart, $3  }
0xc2: {  	[dreg:$0x1] =	wrdreg $0xFFFFFFFF  }
0xc3: {  	_ =	task.clear_ibuf [dreg:s6], $0x2FFFF;
	_ =	strace $0x9FFFFFFF  }
0xc4: {  	(tm) =	ssettm $0x7FFFFFFF  }
0xc5: {  	_ =	shalt  }
tec
execute0_lowered:
.L_overlay_start_1:
0x0: {  	(tag) =	ssettag $0x1  }
0x1: {  	s11 =	rddreg [dreg:$0x0]  }
0x2: {  	s2 =	rddreg [dreg:$0x1];
	_ =	strace $0x80000050;
	s12 =	simm.s32 $0x1  }
0x3: {  	v0 =	vimm.s32 $0x0;
	[sflag:s12] =	ssyncpa.u1 $0x0  }
0x4: {  	[tilespmem:$0x28] =	vst v0  }
0x5: {  	[tilespmem:$0x38] =	vst v0  }
0x6: {  	[tilespmem:$0x48] =	vst v0  }
0x7: {  	[tilespmem:$0x58] =	vst v0  }
0x8: {  	[tilespmem:$0x68] =	vst v0  }
0x9: {  	[tilespmem:$0x78] =	vst v0  }
0xa: {  	[tilespmem:$0x88] =	vst v0  }
0xb: {  	[tilespmem:$0x98] =	vst v0  }
0xc: {  	[tilespmem:$0xA8] =	vst v0  }
0xd: {  	[tilespmem:$0xB8] =	vst v0  }
0xe: {  	[tilespmem:$0xC8] =	vst v0  }
0xf: {  	[tilespmem:$0xD8] =	vst v0  }
0x10: {  	[tilespmem:$0xE8] =	vst v0  }
0x11: {  	[tilespmem:$0xF8] =	vst v0  }
0x12: {  	[tilespmem:$0x108] =	vst v0  }
0x13: {  	[tilespmem:$0x118] =	vst v0  }
0x14: {  	[tilespmem:$0x128] =	vst v0  }
0x15: {  	[tilespmem:$0x138] =	vst v0  }
0x16: {  	[tilespmem:$0x148] =	vst v0  }
0x17: {  	[tilespmem:$0x158] =	vst v0  }
0x18: {  	[tilespmem:$0x168] =	vst v0  }
0x19: {  	[tilespmem:$0x178] =	vst v0  }
0x1a: {  	[tilespmem:$0x188] =	vst v0  }
0x1b: {  	[tilespmem:$0x198] =	vst v0  }
0x1c: {  	[tilespmem:$0x1A8] =	vst v0  }
0x1d: {  	[tilespmem:$0x1B8] =	vst v0  }
0x1e: {  	[tilespmem:$0x1C8] =	vst v0  }
0x1f: {  	[tilespmem:$0x1D8] =	vst v0  }
0x20: {  	[tilespmem:$0x1E8] =	vst v0  }
0x21: {  	[tilespmem:$0x1F8] =	vst v0  }
0x22: {  	[tilespmem:$0x208] =	vst v0  }
0x23: {  	[tilespmem:$0x218] =	vst v0  }
0x24: {  	[tilespmem:$0x228] =	vst v0  }
0x25: {  	[tilespmem:$0x238] =	vst v0  }
0x26: {  	[tilespmem:$0x248] =	vst v0  }
0x27: {  	[tilespmem:$0x258] =	vst v0  }
0x28: {  	[tilespmem:$0x268] =	vst v0  }
0x29: {  	[tilespmem:$0x278] =	vst v0  }
0x2a: {  	[tilespmem:$0x288] =	vst v0  }
0x2b: {  	[tilespmem:$0x298] =	vst v0  }
0x2c: {  	[tilespmem:$0x2A8] =	vst v0  }
0x2d: {  	[tilespmem:$0x2B8] =	vst v0  }
0x2e: {  	[tilespmem:$0x2C8] =	vst v0  }
0x2f: {  	[tilespmem:$0x2D8] =	vst v0  }
0x30: {  	[tilespmem:$0x2E8] =	vst v0  }
0x31: {  	[tilespmem:$0x2F8] =	vst v0  }
0x32: {  	[tilespmem:$0x308] =	vst v0  }
0x33: {  	[tilespmem:$0x318] =	vst v0  }
0x34: {  	[tilespmem:$0x328] =	vst v0  }
0x35: {  	[tilespmem:$0x338] =	vst v0  }
0x36: {  	[tilespmem:$0x348] =	vst v0  }
0x37: {  	[tilespmem:$0x358] =	vst v0  }
0x38: {  	[tilespmem:$0x368] =	vst v0  }
0x39: {  	[tilespmem:$0x378] =	vst v0  }
0x3a: {  	[tilespmem:$0x388] =	vst v0  }
0x3b: {  	[tilespmem:$0x398] =	vst v0  }
0x3c: {  	[tilespmem:$0x3A8] =	vst v0  }
0x3d: {  	[tilespmem:$0x3B8] =	vst v0  }
0x3e: {  	[tilespmem:$0x3C8] =	vst v0  }
0x3f: {  	[tilespmem:$0x3D8] =	vst v0  }
0x40: {  	[tilespmem:$0x3E8] =	vst v0  }
0x41: {  	[tilespmem:$0x3F8] =	vst v0  }
0x42: {  	[tilespmem:$0x408] =	vst v0  }
0x43: {  	[tilespmem:$0x418] =	vst v0  }
0x44: {  	[tilespmem:$0x428] =	vst v0  }
0x45: {  	[tilespmem:$0x438] =	vst v0  }
0x46: {  	[tilespmem:$0x448] =	vst v0  }
0x47: {  	[tilespmem:$0x458] =	vst v0  }
0x48: {  	[tilespmem:$0x468] =	vst v0  }
0x49: {  	[tilespmem:$0x478] =	vst v0  }
0x4a: {  	[tilespmem:$0x488] =	vst v0  }
0x4b: {  	[tilespmem:$0x498] =	vst v0  }
0x4c: {  	[tilespmem:$0x4A8] =	vst v0  }
0x4d: {  	[tilespmem:$0x4B8] =	vst v0  }
0x4e: {  	[tilespmem:$0x4C8] =	vst v0  }
0x4f: {  	[tilespmem:$0x4D8] =	vst v0  }
0x50: {  	[tilespmem:$0x4E8] =	vst v0  }
0x51: {  	[tilespmem:$0x4F8] =	vst v0  }
0x52: {  	[tilespmem:$0x508] =	vst v0  }
0x53: {  	[tilespmem:$0x518] =	vst v0  }
0x54: {  	[tilespmem:$0x528] =	vst v0  }
0x55: {  	[tilespmem:$0x538] =	vst v0  }
0x56: {  	[tilespmem:$0x548] =	vst v0  }
0x57: {  	[tilespmem:$0x558] =	vst v0  }
0x58: {  	[tilespmem:$0x568] =	vst v0  }
0x59: {  	[tilespmem:$0x578] =	vst v0  }
0x5a: {  	[tilespmem:$0x588] =	vst v0  }
0x5b: {  	[tilespmem:$0x598] =	vst v0  }
0x5c: {  	[tilespmem:$0x5A8] =	vst v0  }
0x5d: {  	[tilespmem:$0x5B8] =	vst v0  }
0x5e: {  	[tilespmem:$0x5C8] =	vst v0  }
0x5f: {  	[tilespmem:$0x5D8] =	vst v0  }
0x60: {  	[tilespmem:$0x5E8] =	vst v0  }
0x61: {  	[tilespmem:$0x5F8] =	vst v0  }
0x62: {  	[tilespmem:$0x608] =	vst v0  }
0x63: {  	[tilespmem:$0x618] =	vst v0  }
0x64: {  	[tilespmem:$0x628] =	vst v0  }
0x65: {  	[tilespmem:$0x638] =	vst v0  }
0x66: {  	[tilespmem:$0x648] =	vst v0  }
0x67: {  	[tilespmem:$0x658] =	vst v0  }
0x68: {  	[tilespmem:$0x668] =	vst v0  }
0x69: {  	[tilespmem:$0x678] =	vst v0  }
0x6a: {  	[tilespmem:$0x688] =	vst v0  }
0x6b: {  	[tilespmem:$0x698] =	vst v0  }
0x6c: {  	[tilespmem:$0x6A8] =	vst v0  }
0x6d: {  	[tilespmem:$0x6B8] =	vst v0  }
0x6e: {  	[tilespmem:$0x6C8] =	vst v0  }
0x6f: {  	[tilespmem:$0x6D8] =	vst v0  }
0x70: {  	[tilespmem:$0x6E8] =	vst v0  }
0x71: {  	[tilespmem:$0x6F8] =	vst v0  }
0x72: {  	[tilespmem:$0x708] =	vst v0  }
0x73: {  	[tilespmem:$0x718] =	vst v0  }
0x74: {  	[tilespmem:$0x728] =	vst v0  }
0x75: {  	[tilespmem:$0x738] =	vst v0  }
0x76: {  	[tilespmem:$0x748] =	vst v0  }
0x77: {  	[tilespmem:$0x758] =	vst v0  }
0x78: {  	[tilespmem:$0x768] =	vst v0  }
0x79: {  	[tilespmem:$0x778] =	vst v0  }
0x7a: {  	[tilespmem:$0x788] =	vst v0  }
0x7b: {  	[tilespmem:$0x798] =	vst v0  }
0x7c: {  	[tilespmem:$0x7A8] =	vst v0  }
0x7d: {  	[tilespmem:$0x7B8] =	vst v0  }
0x7e: {  	[tilespmem:$0x7C8] =	vst v0  }
0x7f: {  	[tilespmem:$0x7D8] =	vst v0  }
0x80: {  	[tilespmem:$0x7E8] =	vst v0  }
0x81: {  	[tilespmem:$0x7F8] =	vst v0  }
0x82: {  	[tilespmem:$0x808] =	vst v0  }
0x83: {  	[tilespmem:$0x818] =	vst v0  }
0x84: {  	[tilespmem:$0x828] =	vst v0  }
0x85: {  	[tilespmem:$0x838] =	vst v0  }
0x86: {  	[tilespmem:$0x848] =	vst v0  }
0x87: {  	[tilespmem:$0x858] =	vst v0  }
0x88: {  	[tilespmem:$0x868] =	vst v0  }
0x89: {  	[tilespmem:$0x878] =	vst v0  }
0x8a: {  	[tilespmem:$0x888] =	vst v0  }
0x8b: {  	[tilespmem:$0x898] =	vst v0  }
0x8c: {  	[tilespmem:$0x8A8] =	vst v0  }
0x8d: {  	[tilespmem:$0x8B8] =	vst v0  }
0x8e: {  	[tilespmem:$0x8C8] =	vst v0  }
0x8f: {  	[tilespmem:$0x8D8] =	vst v0  }
0x90: {  	[tilespmem:$0x8E8] =	vst v0  }
0x91: {  	[tilespmem:$0x8F8] =	vst v0  }
0x92: {  	[tilespmem:$0x908] =	vst v0  }
0x93: {  	[tilespmem:$0x918] =	vst v0  }
0x94: {  	[tilespmem:$0x928] =	vst v0  }
0x95: {  	[tilespmem:$0x938] =	vst v0  }
0x96: {  	[tilespmem:$0x948] =	vst v0  }
0x97: {  	[tilespmem:$0x958] =	vst v0  }
0x98: {  	[tilespmem:$0x968] =	vst v0  }
0x99: {  	[tilespmem:$0x978] =	vst v0  }
0x9a: {  	[tilespmem:$0x988] =	vst v0  }
0x9b: {  	[tilespmem:$0x998] =	vst v0  }
0x9c: {  	[tilespmem:$0x9A8] =	vst v0  }
0x9d: {  	[tilespmem:$0x9B8] =	vst v0  }
0x9e: {  	[tilespmem:$0x9C8] =	vst v0  }
0x9f: {  	[tilespmem:$0x9D8] =	vst v0  }
0xa0: {  	[tilespmem:$0x9E8] =	vst v0  }
0xa1: {  	[tilespmem:$0x9F8] =	vst v0  }
0xa2: {  	[tilespmem:$0xA08] =	vst v0  }
0xa3: {  	[tilespmem:$0xA18] =	vst v0  }
0xa4: {  	[tilespmem:$0xA28] =	vst v0  }
0xa5: {  	[tilespmem:$0xA38] =	vst v0  }
0xa6: {  	[tilespmem:$0xA48] =	vst v0  }
0xa7: {  	[tilespmem:$0xA58] =	vst v0  }
0xa8: {  	[tilespmem:$0xA68] =	vst v0  }
0xa9: {  	[tilespmem:$0xA78] =	vst v0  }
0xaa: {  	[tilespmem:$0xA88] =	vst v0  }
0xab: {  	[tilespmem:$0xA98] =	vst v0  }
0xac: {  	[tilespmem:$0xAA8] =	vst v0  }
0xad: {  	[tilespmem:$0xAB8] =	vst v0  }
0xae: {  	[tilespmem:$0xAC8] =	vst v0  }
0xaf: {  	[tilespmem:$0xAD8] =	vst v0  }
0xb0: {  	[tilespmem:$0xAE8] =	vst v0  }
0xb1: {  	[tilespmem:$0xAF8] =	vst v0  }
0xb2: {  	[tilespmem:$0xB08] =	vst v0  }
0xb3: {  	[tilespmem:$0xB18] =	vst v0  }
0xb4: {  	[tilespmem:$0xB28] =	vst v0  }
0xb5: {  	[tilespmem:$0xB38] =	vst v0  }
0xb6: {  	[tilespmem:$0xB48] =	vst v0  }
0xb7: {  	[tilespmem:$0xB58] =	vst v0  }
0xb8: {  	[tilespmem:$0xB68] =	vst v0  }
0xb9: {  	[tilespmem:$0xB78] =	vst v0  }
0xba: {  	[tilespmem:$0xB88] =	vst v0  }
0xbb: {  	[tilespmem:$0xB98] =	vst v0  }
0xbc: {  	[tilespmem:$0xBA8] =	vst v0  }
0xbd: {  	[tilespmem:$0xBB8] =	vst v0  }
0xbe: {  	[tilespmem:$0xBC8] =	vst v0  }
0xbf: {  	[tilespmem:$0xBD8] =	vst v0  }
0xc0: {  	[tilespmem:$0xBE8] =	vst v0  }
0xc1: {  	[tilespmem:$0xBF8] =	vst v0  }
0xc2: {  	[tilespmem:$0xC08] =	vst v0  }
0xc3: {  	[tilespmem:$0xC18] =	vst v0  }
0xc4: {  	[tilespmem:$0xC28] =	vst v0  }
0xc5: {  	[tilespmem:$0xC38] =	vst v0  }
0xc6: {  	[tilespmem:$0xC48] =	vst v0  }
0xc7: {  	[tilespmem:$0xC58] =	vst v0  }
0xc8: {  	[tilespmem:$0xC68] =	vst v0  }
0xc9: {  	[tilespmem:$0xC78] =	vst v0  }
0xca: {  	[tilespmem:$0xC88] =	vst v0  }
0xcb: {  	[tilespmem:$0xC98] =	vst v0  }
0xcc: {  	[tilespmem:$0xCA8] =	vst v0  }
0xcd: {  	[tilespmem:$0xCB8] =	vst v0  }
0xce: {  	[tilespmem:$0xCC8] =	vst v0  }
0xcf: {  	[tilespmem:$0xCD8] =	vst v0  }
0xd0: {  	[tilespmem:$0xCE8] =	vst v0  }
0xd1: {  	[tilespmem:$0xCF8] =	vst v0  }
0xd2: {  	[tilespmem:$0xD08] =	vst v0  }
0xd3: {  	[tilespmem:$0xD18] =	vst v0  }
0xd4: {  	[tilespmem:$0xD28] =	vst v0  }
0xd5: {  	[tilespmem:$0xD38] =	vst v0  }
0xd6: {  	[tilespmem:$0xD48] =	vst v0  }
0xd7: {  	[tilespmem:$0xD58] =	vst v0  }
0xd8: {  	[tilespmem:$0xD68] =	vst v0  }
0xd9: {  	[tilespmem:$0xD78] =	vst v0  }
0xda: {  	[tilespmem:$0xD88] =	vst v0  }
0xdb: {  	[tilespmem:$0xD98] =	vst v0  }
0xdc: {  	[tilespmem:$0xDA8] =	vst v0  }
0xdd: {  	[tilespmem:$0xDB8] =	vst v0  }
0xde: {  	[tilespmem:$0xDC8] =	vst v0  }
0xdf: {  	[tilespmem:$0xDD8] =	vst v0  }
0xe0: {  	[tilespmem:$0xDE8] =	vst v0  }
0xe1: {  	[tilespmem:$0xDF8] =	vst v0  }
0xe2: {  	[tilespmem:$0xE08] =	vst v0  }
0xe3: {  	[tilespmem:$0xE18] =	vst v0  }
0xe4: {  	[tilespmem:$0xE28] =	vst v0  }
0xe5: {  	[tilespmem:$0xE38] =	vst v0  }
0xe6: {  	[tilespmem:$0xE48] =	vst v0  }
0xe7: {  	[tilespmem:$0xE58] =	vst v0  }
0xe8: {  	[tilespmem:$0xE68] =	vst v0  }
0xe9: {  	[tilespmem:$0xE78] =	vst v0  }
0xea: {  	[tilespmem:$0xE88] =	vst v0  }
0xeb: {  	[tilespmem:$0xE98] =	vst v0  }
0xec: {  	[tilespmem:$0xEA8] =	vst v0  }
0xed: {  	[tilespmem:$0xEB8] =	vst v0  }
0xee: {  	[tilespmem:$0xEC8] =	vst v0  }
0xef: {  	[tilespmem:$0xED8] =	vst v0  }
0xf0: {  	[tilespmem:$0xEE8] =	vst v0  }
0xf1: {  	[tilespmem:$0xEF8] =	vst v0  }
0xf2: {  	[tilespmem:$0xF08] =	vst v0  }
0xf3: {  	[tilespmem:$0xF18] =	vst v0  }
0xf4: {  	[tilespmem:$0xF28] =	vst v0  }
0xf5: {  	[tilespmem:$0xF38] =	vst v0  }
0xf6: {  	[tilespmem:$0xF48] =	vst v0  }
0xf7: {  	[tilespmem:$0xF58] =	vst v0  }
0xf8: {  	[tilespmem:$0xF68] =	vst v0  }
0xf9: {  	[tilespmem:$0xF78] =	vst v0  }
0xfa: {  	[tilespmem:$0xF88] =	vst v0  }
0xfb: {  	[tilespmem:$0xF98] =	vst v0  }
0xfc: {  	[tilespmem:$0xFA8] =	vst v0  }
0xfd: {  	[tilespmem:$0xFB8] =	vst v0  }
0xfe: {  	[tilespmem:$0xFC8] =	vst v0  }
0xff: {  	[tilespmem:$0xFD8] =	vst v0  }
0x100: {  	[tilespmem:$0xFE8] =	vst v0  }
0x101: {  	[tilespmem:$0xFF8] =	vst v0  }
0x102: {  	[tilespmem:$0x1018] =	vst v0  }
0x103: {  	[tilespmem:$0x10D8] =	vst v0  }
0x104: {  	[tilespmem:$0x1B28] =	vst v0  }
0x105: {  	[tilespmem:$0x1B18] =	vst v0  }
0x106: {  	[tilespmem:$0x1B08] =	vst v0  }
0x107: {  	[tilespmem:$0x1AF8] =	vst v0  }
0x108: {  	[tilespmem:$0x1AE8] =	vst v0  }
0x109: {  	[tilespmem:$0x1AD8] =	vst v0  }
0x10a: {  	[tilespmem:$0x1AC8] =	vst v0  }
0x10b: {  	[tilespmem:$0x1AB8] =	vst v0  }
0x10c: {  	[tilespmem:$0x1AA8] =	vst v0  }
0x10d: {  	[tilespmem:$0x1A98] =	vst v0  }
0x10e: {  	[tilespmem:$0x1A88] =	vst v0  }
0x10f: {  	[tilespmem:$0x1A78] =	vst v0  }
0x110: {  	[tilespmem:$0x1A68] =	vst v0  }
0x111: {  	[tilespmem:$0x1A58] =	vst v0  }
0x112: {  	[tilespmem:$0x1A48] =	vst v0  }
0x113: {  	[tilespmem:$0x1A38] =	vst v0  }
0x114: {  	[tilespmem:$0x1A28] =	vst v0  }
0x115: {  	[tilespmem:$0x1A18] =	vst v0  }
0x116: {  	[tilespmem:$0x1A08] =	vst v0  }
0x117: {  	[tilespmem:$0x19F8] =	vst v0  }
0x118: {  	[tilespmem:$0x19E8] =	vst v0  }
0x119: {  	[tilespmem:$0x19D8] =	vst v0  }
0x11a: {  	[tilespmem:$0x19C8] =	vst v0  }
0x11b: {  	[tilespmem:$0x19B8] =	vst v0  }
0x11c: {  	[tilespmem:$0x19A8] =	vst v0  }
0x11d: {  	[tilespmem:$0x1998] =	vst v0  }
0x11e: {  	[tilespmem:$0x1988] =	vst v0  }
0x11f: {  	[tilespmem:$0x1978] =	vst v0  }
0x120: {  	[tilespmem:$0x1968] =	vst v0  }
0x121: {  	[tilespmem:$0x1958] =	vst v0  }
0x122: {  	[tilespmem:$0x1948] =	vst v0  }
0x123: {  	[tilespmem:$0x1938] =	vst v0  }
0x124: {  	[tilespmem:$0x1928] =	vst v0  }
0x125: {  	[tilespmem:$0x1918] =	vst v0  }
0x126: {  	[tilespmem:$0x1908] =	vst v0  }
0x127: {  	[tilespmem:$0x18F8] =	vst v0  }
0x128: {  	[tilespmem:$0x18E8] =	vst v0  }
0x129: {  	[tilespmem:$0x18D8] =	vst v0  }
0x12a: {  	[tilespmem:$0x18C8] =	vst v0  }
0x12b: {  	[tilespmem:$0x18B8] =	vst v0  }
0x12c: {  	[tilespmem:$0x18A8] =	vst v0  }
0x12d: {  	[tilespmem:$0x1898] =	vst v0  }
0x12e: {  	[tilespmem:$0x1888] =	vst v0  }
0x12f: {  	[tilespmem:$0x1878] =	vst v0  }
0x130: {  	[tilespmem:$0x1868] =	vst v0  }
0x131: {  	[tilespmem:$0x1858] =	vst v0  }
0x132: {  	[tilespmem:$0x1848] =	vst v0  }
0x133: {  	[tilespmem:$0x1838] =	vst v0  }
0x134: {  	[tilespmem:$0x1828] =	vst v0  }
0x135: {  	[tilespmem:$0x1818] =	vst v0  }
0x136: {  	[tilespmem:$0x1808] =	vst v0  }
0x137: {  	[tilespmem:$0x17F8] =	vst v0  }
0x138: {  	[tilespmem:$0x17E8] =	vst v0  }
0x139: {  	[tilespmem:$0x17D8] =	vst v0  }
0x13a: {  	[tilespmem:$0x17C8] =	vst v0  }
0x13b: {  	[tilespmem:$0x17B8] =	vst v0  }
0x13c: {  	[tilespmem:$0x17A8] =	vst v0  }
0x13d: {  	[tilespmem:$0x1798] =	vst v0  }
0x13e: {  	[tilespmem:$0x1788] =	vst v0  }
0x13f: {  	[tilespmem:$0x1778] =	vst v0  }
0x140: {  	[tilespmem:$0x1768] =	vst v0  }
0x141: {  	[tilespmem:$0x1758] =	vst v0  }
0x142: {  	[tilespmem:$0x1748] =	vst v0  }
0x143: {  	[tilespmem:$0x1738] =	vst v0  }
0x144: {  	[tilespmem:$0x1728] =	vst v0  }
0x145: {  	[tilespmem:$0x1718] =	vst v0  }
0x146: {  	[tilespmem:$0x1708] =	vst v0  }
0x147: {  	[tilespmem:$0x16F8] =	vst v0  }
0x148: {  	[tilespmem:$0x16E8] =	vst v0  }
0x149: {  	[tilespmem:$0x16D8] =	vst v0  }
0x14a: {  	[tilespmem:$0x16C8] =	vst v0  }
0x14b: {  	[tilespmem:$0x16B8] =	vst v0  }
0x14c: {  	[tilespmem:$0x16A8] =	vst v0  }
0x14d: {  	[tilespmem:$0x1698] =	vst v0  }
0x14e: {  	[tilespmem:$0x1688] =	vst v0  }
0x14f: {  	[tilespmem:$0x1678] =	vst v0  }
0x150: {  	[tilespmem:$0x1668] =	vst v0  }
0x151: {  	[tilespmem:$0x1658] =	vst v0  }
0x152: {  	[tilespmem:$0x1648] =	vst v0  }
0x153: {  	[tilespmem:$0x1638] =	vst v0  }
0x154: {  	[tilespmem:$0x1628] =	vst v0  }
0x155: {  	[tilespmem:$0x1618] =	vst v0  }
0x156: {  	[tilespmem:$0x1608] =	vst v0  }
0x157: {  	[tilespmem:$0x15F8] =	vst v0  }
0x158: {  	[tilespmem:$0x15E8] =	vst v0  }
0x159: {  	[tilespmem:$0x15D8] =	vst v0  }
0x15a: {  	[tilespmem:$0x15C8] =	vst v0  }
0x15b: {  	[tilespmem:$0x15B8] =	vst v0  }
0x15c: {  	[tilespmem:$0x15A8] =	vst v0  }
0x15d: {  	[tilespmem:$0x1598] =	vst v0  }
0x15e: {  	[tilespmem:$0x1588] =	vst v0  }
0x15f: {  	[tilespmem:$0x1578] =	vst v0  }
0x160: {  	[tilespmem:$0x1568] =	vst v0  }
0x161: {  	[tilespmem:$0x1558] =	vst v0  }
0x162: {  	[tilespmem:$0x1548] =	vst v0  }
0x163: {  	[tilespmem:$0x1538] =	vst v0  }
0x164: {  	[tilespmem:$0x1528] =	vst v0  }
0x165: {  	[tilespmem:$0x1518] =	vst v0  }
0x166: {  	[tilespmem:$0x1508] =	vst v0  }
0x167: {  	[tilespmem:$0x14F8] =	vst v0  }
0x168: {  	[tilespmem:$0x14E8] =	vst v0  }
0x169: {  	[tilespmem:$0x14D8] =	vst v0  }
0x16a: {  	[tilespmem:$0x14C8] =	vst v0  }
0x16b: {  	[tilespmem:$0x14B8] =	vst v0  }
0x16c: {  	[tilespmem:$0x14A8] =	vst v0  }
0x16d: {  	[tilespmem:$0x1498] =	vst v0  }
0x16e: {  	[tilespmem:$0x1488] =	vst v0  }
0x16f: {  	[tilespmem:$0x1478] =	vst v0  }
0x170: {  	[tilespmem:$0x1468] =	vst v0  }
0x171: {  	[tilespmem:$0x1458] =	vst v0  }
0x172: {  	[tilespmem:$0x1448] =	vst v0  }
0x173: {  	[tilespmem:$0x1438] =	vst v0  }
0x174: {  	[tilespmem:$0x1428] =	vst v0  }
0x175: {  	[tilespmem:$0x1418] =	vst v0  }
0x176: {  	[tilespmem:$0x1408] =	vst v0  }
0x177: {  	[tilespmem:$0x13F8] =	vst v0  }
0x178: {  	[tilespmem:$0x13E8] =	vst v0  }
0x179: {  	[tilespmem:$0x13D8] =	vst v0  }
0x17a: {  	[tilespmem:$0x13C8] =	vst v0  }
0x17b: {  	[tilespmem:$0x13B8] =	vst v0  }
0x17c: {  	[tilespmem:$0x13A8] =	vst v0  }
0x17d: {  	[tilespmem:$0x1398] =	vst v0  }
0x17e: {  	[tilespmem:$0x1388] =	vst v0  }
0x17f: {  	[tilespmem:$0x1378] =	vst v0  }
0x180: {  	[tilespmem:$0x1368] =	vst v0  }
0x181: {  	[tilespmem:$0x1358] =	vst v0  }
0x182: {  	[tilespmem:$0x1348] =	vst v0  }
0x183: {  	[tilespmem:$0x1338] =	vst v0  }
0x184: {  	[tilespmem:$0x1328] =	vst v0  }
0x185: {  	[tilespmem:$0x1318] =	vst v0  }
0x186: {  	[tilespmem:$0x1308] =	vst v0  }
0x187: {  	[tilespmem:$0x12F8] =	vst v0  }
0x188: {  	[tilespmem:$0x12E8] =	vst v0  }
0x189: {  	[tilespmem:$0x12D8] =	vst v0  }
0x18a: {  	[tilespmem:$0x12C8] =	vst v0  }
0x18b: {  	[tilespmem:$0x12B8] =	vst v0  }
0x18c: {  	[tilespmem:$0x12A8] =	vst v0  }
0x18d: {  	[tilespmem:$0x1298] =	vst v0  }
0x18e: {  	[tilespmem:$0x1288] =	vst v0  }
0x18f: {  	[tilespmem:$0x1278] =	vst v0  }
0x190: {  	[tilespmem:$0x1268] =	vst v0  }
0x191: {  	[tilespmem:$0x1258] =	vst v0  }
0x192: {  	[tilespmem:$0x1248] =	vst v0  }
0x193: {  	[tilespmem:$0x1238] =	vst v0  }
0x194: {  	[tilespmem:$0x1228] =	vst v0  }
0x195: {  	[tilespmem:$0x1218] =	vst v0  }
0x196: {  	[tilespmem:$0x1208] =	vst v0  }
0x197: {  	[tilespmem:$0x11F8] =	vst v0  }
0x198: {  	[tilespmem:$0x11E8] =	vst v0  }
0x199: {  	[tilespmem:$0x11D8] =	vst v0  }
0x19a: {  	[tilespmem:$0x11C8] =	vst v0  }
0x19b: {  	[tilespmem:$0x11B8] =	vst v0  }
0x19c: {  	[tilespmem:$0x11A8] =	vst v0  }
0x19d: {  	[tilespmem:$0x1198] =	vst v0  }
0x19e: {  	[tilespmem:$0x1188] =	vst v0  }
0x19f: {  	[tilespmem:$0x1178] =	vst v0  }
0x1a0: {  	[tilespmem:$0x1168] =	vst v0  }
0x1a1: {  	[tilespmem:$0x1158] =	vst v0  }
0x1a2: {  	[tilespmem:$0x1148] =	vst v0  }
0x1a3: {  	[tilespmem:$0x1138] =	vst v0  }
0x1a4: {  	[tilespmem:$0x1128] =	vst v0  }
0x1a5: {  	[tilespmem:$0x1118] =	vst v0  }
0x1a6: {  	s4 =	stileid.u32;
	[tilespmem:$0x1108] =	vst v0  }
0x1a7: {  	s0 =	sshll.u32 s4, $0x2;
	s1 =	smin.u32 s4, $0xC;
	[tilespmem:$0x10F8] =	vst v0  }
0x1a8: {  	[tilespmem:$0x10E8] =	vst v0;
	s0 =	sadd.s32 s1, s0  }
0x1a9: {  	p0 =	slt.u32 s4, $0xC;
	[tilespmem:$0x10C8] =	vst v0;
	s1 =	simm.s32 $0x870;
	s6 =	smul.u32 $0x1B0, s0  }
0x1aa: {  	s1 =	simm.s32 @!p0 $0x6C0;
	[tilespmem:$0x1038] =	vst v0  }
0x1ab: {  	[tilespmem:$0x10B8] =	vst v0;
	s0 =	sadd.s32 s1, s6  }
0x1ac: {  	[tilespmem:$0x10A8] =	vst v0;
	s7 =	smin.u32 s0, $0x8000  }
0x1ad: {  	[tilespmem:$0x1098] =	vst v0;
	s0 =	ssub.s32 s7, s6  }
0x1ae: {  	s3 =	simm.s32 $0x2;
	s8 =	simm.s32 $0x9;
	[tilespmem:$0x1088] =	vst v0;
	p0 =	sgt.s32 s0, $0x0  }
0x1af: {  	s10 =	simm.s32 $0xA;
	s30 =	simm.s32 $0xB;
	[tilespmem:$0x1078] =	vst v0;
	s0 =	simm.s32 @!p0 $0x0  }
0x1b0: {  	s16 =	simm.s32 $0x0;
	p4 =	por $0x0, $0x0;
	[tilespmem:$0x1068] =	vst v0;
	s29 =	sand.u32 $0xFFF0, s0  }
0x1b1: {  	s17 =	simm.s32 $0xC;
	s21 =	simm.s32 $0x0;
	[tilespmem:$0x1058] =	vst v0;
	s1 =	sshrl.u32 s29, $0x4  }
0x1b2: {  	s18 =	simm.s32 $0x0;
	s2 =	sand.u32 $0x1, s2;
	[tilespmem:$0x1048] =	vst v0;
	s1 =	smul.u32 $0x12F7, s1  }
0x1b3: {  	s20 =	simm.s32 $0x0;
	s31 =	sshll.u32 s4, $0x5;
	[dreg:$0x5] =	wrdreg s2;
	[tilespmem:$0x1028] =	vst v0  }
0x1b4: {  	[tilespmem:$0x1008] =	vst v0;
	s2 =	sshll.u32 s2, $0xC;
	[sflag:s3] =	ssyncpa.u1 $0x0;
	s1 =	sshrl.u32 s1, $0x11  }
0x1b5: {  	v0 =	vimm.s32 $0xFFFFFFFF;
	s3 =	sadd.s32 $0x5400, s11;
	[dreg:$0x4] =	wrdreg s31;
	s5 =	smul.u32 $0x1B0, s1  }
.Ltmp0:
0x1b6: {  	s2 =	sadd.s32 s2, s11;
	[tilespmem:$0x3648] =	vst v0;
	[sflag:s8] =	ssyncpa.u1 $0x0;
	(pc) =	sbr.rel .LBB2_1-.Ltmp0, $4  }
0x1b7: {  	s11 =	sadd.s32 $0x17400, s11;
	[sflag:s10] =	ssyncpa.u1 $0x0;
	p0 =	sne.s32 s0, s5  }
0x1b8: {  	s14 =	sadd.s32 $0x15400, s2;
	s15 =	sadd.s32 $0x13400, s2;
	s12 =	simm.s32 @!p0 $0x0  }
0x1b9: {  	[sflag:s30] =	ssyncpa.u1 $0x0;
	s19 =	smov.u32 s6;
	s12 =	sadd.s32 s1, s12  }
0x1ba: {  	v0 =	vlaneseq.u32;
	[dreg:$0x6] =	wrdreg s6;
	p0 =	por $0x1, $0x1;
	s4 =	sadd.s32 $0x1, s12  }
.LBB2_18:
0x1bb: {  	s0 =	simm.s32 $0x2  }
0x1bc: {  	_ =	swait.ge [sflag:s0], $0x0  }
0x1bd: {  	[sflag:s0] =	ssyncset.done $0x0;
	s0 =	simm.s32 $0x0  }
.LBB2_19:
0x1be: {  	_ =	swait.ge [sflag:s17], s0  }
0x1bf: {  	s31 =	ssub.s32 $0x0, s0;
	v1 =	vmov s23;
	vm0 =	veq.s32 v0, $0x0;
	[sflag:s17] =	ssyncset.done $0x0  }
0x1c0: {  	vm15 =	veq.s32 v0, $0x2;
	v1 =	vsel vm0, s28, v1;
	[sflag:s17] =	ssyncadd.s32 s31  }
0x1c1: {  	v1 =	vsel vm15, s21, v1;
	[sflag:s17] =	ssyncpa.u1 $0x1  }
0x1c2: {  	[tilespmem:$0x3648] =	vst v1  }
.LBB2_20:
0x1c3: {  	s0 =	sadd.s32 $0x1B0, s19  }
0x1c4: {  	s1 =	smov.u32 s6;
	p1 =	slt.s32 s0, s7  }
0x1c5: {  	s1 =	smov.u32 @p1 s0;
	p1 =	sne.s32 s20, s4  }
.Ltmp1:
0x1c6: {  	_ = 	snop;
	(pc) =	sbr.rel @!p1 .LBB2_21-.Ltmp1, $4  }
0x1c7: {  	_ = 	snop  }
0x1c8: {  	s21 =	smov.u32 s18  }
0x1c9: {  	s31 =	sadd.s32 $0x1, s20;
	s18 =	smov.u32 s19;
	p0 =	por !p0, !p0  }
0x1ca: {  	p4 =	por !p4, !p4;
	s20 =	smov.u32 s31;
	s19 =	smov.u32 s1  }
.LBB2_1:
0x1cb: {  	p2 =	sge.u32 s20, s12  }
0x1cc: {  	s0 =	smulhi.u32 @!p2 $0xAAAAAAAB, s20  }
0x1cd: {  	s1 =	smov.u32 s19;
	p3 =	sgt.s32 @!p2 s19, $0x7E50  }
0x1ce: {  	s2 =	sshra.s32 @!p2 s19, $0x1F;
	p3 =	por !p3, p2;
	s0 =	sshrl.u32 @!p2 s0, $0x1  }
0x1cf: {  	s2 =	sand.u32 @!p2 s2, s19;
	s1 =	simm.s32 @p3 $0x7E50;
	s0 =	smul.u32 @!p2 $0x3, s0  }
0x1d0: {  	s1 =	ssub.s32 @!p2 s1, s2  }
0x1d1: {  	s23 =	sadd.s32 $0xFFFFFFFF, s20;
	s1 =	sadd.s32 @!p2 $0xFFFF81B0, s1;
	s0 =	ssub.s32 @!p2 s20, s0  }
0x1d2: {  	s2 =	sshll.u32 @!p2 s1, $0x2;
	p3 =	sgt.s32 @!p2 s1, $0x1AF;
	s0 =	smul.u32 @!p2 $0x6C0, s0  }
0x1d3: {  	s5 =	sand.u32 @!p2 $0x7, s19;
	s1 =	ssub.s32 @!p2 $0x6C0, s2;
	p3 =	por !p3, p2  }
0x1d4: {  	s2 =	sshrl.u32 @!p2 s19, $0x3;
	s1 =	sshrl.u32 @!p2 s1, $0x2;
	s0 =	sshrl.u32 @!p2 s0, $0x2  }
0x1d5: {  	s2 =	sadd.s32 @!p2 s2, s14;
	s1 =	simm.s32 @!p3 $0x0;
	s0 =	sadd.s32 @!p2 $0x3888, s0  }
0x1d6: {  	[tilespmem:s0], [sflag:$0xA] =	stream.linear.gather @!p2 [hbm4b:s2+s5], s1, $0x38;
	[tilespmem:$0x1F0F8] =	vst v63  }
0x1d7: {  	p2 =	sge.u32 s23, s12  }
0x1d8: {  	p3 =	sgt.s32 @!p2 s18, $0x7E50  }
0x1d9: {  	s0 =	smov.u32 s18;
	s1 =	sshra.s32 @!p2 s18, $0x1F;
	p3 =	por !p3, p2  }
0x1da: {  	s1 =	sand.u32 @!p2 s1, s18;
	s0 =	simm.s32 @p3 $0x7E50  }
0x1db: {  	s0 =	ssub.s32 @!p2 s0, s1  }
0x1dc: {  	s0 =	sadd.s32 @!p2 $0xFFFF81B0, s0  }
0x1dd: {  	s1 =	sshll.u32 @!p2 s0, $0x2  }
0x1de: {  	p3 =	sgt.s32 @!p2 s0, $0x1AF;
	s0 =	ssub.s32 @!p2 $0x6C0, s1  }
0x1df: {  	s22 =	ssub.s32 @!p2 $0x8000, s18;
	p3 =	por !p3, p2;
	s0 =	sshrl.u32 @!p2 s0, $0x2  }
0x1e0: {  	s1 =	sand.u32 @!p2 $0x1, s23;
	s0 =	simm.s32 @!p3 $0x0;
	p3 =	slt.s32 @!p2 s22, $0x1  }
0x1e1: {  	s2 =	simm.s32 @!p2 $0xA;
	s1 =	smul.u32 @!p2 $0x6C0, s1;
	p3 =	por p2, p3  }
.Ltmp2:
0x1e2: {  	_ =	swait.ge @!p2 [sflag:s2], s0;
	(pc) =	sbr.rel @p3 .LBB2_7-.Ltmp2, $4  }
0x1e3: {  	s5 =	ssub.s32 @!p2 $0x0, s0;
	[sflag:s2] =	ssyncset.done @!p2 $0x0  }
0x1e4: {  	s1 =	sshrl.u32 @!p2 s1, $0x2;
	[sflag:s2] =	ssyncadd.s32 @!p2 s5;
	s2 =	sshrl.u32 @!p2 s18, $0x3  }
0x1e5: {  	s1 =	sadd.s32 @!p2 $0x3D98, s1;
	s5 =	sand.u32 @!p2 $0x7, s18;
	s2 =	sadd.s32 @!p2 s2, s15  }
0x1e6: {  	[tilespmem:s1], [sflag:$0xB] =	stream.linear.gather @!p2 [hbm4b:s2+s5], s0, $0x38;
	[tilespmem:$0x1F0F8] =	vst v63  }
0x1e7: {  	s0 =	smulhi.u32 $0xAAAAAAAB, s23;
	_ =	sdelay $0x1  }
0x1e8: {  	s0 =	sshrl.u32 s0, $0x1  }
0x1e9: {  	s0 =	smul.u32 $0x3, s0;
	_ =	sdelay $0x1  }
0x1ea: {  	s0 =	ssub.s32 s23, s0  }
0x1eb: {  	s1 =	simm.s32 $0x1;
	s0 =	smul.u32 $0x6C0, s0  }
.Ltmp3:
0x1ec: {  	s1 =	simm.s32 @!p0 $0x0;
	(pc) =	sbr.rel .LBB2_4-.Ltmp3, $4  }
0x1ed: {  	s1 =	smul.u32 $0x36000, s1  }
0x1ee: {  	p3 =	slt.s32 @!p2 s22, $0x1B0;
	s0 =	sshrl.u32 s0, $0x2  }
0x1ef: {  	p2 =	por !p3, p2;
	s1 =	sshrl.u32 s1, $0x2;
	s0 =	sadd.s32 $0x3888, s0  }
0x1f0: {  	s24 =	simm.s32 $0x0;
	s22 =	simm.s32 @p2 $0x1B0;
	s23 =	sadd.s32 $0x40F8, s1;
	v1 =	vmov s0  }
.LBB2_3:
0x1f1: {  	p2 =	sge.s32 s24, s22  }
.Ltmp4:
0x1f2: {  	_ = 	snop;
	(pc) =	sbr.rel @p2 .LBB2_7-.Ltmp4, $2  }
0x1f3: {  	_ =	sdelay $0x2  }
0x1f4: {  	s23 =	sadd.s32 $0x800, s23  }
.LBB2_4:
0x1f5: {  	p2 =	sle.s32 s22, s24  }
.Ltmp5:
0x1f6: {  	_ = 	snop;
	(pc) =	sbr.rel @p2 .LBB2_3-.Ltmp5, $2  }
0x1f7: {  	_ =	sdelay $0x2  }
0x1f8: {  	s0 =	smov.u32 s24;
	s24 =	sadd.s32 $0x10, s24  }
0x1f9: {  	s1 =	ssub.s32 s22, s0  }
0x1fa: {  	p2 =	slt.s32 s1, $0x10  }
0x1fb: {  	s1 =	simm.s32 @!p2 $0x10  }
0x1fc: {  	v2 =	vmov s1  }
0x1fd: {  	vm0 =	vgt.s32 v2, v0;
	_ =	sdelay $0x5  }
0x1fe: {  	v2 =	vld.idx.msk [tilespmem:v1+s0+$0x0 ss:$0x1], vm0;
	_ =	sdelay $0x2  }
0x1ff: {  	p2 =	slt.s32 s24, s22;
	s1 =	smov.u32 s22  }
0x200: {  	s2 =	smov.u32 s23;
	s25 =	simm.s32 $0x0;
	s1 =	smov.u32 @p2 s24  }
.LBB2_6:
0x201: {  	(v2sf) =	vpush v2, s25;
	_ =	sdelay $0xc  }
0x202: {  	s25 =	sadd.s32 $0x1, s25  }
0x203: {  	s31 =	sadd.s32 s25, s0  }
0x204: {  	p2 =	slt.s32 s31, s1;
	s5 =	spop (v2sf)  }
.Ltmp6:
0x205: {  	s5 =	sshll.u32 s5, $0x4;
	(pc) =	sbr.rel @p2 .LBB2_6-.Ltmp6, $4  }
0x206: {  	s5 =	sand.u32 $0x1FFFFFF0, s5  }
0x207: {  	s5 =	sadd.s32 s11, s5  }
0x208: {  	[tilespmem:s2], [sflag:$0x9] =	stream.linear.gather [hbm4b:s5+s16], $0x4, $0x38;
	[tilespmem:$0x1F0F8] =	vst v63  }
0x209: {  	s2 =	sadd.s32 $0x80, s2  }
.Ltmp7:
0x20a: {  	_ = 	snop;
	(pc) =	sbr.rel .LBB2_3-.Ltmp7, $1  }
0x20b: {  	_ =	sdelay $0x3  }
.LBB2_7:
0x20c: {  	p2 =	slt.u32 s20, $0x2  }
.Ltmp8:
0x20d: {  	_ = 	snop;
	(pc) =	sbr.rel @p2 .LBB2_20-.Ltmp8, $1  }
0x20e: {  	_ =	sdelay $0x3  }
0x20f: {  	p2 =	sgt.s32 s21, $0x7E50  }
0x210: {  	s0 =	smov.u32 s21;
	s1 =	sshra.s32 s21, $0x1F;
	s2 =	ssub.s32 $0x8000, s21  }
0x211: {  	s0 =	simm.s32 @!p2 $0x7E50;
	s1 =	sand.u32 s1, s21;
	p2 =	slt.s32 s2, $0x1B0  }
0x212: {  	s0 =	ssub.s32 s0, s1;
	s2 =	simm.s32 @!p2 $0x1B0  }
0x213: {  	s0 =	sadd.s32 $0xFFFF81B0, s0;
	s24 =	sshll.u32 s2, $0x2  }
0x214: {  	s28 =	simm.s32 $0x9;
	s25 =	sshll.u32 s0, $0x2;
	s1 =	sand.u32 $0x3FFFFFFC, s24  }
0x215: {  	p2 =	sgt.s32 s0, $0x1AF;
	s26 =	ssub.s32 $0x6C0, s25;
	_ =	swait.ge [sflag:s28], s1  }
0x216: {  	s1 =	ssub.s32 $0x0, s1;
	[sflag:s28] =	ssyncset.done $0x0;
	s0 =	sshrl.u32 s26, $0x2  }
0x217: {  	s30 =	simm.s32 $0xB;
	[sflag:s28] =	ssyncadd.s32 s1;
	s0 =	simm.s32 @p2 $0x0  }
0x218: {  	_ =	swait.ge [sflag:s30], s0  }
0x219: {  	s0 =	ssub.s32 $0x0, s0;
	[sflag:s30] =	ssyncset.done $0x0  }
0x21a: {  	[sflag:s30] =	ssyncadd.s32 s0  }
0x21b: {  	v1 =	vld [tilespmem:$0x3648];
	_ =	sdelay $0x4  }
0x21c: {  	(v2sf) =	vpush v1, $0x0  }
0x21d: {  	(v2sf) =	vpush v1, $0x1  }
0x21e: {  	(v2sf) =	vpush v1, $0x2;
	_ =	sdelay $0x3  }
0x21f: {  	s0 =	sadd.s32 $0x1B0, s21  }
0x220: {  	s1 =	ssub.s32 $0x10000, s21;
	p2 =	slt.s32 s7, s0  }
0x221: {  	s0 =	smov.u32 @p2 s7;
	p2 =	sgt.s32 s1, $0x0  }
0x222: {  	s25 =	ssub.s32 s0, s21;
	s1 =	simm.s32 @!p2 $0x0  }
0x223: {  	p2 =	slt.s32 s1, s25  }
0x224: {  	s25 =	smov.u32 @p2 s1  }
0x225: {  	s24 =	simm.s32 $0x1;
	p2 =	slt.s32 s25, $0x1  }
.Ltmp9:
0x226: {  	s24 =	simm.s32 @!p4 $0x0;
	(pc) =	sbr.rel @p2 .LBB2_12-.Ltmp9, $4  }
0x227: {  	s31 =	smul.u32 $0x6C0, s24  }
0x228: {  	s26 =	spop (v2sf)  }
0x229: {  	s0 =	sshrl.u32 s31, $0x2;
	s29 =	spop (v2sf)  }
0x22a: {  	s22 =	sadd.s32 $0x3D98, s0;
	s21 =	spop (v2sf)  }
0x22b: {  	s0 =	smin.u32 s25, $0x10  }
0x22c: {  	v1 =	vmov s0  }
0x22d: {  	p3 =	sgt.s32 s25, $0x10;
	vm1 =	vgt.u32 v1, v0  }
.Ltmp10:
0x22e: {  	_ = 	snop;
	(pc) =	sbr.rel @!p3 .LBB2_11-.Ltmp10, $2  }
0x22f: {  	_ =	sdelay $0x2  }
0x230: {  	s23 =	simm.s32 $0x10;
	s28 =	sadd.s32 $0xFFFFFFF0, s25;
	s0 =	smov.u32 s22;
	vm0 =	vmmov vm1  }
.LBB2_10:
0x231: {  	s1 =	smin.u32 s28, $0x10;
	s23 =	sadd.s32 $0x10, s23;
	v1 =	vld.msk [tilespmem:s0+$0x0 ss:$0x1], vm1  }
0x232: {  	v2 =	vmov s1;
	p3 =	slt.s32 s23, s25  }
0x233: {  	vm1 =	vgt.u32 v2, v0  }
.Ltmp11:
0x234: {  	(pc) =	sbr.rel @p3 .LBB2_10-.Ltmp11, $3  }
0x235: {  	_ =	sdelay $0x1  }
0x236: {  	v1 =	vshll.u32 v1, $0x4  }
0x237: {  	s28 =	sadd.s32 $0xFFFFFFF0, s28;
	[tilespmem:s0+$0x0] =	vst.msk vm0, v1;
	s0 =	sadd.s32 $0x10, s0;
	vm0 =	vmmov vm1  }
.LBB2_11:
0x238: {  	_ =	sdelay $0x4  }
0x239: {  	v1 =	vld.msk [tilespmem:s0+$0x0 ss:$0x1], vm1;
	_ =	sdelay $0x4  }
0x23a: {  	v1 =	vshll.u32 v1, $0x4  }
0x23b: {  	[tilespmem:s0+$0x0] =	vst.msk vm0, v1  }
.LBB2_12:
0x23c: {  	s0 =	sand.u32 $0x1, s20  }
0x23d: {  	s0 =	smul.u32 $0x1B0, s0  }
0x23e: {  	p3 =	sne.s32 s29, $0xFFFFFFFF  }
0x23f: {  	v1 =	vld.msk @!p3 [tilespmem:s0+$0x3D98], $0x1;
	_ =	sdelay $0x4  }
0x240: {  	(v2sf) =	vpush @!p3 v1, $0x0;
	_ =	sdelay $0xc  }
.Ltmp12:
0x241: {  	_ = 	snop;
	(pc) =	sbr.rel @p2 .LBB2_18-.Ltmp12, $4  }
0x242: {  	_ = 	snop  }
0x243: {  	s28 =	spop @!p3 (v2sf)  }
0x244: {  	s21 =	simm.s32 @!p3 $0x0;
	s23 =	smov.u32 s28  }
0x245: {  	[sflag:s17] =	ssyncpa.u1 $0x0;
	s28 =	smov.u32 @p3 s26;
	s23 =	smov.u32 @p3 s29  }
0x246: {  	v1 =	vld.msk [tilespmem:s22+$0x0], $0x1;
	_ =	sdelay $0x4  }
0x247: {  	(v2sf) =	vpush v1, $0x0;
	_ =	sdelay $0xe  }
0x248: {  	s0 =	simm.s32 @!p4 $0x0;
	s26 =	smul.u32 $0x36000, s24;
	s31 =	spop (v2sf)  }
0x249: {  	s29 =	ssub.s32 $0x0, s25;
	s0 =	simm.s32 @p4 $0x1;
	p2 =	seq.s32 s28, s31  }
0x24a: {  	s1 =	smov.u32 s28;
	[smem:$0x7FD] =	sst s0;
	p3 =	sgt.s32 @!p2 s28, $0x0  }
0x24b: {  	s0 =	sshrl.u32 s26, $0x2;
	s26 =	sadd.s32 $0x1, s29;
	p3 =	por !p3, p2  }
0x24c: {  	s1 =	simm.s32 @p3 $0x0;
	p3 =	seq.s32 s26, $0x0  }
.Ltmp13:
0x24d: {  	_ = 	snop;
	(pc) =	sbr.rel @p3 .LBB2_15-.Ltmp13, $4  }
0x24e: {  	s6 =	smov.u32 s4;
	s25 =	simm.s32 $0x0  }
0x24f: {  	s24 =	sadd.s32 $0x40F8, s0;
	s0 =	simm.s32 @!p2 $0x1;
	s2 =	smin.u32 @!p2 s1, $0x7FFF  }
0x250: {  	s30 =	sadd.s32 $0x1, s22;
	s0 =	smov.u32 @p2 s25;
	s5 =	sand.u32 @!p2 $0x7FF8, s2  }
0x251: {  	s1 =	simm.s32 @!p2 $0x1B38;
	s2 =	sand.u32 @!p2 $0x7, s2;
	s5 =	sadd.s32 @!p2 s3, s5  }
.LBB2_14:
0x252: {  	s4 =	smov.u32 s0  }
0x253: {  	[tilespmem:s1], [sflag:$0x2] =	stream.linear.gather @!p2 [hbm4b:s5+s2], $0x4, $0x38;
	[tilespmem:$0x1F0F8] =	vst v63  }
0x254: {  	s26 =	sadd.s32 $0x1, s26;
	s2 =	smov.u32 s31;
	v1 =	vld.msk [tilespmem:s30+$0x0], $0x1  }
0x255: {  	p3 =	seq.s32 s26, $0x0;
	_ =	sdelay $0x3  }
0x256: {  	(v2sf) =	vpush v1, $0x0;
	_ =	sdelay $0xe  }
0x257: {  	s31 =	spop (v2sf)  }
0x258: {  	p2 =	seq.s32 s2, s31  }
0x259: {  	p4 =	sgt.s32 @!p2 s2, $0x0;
	s1 =	sshll.u32 @!p2 s0, $0x6;
	s0 =	sadd.s32 @!p2 $0x1, s0  }
.Ltmp14:
0x25a: {  	p4 =	por !p4, p2;
	s1 =	sshra.s32 @!p2 s1, $0x2;
	(pc) =	sbr.rel @!p3 .LBB2_14-.Ltmp14, $4  }
0x25b: {  	s0 =	smov.u32 @p2 s4;
	s2 =	simm.s32 @p4 $0x0;
	s1 =	sadd.s32 @!p2 $0x1B38, s1  }
0x25c: {  	s2 =	smin.u32 @!p2 s2, $0x7FFF  }
0x25d: {  	s4 =	sand.u32 @!p2 $0x7FF8, s2;
	s2 =	sand.u32 @!p2 $0x7, s2  }
0x25e: {  	s30 =	sadd.s32 $0x1, s30;
	s5 =	sadd.s32 @!p2 s3, s4  }
.LBB2_15:
0x25f: {  	[tilespmem:s1], [sflag:$0x2] =	stream.linear.gather @!p2 [hbm4b:s5+s2], $0x4, $0x38;
	[tilespmem:$0x1F0F8] =	vst v63  }
0x260: {  	s0 =	sshll.u32 s0, $0x2  }
0x261: {  	s31 =	simm.s32 $0x2;
	s0 =	sand.u32 $0x3FFFFFFC, s0  }
0x262: {  	_ =	swait.ge [sflag:s31], s0  }
0x263: {  	s0 =	ssub.s32 $0x0, s0;
	[sflag:s31] =	ssyncset.done $0x0  }
0x264: {  	[sflag:s31] =	ssyncadd.s32 s0  }
0x265: {  	v1 =	vld.msk [tilespmem:s22+$0x0], $0x1;
	_ =	sdelay $0x4  }
0x266: {  	(v2sf) =	vpush v1, $0x0;
	_ =	sdelay $0xe  }
0x267: {  	s26 =	spop (v2sf)  }
0x268: {  	p2 =	sne.s32 s28, s26  }
0x269: {  	p4 =	sne.s32 @p2 s28, s23  }
0x26a: {  	p3 =	por !p4, !p2  }
0x26b: {  	s0 =	simm.s32 @!p3 $0x0  }
0x26c: {  	v1 =	vld.msk @!p3 [tilespmem:s0+$0x1B38], $0xf  }
0x26d: {  	p5 =	sgt.u32 @!p3 s28, $0x7FFF  }
0x26e: {  	s1 =	sshll.u32 @!p3 s21, $0x6;
	p6 =	por @p2 p5, !p4  }
0x26f: {  	s1 =	sshra.s32 @!p3 s1, $0x2;
	p1 =	por p6, !p2;
	p6 =	por p4, !p2  }
0x270: {  	s2 =	sadd.s32 @!p3 $0x28, s1;
	s4 =	sand.u32 @!p1 $0x7FF8, s28;
	s5 =	sshll.u32 @!p6 s21, $0x6  }
0x271: {  	s28 =	sand.u32 @!p1 $0x7, s28;
	[tilespmem:s1+$0x28] =	vst.add.f32.msk @!p3 $0xf, v1;
	s1 =	sadd.s32 @!p1 s3, s4;
	s4 =	sshra.s32 @!p6 s5, $0x2  }
0x272: {  	[hbm4b:s1+s28] =	stream.linear.scatter @!p1 [tilespmem:s2], [sflag:$0xC], $0x4, $0x38;
	[tilespmem:$0x1F0F8] =	vst v63  }
0x273: {  	s0 =	rddreg [dreg:$0x4];
	s1 =	sadd.s32 @!p6 $0x28, s4;
	s2 =	simm.s32 @!p6 $0x1  }
0x274: {  	[spmem:s0] =	stream.linear.scatter @!p6 [tilespmem:s1], [sflag:$0x1], $0x4, $0x38;
	[tilespmem:$0x1F0F8] =	vst v63  }
0x275: {  	s0 =	sadd.s32 @p2 $0x1, s21;
	_ =	swait.ge @!p6 [sflag:s2], $0x4  }
0x276: {  	s1 =	sshrl.u32 @p2 s0, $0x4;
	[sflag:s2] =	ssyncset.done @!p6 $0x0  }
0x277: {  	s1 =	smulhi.u32 @p2 $0x97B425F, s1;
	[sflag:s2] =	ssyncadd.s32 @!p6 $0xFFFFFFFC  }
0x278: {  	s28 =	sadd.s32 $0x1, s29;
	v1 =	vld.msk @p2 [tilespmem:s24+$0x0], $0xf  }
0x279: {  	p1 =	por @p2 !p5, !p4;
	p4 =	seq.s32 s28, $0x0;
	s1 =	smul.u32 @p2 $0x1B0, s1  }
.Ltmp15:
0x27a: {  	p1 =	por !p1, !p2;
	s2 =	simm.s32 @!p3 $0x0;
	(pc) =	sbr.rel @p4 .LBB2_17-.Ltmp15, $4  }
0x27b: {  	s4 =	sshll.u32 @!p2 s21, $0x6;
	s2 =	simm.s32 @!p1 $0x10;
	s0 =	ssub.s32 @p2 s0, s1  }
0x27c: {  	s29 =	simm.s32 $0x0;
	s2 =	sadd.s32 @!p3 $0x0, s2;
	s5 =	sshll.u32 @p2 s0, $0x4  }
0x27d: {  	s30 =	sshra.s32 @!p2 s4, $0x2;
	s1 =	simm.s32 @p2 $0x1;
	s2 =	smov.u32 @p3 s25;
	[tilespmem:s5+$0x28] =	vst.msk @p2 $0xf, v1  }
0x27e: {  	s21 =	smov.u32 @p2 s0;
	s29 =	smov.u32 @p2 s2;
	s25 =	smov.u32 @p2 s1;
	v1 =	vld.msk @!p2 [tilespmem:s24+$0x0], $0xf  }
.LBB2_16:
0x27f: {  	_ =	sdelay $0x3  }
0x280: {  	s22 =	sadd.s32 $0x1, s22;
	[tilespmem:s30+$0x28] =	vst.add.f32.msk @!p2 $0xf, v1  }
0x281: {  	v1 =	vld.msk [tilespmem:s22+$0x0], $0x1;
	_ =	sdelay $0x4  }
0x282: {  	(v2sf) =	vpush v1, $0x0;
	_ =	sdelay $0xe  }
0x283: {  	s0 =	smov.u32 s26;
	s26 =	spop (v2sf)  }
0x284: {  	p2 =	sne.s32 s0, s26  }
0x285: {  	p5 =	sne.s32 @p2 s0, s23  }
0x286: {  	s4 =	sshll.u32 @!p2 s21, $0x6;
	p4 =	por !p5, !p2  }
0x287: {  	s30 =	sshra.s32 @!p2 s4, $0x2;
	s4 =	sshll.u32 @!p4 s25, $0x6  }
0x288: {  	s4 =	sshra.s32 @!p4 s4, $0x2  }
0x289: {  	p1 =	sgt.u32 @!p4 s0, $0x7FFF;
	v1 =	vld.msk @!p4 [tilespmem:s4+$0x1B38], $0xf  }
0x28a: {  	s31 =	sshll.u32 @!p4 s21, $0x6;
	p6 =	por @p2 p1, !p5;
	p1 =	por @p2 !p1, !p5  }
0x28b: {  	s8 =	simm.s32 @!p4 $0x0;
	s31 =	sshra.s32 @!p4 s31, $0x2;
	p1 =	por !p1, !p2  }
0x28c: {  	p5 =	por p5, !p2;
	s8 =	simm.s32 @!p1 $0x10;
	p1 =	por p6, !p2  }
0x28d: {  	s4 =	sadd.s32 @!p4 $0x28, s31;
	s13 =	sshll.u32 @!p5 s21, $0x6;
	s10 =	sand.u32 @!p1 $0x7FF8, s0  }
0x28e: {  	s13 =	sshra.s32 @!p5 s13, $0x2;
	s0 =	sand.u32 @!p1 $0x7, s0;
	s10 =	sadd.s32 @!p1 s3, s10;
	[tilespmem:s31+$0x28] =	vst.add.f32.msk @!p4 $0xf, v1  }
0x28f: {  	[hbm4b:s10+s0] =	stream.linear.scatter @!p1 [tilespmem:s4], [sflag:$0xC], $0x4, $0x38;
	[tilespmem:$0x1F0F8] =	vst v63  }
0x290: {  	s1 =	rddreg [dreg:$0x4];
	s0 =	sadd.s32 @!p5 $0x28, s13;
	s4 =	simm.s32 @!p5 $0x1  }
0x291: {  	[spmem:s1] =	stream.linear.scatter @!p5 [tilespmem:s0], [sflag:$0x1], $0x4, $0x38;
	[tilespmem:$0x1F0F8] =	vst v63  }
0x292: {  	s2 =	sadd.s32 @p2 $0x1, s21;
	_ =	swait.ge @!p5 [sflag:s4], $0x4  }
0x293: {  	s5 =	sshrl.u32 @p2 s2, $0x4;
	[sflag:s4] =	ssyncset.done @!p5 $0x0  }
0x294: {  	s24 =	sadd.s32 $0x80, s24;
	s5 =	smulhi.u32 @p2 $0x97B425F, s5;
	[sflag:s4] =	ssyncadd.s32 @!p5 $0xFFFFFFFC  }
0x295: {  	s28 =	sadd.s32 $0x1, s28;
	v1 =	vld.msk @p2 [tilespmem:s24+$0x0], $0xf  }
0x296: {  	p3 =	seq.s32 s28, $0x0;
	s5 =	smul.u32 @p2 $0x1B0, s5  }
.Ltmp16:
0x297: {  	_ = 	snop;
	(pc) =	sbr.rel @!p3 .LBB2_16-.Ltmp16, $4  }
0x298: {  	s2 =	ssub.s32 @p2 s2, s5  }
0x299: {  	s8 =	sadd.s32 @!p4 s8, s29;
	s5 =	sshll.u32 @p2 s2, $0x4  }
0x29a: {  	s9 =	sadd.s32 @p2 $0x1, s25;
	s8 =	smov.u32 @p4 s29;
	[tilespmem:s5+$0x28] =	vst.msk @p2 $0xf, v1  }
0x29b: {  	s25 =	smov.u32 @p2 s9;
	s21 =	smov.u32 @p2 s2;
	s29 =	smov.u32 @p2 s8;
	v1 =	vld.msk @!p2 [tilespmem:s24+$0x0], $0xf  }
.LBB2_17:
.Ltmp17:
0x29c: {  	_ = 	snop;
	(pc) =	sbr.rel .LBB2_19-.Ltmp17, $3  }
0x29d: {  	s1 =	sld [smem:$0x7FD];
	_ =	sdelay $0x1  }
0x29e: {  	s0 =	sshrl.u32 s29, $0x2;
	s28 =	smov.u32 s26  }
0x29f: {  	s4 =	smov.u32 s6;
	s6 =	rddreg [dreg:$0x6];
	p4 =	seq.s32 s1, $0x1;
	[tilespmem:s30+$0x28] =	vst.add.f32.msk @!p2 $0xf, v1  }
.LBB2_21:
0x2a0: {  	_ =	sfence.sel $0x180000  }
0x2a1: {  	s0 =	simm.s32 $0x9;
	[bflag:$0x0] =	sbarrier.arrive $0xFFFF  }
0x2a2: {  	s24 =	simm.s32 $0xA;
	[sflag:s0] =	ssyncpa.u1 $0x1  }
0x2a3: {  	s25 =	simm.s32 $0xB;
	[sflag:s24] =	ssyncpa.u1 $0x1  }
0x2a4: {  	s26 =	simm.s32 $0x2;
	[sflag:s25] =	ssyncpa.u1 $0x1  }
0x2a5: {  	[sflag:s26] =	ssyncpa.u1 $0x1  }
0x2a6: {  	v0 =	vld [tilespmem:$0x3648];
	_ =	sdelay $0x4  }
0x2a7: {  	(v2sf) =	vpush v0, $0x0  }
0x2a8: {  	(v2sf) =	vpush v0, $0x1;
	_ =	sdelay $0x1  }
0x2a9: {  	(v2sf) =	vpush v0, $0x2;
	_ =	sdelay $0xb  }
0x2aa: {  	s0 =	spop (v2sf)  }
0x2ab: {  	s1 =	spop (v2sf)  }
0x2ac: {  	s2 =	smov.u32 s0;
	p0 =	sne.s32 s0, s1  }
0x2ad: {  	s4 =	spop (v2sf);
	s2 =	simm.s32 @!p0 $0xFFFFFFFF  }
0x2ae: {  	v2 =	vimm.s32 $0x1;
	v3 =	vlaneseq.u32;
	p0 =	seq.s32 s4, $0xFFFFFFFF;
	v1 =	vmov s2  }
0x2af: {  	s16 =	stileid.u32;
	v0 =	vperm.xlane v0, v2;
	p1 =	sne.s32 @!p0 s0, s1;
	v1 =	vperm.xlane v1, v3  }
0x2b0: {  	vm0 =	vcmask $0x3F04;
	s6 =	simm.s32 $0x3648;
	s0 =	simm.s32 @!p0 $0x1;
	p1 =	por !p1, p0  }
0x2b1: {  	s2 =	sshll.u32 s16, $0x1;
	s1 =	sshll.u32 @!p0 s4, $0x6;
	s0 =	simm.s32 @p1 $0x0;
	v0 =	vsel vm0, v1, v0  }
0x2b2: {  	s5 =	sor.u32 $0x200, s2;
	s1 =	sshra.s32 @!p0 s1, $0x2;
	s0 =	sor.u32 @!p0 s0, s2;
	[tilespmem:$0x3648] =	vst v0  }
0x2b3: {  	[spmem:s5] =	stream.linear.scatter [tilespmem:s6], [sflag:$0x1], $0x2, $0x38;
	[tilespmem:$0x1F0F8] =	vst v63  }
0x2b4: {  	s1 =	sadd.s32 @!p0 $0x28, s1;
	s0 =	sshll.u32 @!p0 s0, $0x4  }
0x2b5: {  	[spmem:s0] =	stream.linear.scatter @!p0 [tilespmem:s1], [sflag:$0x1], $0x10, $0x38;
	[tilespmem:$0x1F0F8] =	vst v63  }
0x2b6: {  	s0 =	simm.s32 @!p0 $0x12  }
0x2b7: {  	s28 =	simm.s32 $0x1;
	s0 =	simm.s32 @p0 $0x2  }
0x2b8: {  	_ =	swait.ge [sflag:s28], s0  }
0x2b9: {  	s0 =	ssub.s32 $0x0, s0;
	[sflag:s28] =	ssyncset.done $0x0  }
0x2ba: {  	p0 =	sne.s32 s16, $0x0;
	[sflag:s28] =	ssyncadd.s32 s0  }
.Ltmp18:
0x2bb: {  	_ =	sfence.stream.spmem;
	(pc) =	sbr.rel @p0 .LBB2_38-.Ltmp18, $4  }
0x2bc: {  	s29 =	simm.s32 $0x3;
	[bflag:$0x0] =	sbarrier.arrive $0xFFFF  }
0x2bd: {  	s30 =	simm.s32 $0x4;
	[sflag:s29] =	ssyncpa.u1 $0x1  }
0x2be: {  	s31 =	simm.s32 $0x3C;
	[sflag:s30] =	ssyncpa.u1 $0x1  }
0x2bf: {  	s17 =	rddreg [dreg:$0x5];
	[sflag:s31] =	ssyncpa.u1 $0x1  }
0x2c0: {  	_ =	sfence.stream.spmem;
	s0 =	simm.s32 $0x5  }
0x2c1: {  	s1 =	simm.s32 $0x200;
	s2 =	simm.s32 $0x3658;
	[sflag:s0] =	ssyncpa.u1 $0x0  }
0x2c2: {  	[tilespmem:s2], [sflag:$0x5] =	stream.linear.gather [spmem:s1], $0x20, $0x38;
	[tilespmem:$0x1F0F8] =	vst v63  }
0x2c3: {  	s26 =	simm.s32 $0x0;
	s28 =	simm.s32 $0x3678  }
0x2c4: {  	[tilespmem:s28], [sflag:$0x5] =	stream.linear.gather [spmem:s26], $0x200, $0x38;
	[tilespmem:$0x1F0F8] =	vst v63  }
0x2c5: {  	_ =	swait.ge [sflag:s0], $0x220  }
0x2c6: {  	[sflag:s0] =	ssyncset.done $0x0  }
0x2c7: {  	s29 =	simm.s32 $0x0;
	[sflag:s0] =	ssyncadd.s32 $0xFFFFFDE0  }
0x2c8: {  	v0 =	vld.msk [tilespmem:s29+$0x3658], $0x1;
	_ =	sdelay $0x1  }
0x2c9: {  	s30 =	simm.s32 $0x1  }
0x2ca: {  	v1 =	vld.msk [tilespmem:s30+$0x3658], $0x1;
	_ =	sdelay $0x1  }
0x2cb: {  	(v2sf) =	vpush v0, $0x0;
	_ =	sdelay $0x2  }
0x2cc: {  	(v2sf) =	vpush v1, $0x0;
	_ =	sdelay $0x2  }
0x2cd: {  	s31 =	simm.s32 $0x2  }
0x2ce: {  	v0 =	vld.msk [tilespmem:s31+$0x3658], $0x1;
	_ =	sdelay $0x2  }
0x2cf: {  	s6 =	simm.s32 $0xFFFFFFFF;
	s1 =	simm.s32 $0xFFFFFFFF;
	s0 =	simm.s32 $0xC  }
.LBB2_23:
0x2d0: {  	s2 =	smov.u32 s6;
	s4 =	smov.u32 s1  }
0x2d1: {  	s1 =	sshra.s32 s0, $0x2;
	p1 =	sne.s32 s0, $0x7C;
	s0 =	sadd.s32 $0x4, s0;
	(v2sf) =	vpush v0, $0x0  }
0x2d2: {  	v0 =	vld.msk [tilespmem:s1+$0x3658], $0x1  }
.Ltmp19:
0x2d3: {  	(pc) =	sbr.rel @p1 .LBB2_23-.Ltmp19, $4  }
0x2d4: {  	s6 =	spop (v2sf)  }
0x2d5: {  	p2 =	sne.s32 s4, $0xFFFFFFFF;
	s1 =	smov.u32 s6  }
0x2d6: {  	p3 =	seq.s32 s6, $0xFFFFFFFF;
	s1 =	smov.u32 @p2 s4  }
0x2d7: {  	s6 =	smov.u32 @p3 s2;
	s1 =	smov.u32 @p3 s4  }
0x2d8: {  	(v2sf) =	vpush v0, $0x0;
	_ =	sdelay $0x8  }
0x2d9: {  	s0 =	spop (v2sf)  }
0x2da: {  	p1 =	sne.s32 s1, $0xFFFFFFFF;
	s2 =	smov.u32 s0  }
0x2db: {  	s9 =	simm.s32 $0x6;
	p2 =	seq.s32 s0, $0xFFFFFFFF;
	s2 =	smov.u32 @p1 s1  }
0x2dc: {  	s10 =	simm.s32 $0x3638;
	s2 =	smov.u32 @p2 s1;
	s1 =	spop (v2sf)  }
0x2dd: {  	s0 =	smov.u32 @p2 s6;
	p1 =	sne.s32 s2, $0xFFFFFFFF;
	s4 =	smov.u32 s1  }
.Ltmp20:
0x2de: {  	p2 =	seq.s32 s1, $0xFFFFFFFF;
	s4 =	smov.u32 @p1 s2;
	(pc) =	sbr.rel .LBB2_25-.Ltmp20, $4  }
0x2df: {  	s11 =	simm.s32 $0x0;
	s4 =	smov.u32 @p2 s2;
	s7 =	spop (v2sf)  }
0x2e0: {  	[sflag:s9] =	ssyncpa.u1 $0x0;
	p1 =	sne.s32 s4, $0xFFFFFFFF;
	s8 =	smov.u32 s7  }
0x2e1: {  	s1 =	smov.u32 @p2 s0;
	p2 =	seq.s32 s7, $0xFFFFFFFF;
	s8 =	smov.u32 @p1 s4  }
0x2e2: {  	s6 =	simm.s32 $0x0;
	s7 =	smov.u32 @p2 s1;
	s8 =	smov.u32 @p2 s4  }
.LBB2_30:
0x2e3: {  	p1 =	sgt.u32 s12, $0x7FFF  }
0x2e4: {  	p2 =	seq.s32 @!p1 s12, s8  }
0x2e5: {  	p1 =	por p1, p2  }
0x2e6: {  	p2 =	sne.s32 @!p1 s12, s7  }
0x2e7: {  	p1 =	por p1, !p2  }
0x2e8: {  	s0 =	sshll.u32 @p1 s11, $0x6  }
0x2e9: {  	s0 =	sand.u32 @!p1 $0x7FF8, s12  }
0x2ea: {  	s1 =	sand.u32 @!p1 $0x7, s12;
	s0 =	sadd.s32 @!p1 s3, s0  }
0x2eb: {  	[tilespmem:s10], [sflag:$0x6] =	stream.linear.gather @!p1 [hbm4b:s0+s1], $0x4, $0x38;
	[tilespmem:$0x1F0F8] =	vst v63  }
0x2ec: {  	_ =	swait.ge @!p1 [sflag:s9], $0x4  }
0x2ed: {  	[sflag:s9] =	ssyncset.done @!p1 $0x0  }
0x2ee: {  	[sflag:s9] =	ssyncadd.s32 @!p1 $0xFFFFFFFC  }
0x2ef: {  	v1 =	vld @!p1 [tilespmem:$0x3638];
	_ =	sdelay $0x2  }
0x2f0: {  	s0 =	sshll.u32 @!p1 s11, $0x6  }
0x2f1: {  	s1 =	sshrl.u32 @!p1 s0, $0x2  }
0x2f2: {  	[tilespmem:s1+$0x3678] =	vst.add.f32.msk @!p1 $0xffff, v1  }
0x2f3: {  	s0 =	sshrl.u32 s0, $0x2;
	[tilespmem:s6+$0x3658] =	vst.msk $0x1, v0  }
0x2f4: {  	v0 =	vld [tilespmem:s0+$0x3678];
	_ =	sdelay $0x2  }
0x2f5: {  	s31 =	sshll.u32 s6, $0x6  }
0x2f6: {  	s0 =	sshra.s32 s31, $0x2  }
0x2f7: {  	s6 =	sadd.s32 $0x1, s6;
	[tilespmem:s0+$0x3678] =	vst v0  }
.LBB2_32:
0x2f8: {  	s11 =	sadd.s32 $0x1, s11  }
0x2f9: {  	p1 =	sne.s32 s11, $0x20  }
.Ltmp21:
0x2fa: {  	_ = 	snop;
	(pc) =	sbr.rel @!p1 .LBB2_33-.Ltmp21, $1  }
0x2fb: {  	_ =	sdelay $0x3  }
.LBB2_25:
0x2fc: {  	v0 =	vld.msk [tilespmem:s11+$0x3658], $0x1;
	_ =	sdelay $0x4  }
0x2fd: {  	(v2sf) =	vpush v0, $0x0;
	_ =	sdelay $0xe  }
0x2fe: {  	s12 =	spop (v2sf)  }
0x2ff: {  	p1 =	seq.s32 s12, $0xFFFFFFFF  }
.Ltmp22:
0x300: {  	_ = 	snop;
	(pc) =	sbr.rel @p1 .LBB2_32-.Ltmp22, $1  }
0x301: {  	_ =	sdelay $0x3  }
0x302: {  	p1 =	slt.s32 s6, $0x1  }
.Ltmp23:
0x303: {  	_ = 	snop;
	(pc) =	sbr.rel @p1 .LBB2_30-.Ltmp23, $1  }
0x304: {  	_ =	sdelay $0x3  }
0x305: {  	s13 =	simm.s32 $0x3658;
	p1 =	por $0x0, $0x0  }
0x306: {  	v1 =	vld.msk @!p1 [tilespmem:s13+$0x0], $0x1;
	_ =	sdelay $0x4  }
0x307: {  	(v2sf) =	vpush @!p1 v1, $0x0;
	_ =	sdelay $0xd  }
0x308: {  	p3 =	sne.s32 s6, $0x1  }
.Ltmp24:
0x309: {  	s0 =	spop @!p1 (v2sf);
	(pc) =	sbr.rel @!p3 .LBB2_29-.Ltmp24, $4  }
0x30a: {  	p2 =	seq.s32 @!p1 s12, s0  }
0x30b: {  	s14 =	simm.s32 $0x0;
	p2 =	por !p2, p1  }
0x30c: {  	s0 =	simm.s32 $0xFFFFFFFF;
	s14 =	simm.s32 @p2 $0xFFFFFFFF  }
0x30d: {  	s15 =	simm.s32 $0x1;
	s14 =	smov.u32 @p1 s0  }
.LBB2_28:
0x30e: {  	s0 =	smov.u32 s14;
	p1 =	sne.s32 s14, $0xFFFFFFFF  }
0x30f: {  	s13 =	sadd.s32 $0x1, s13;
	s14 =	smov.u32 s15;
	s15 =	sadd.s32 $0x1, s15  }
0x310: {  	p2 =	sne.s32 s6, s15;
	v1 =	vld.msk @!p1 [tilespmem:s13+$0x0], $0x1;
	_ =	sdelay $0x4  }
0x311: {  	(v2sf) =	vpush @!p1 v1, $0x0;
	_ =	sdelay $0xe  }
.Ltmp25:
0x312: {  	s1 =	spop @!p1 (v2sf);
	(pc) =	sbr.rel @p2 .LBB2_28-.Ltmp25, $4  }
0x313: {  	p3 =	seq.s32 @!p1 s12, s1  }
0x314: {  	p3 =	por !p3, p1  }
0x315: {  	s14 =	simm.s32 @p3 $0xFFFFFFFF  }
0x316: {  	s14 =	smov.u32 @p1 s0  }
.LBB2_29:
0x317: {  	p1 =	sne.s32 s14, $0xFFFFFFFF  }
.Ltmp26:
0x318: {  	_ = 	snop;
	(pc) =	sbr.rel @!p1 .LBB2_30-.Ltmp26, $1  }
0x319: {  	_ =	sdelay $0x3  }
0x31a: {  	s0 =	sshll.u32 s11, $0x4  }
0x31b: {  	s0 =	sand.u32 $0x3FFFFFF0, s0  }
0x31c: {  	v0 =	vld [tilespmem:s0+$0x3678]  }
.Ltmp27:
0x31d: {  	_ = 	snop;
	(pc) =	sbr.rel .LBB2_32-.Ltmp27, $4  }
0x31e: {  	_ = 	snop  }
0x31f: {  	s31 =	sshll.u32 s14, $0x6  }
0x320: {  	s0 =	sshra.s32 s31, $0x2  }
0x321: {  	[tilespmem:s0+$0x3678] =	vst.add.f32.msk $0xffff, v0  }
.LBB2_33:
0x322: {  	s0 =	simm.s32 $0x6;
	p1 =	seq.s32 s6, $0x0  }
0x323: {  	[sflag:s0] =	ssyncpa.u1 $0x1;
	v0 =	vimm.s32 @p1 $0xFFFFFFFF  }
0x324: {  	s9 =	sadd.s32 $0xFFFFFFFF, s6;
	[tilespmem:$0x3878] =	vst @p1 v0  }
0x325: {  	v0 =	vld.msk @!p1 [tilespmem:s9+$0x3658], $0x1;
	_ =	sdelay $0x1  }
0x326: {  	v1 =	vld.msk @!p1 [tilespmem:$0x3658], $0x1;
	_ =	sdelay $0x2  }
0x327: {  	p2 =	seq.s32 @!p1 s9, $0x0;
	v0 =	vbroadcast @!p1 v0, $0x0  }
0x328: {  	vm0 =	vmmov @!p1 $0x1;
	p2 =	por !p2, p1  }
0x329: {  	v1 =	vnsel @!p1 vm0, $0xFFFFFFFF, v1;
	vm0 =	vcmask @!p1 $0x308;
	v0 =	vpsel !p2, $0xFFFFFFFF, v0  }
0x32a: {  	p2 =	sne.s32 @!p1 s8, s7;
	v0 =	vsel @!p1 vm0, v1, v0  }
0x32b: {  	s0 =	simm.s32 @!p1 $0x3678;
	s1 =	simm.s32 @!p1 $0x0;
	p3 =	por !p2, p1;
	[tilespmem:$0x3878] =	vst @!p1 v0  }
0x32c: {  	[spmem:s1] =	stream.linear.scatter @!p1 [tilespmem:s0], [sflag:$0x1], $0x10, $0x38;
	[tilespmem:$0x1F0F8] =	vst v63  }
0x32d: {  	s0 =	sshll.u32 @!p3 s9, $0x6  }
0x32e: {  	s0 =	sshra.s32 @!p3 s0, $0x2  }
0x32f: {  	s1 =	simm.s32 @!p3 $0x10;
	s0 =	sadd.s32 @!p3 $0x3678, s0  }
0x330: {  	[spmem:s1] =	stream.linear.scatter @!p3 [tilespmem:s0], [sflag:$0x1], $0x10, $0x38;
	[tilespmem:$0x1F0F8] =	vst v63  }
0x331: {  	s0 =	simm.s32 @!p3 $0x1  }
0x332: {  	_ =	swait.ge @!p3 [sflag:s0], $0x20  }
0x333: {  	p1 =	por p2, p1;
	[sflag:s0] =	ssyncset.done @!p3 $0x0  }
0x334: {  	[sflag:s0] =	ssyncadd.s32 @!p3 $0xFFFFFFE0;
	s0 =	simm.s32 @!p1 $0x1  }
0x335: {  	_ =	swait.ge @!p1 [sflag:s0], $0x10  }
0x336: {  	s29 =	simm.s32 $0x3878;
	[sflag:s0] =	ssyncset.done @!p1 $0x0  }
0x337: {  	s30 =	simm.s32 $0x200;
	s31 =	simm.s32 $0x1;
	[sflag:s0] =	ssyncadd.s32 @!p1 $0xFFFFFFF0  }
0x338: {  	[spmem:s30] =	stream.linear.scatter [tilespmem:s29], [sflag:$0x1], $0x10, $0x38;
	[tilespmem:$0x1F0F8] =	vst v63  }
0x339: {  	_ =	swait.ge [sflag:s31], $0x10  }
0x33a: {  	[sflag:s31] =	ssyncset.done $0x0  }
0x33b: {  	p1 =	seq.s32 s17, $0x0;
	s8 =	rddreg [dreg:$0x1];
	[sflag:s31] =	ssyncadd.s32 $0xFFFFFFF0  }
0x33c: {  	s1 =	sshll.u32 @p1 s8, $0xE;
	s7 =	rddreg [dreg:$0x2]  }
0x33d: {  	s0 =	sadd.s32 @p1 $0x15C3C, s1;
	s1 =	sshll.u32 @p1 s7, $0x11  }
0x33e: {  	_ =	sfence.stream.spmem;
	s0 =	sor.u32 @p1 s1, s0  }
0x33f: {  	[sflag:s0] =	ssyncadd.remote.s32 @p1 $0x1;
	s0 =	simm.s32 @p1 $0x4  }
0x340: {  	s2 =	simm.s32 @!p1 $0x3C;
	s1 =	sand.u32 $0xFFFFFFFE, s8;
	_ =	swait.ge @p1 [sflag:s0], $0x6  }
0x341: {  	s4 =	simm.s32 @!p1 $0x0;
	s1 =	sadd.s32 @!p1 $0x4, s1;
	[sflag:s0] =	ssyncset.done @p1 $0x0  }
0x342: {  	s5 =	simm.s32 @!p1 $0x20;
	[sflag:s0] =	ssyncadd.s32 @p1 $0xFFFFFFFA;
	s0 =	sshll.u32 @!p1 s1, $0x1A  }
0x343: {  	s1 =	sshll.u32 @!p1 s1, $0xD;
	s0 =	sor.u32 @!p1 s0, s7;
	_ =	swait.eq @!p1 [sflag:s2], $0x1  }
0x344: {  	s1 =	sor.u32 @!p1 $0x1C04, s1;
	s2 =	simm.s32 @!p1 $0x1C03;
	s0 =	sor.u32 @!p1 $0x80004000, s0  }
0x345: {  	[spmem:s5], [sflag:s1] =	dma.general @!p1 [spmem:s4], [sflag:s2], length:$0x4, [dreg:$0x0], stride_count:$0x0, ici_dest:s0, dma_misc:DstOpCode:WRITE  }
0x346: {  	p2 =	slt.s32 s9, $0x2;
	s4 =	simm.s32 @!p1 $0x40;
	s5 =	simm.s32 @!p1 $0x42  }
0x347: {  	[spmem:s5], [sflag:s1] =	dma.general @!p1 [spmem:s4], [sflag:s2], length:$0x2, [dreg:$0x0], stride_count:$0x0, ici_dest:s0, dma_misc:DstOpCode:WRITE  }
.Ltmp28:
0x348: {  	s0 =	simm.s32 @!p1 $0x3;
	(pc) =	sbr.rel @p2 .LBB2_37-.Ltmp28, $4  }
0x349: {  	s1 =	sshll.u32 @!p1 s8, $0xE;
	_ =	swait.ge @!p1 [sflag:s0], $0x6  }
0x34a: {  	s2 =	sshll.u32 @!p1 s7, $0x11;
	s1 =	sadd.s32 @!p1 $0x11C3C, s1;
	[sflag:s0] =	ssyncset.done @!p1 $0x0  }
0x34b: {  	[sflag:s0] =	ssyncadd.s32 @!p1 $0xFFFFFFFA;
	s0 =	sor.u32 @!p1 s2, s1  }
0x34c: {  	[sflag:s0] =	ssyncadd.remote.s32 @!p1 $0xFFFFFFFF;
	s0 =	simm.s32 $0x0  }
0x34d: {  	s0 =	simm.s32 $0x3659  }
0x34e: {  	v0 =	vld.msk [tilespmem:s0+$0x0], $0x1;
	_ =	sdelay $0x4  }
0x34f: {  	(v2sf) =	vpush v0, $0x0;
	_ =	sdelay $0xd  }
0x350: {  	s2 =	sadd.s32 $0xFFFFFFFE, s6  }
0x351: {  	s2 =	sadd.s32 $0xFFFFFFFF, s2;
	s0 =	spop (v2sf)  }
0x352: {  	p2 =	sne.s32 s2, $0x0;
	p1 =	sgt.u32 s0, $0x7FFF  }
.Ltmp29:
0x353: {  	s4 =	sand.u32 @!p1 $0x7FF8, s0;
	(pc) =	sbr.rel @!p2 .LBB2_36-.Ltmp29, $4  }
0x354: {  	s1 =	simm.s32 $0x3688;
	s0 =	sand.u32 @!p1 $0x7, s0;
	s4 =	sadd.s32 @!p1 s3, s4  }
0x355: {  	[hbm4b:s4+s0] =	stream.linear.scatter @!p1 [tilespmem:s1], [sflag:$0x5], $0x4, $0x38;
	[tilespmem:$0x1F0F8] =	vst v63  }
0x356: {  	s0 =	simm.s32 $0x0  }
0x357: {  	s6 =	simm.s32 $0x0;
	s7 =	simm.s32 $0x365A;
	s0 =	simm.s32 @!p1 $0x10  }
.LBB2_35:
0x358: {  	v0 =	vld.msk [tilespmem:s7+$0x0], $0x1;
	s2 =	sadd.s32 $0xFFFFFFFF, s2;
	s6 =	sadd.s32 s6, s0  }
0x359: {  	p1 =	sne.s32 s2, $0x0;
	_ =	sdelay $0x3  }
0x35a: {  	(v2sf) =	vpush v0, $0x0;
	_ =	sdelay $0xe  }
.Ltmp30:
0x35b: {  	s4 =	spop (v2sf);
	(pc) =	sbr.rel @p1 .LBB2_35-.Ltmp30, $4  }
0x35c: {  	s0 =	simm.s32 $0x0;
	p2 =	sgt.u32 s4, $0x7FFF  }
0x35d: {  	s1 =	sadd.s32 $0x10, s1;
	s0 =	simm.s32 @!p2 $0x10;
	s5 =	sand.u32 @!p2 $0x7FF8, s4  }
0x35e: {  	s7 =	sadd.s32 $0x1, s7;
	s4 =	sand.u32 @!p2 $0x7, s4;
	s5 =	sadd.s32 @!p2 s3, s5  }
0x35f: {  	[hbm4b:s5+s4] =	stream.linear.scatter @!p2 [tilespmem:s1], [sflag:$0x5], $0x4, $0x38;
	[tilespmem:$0x1F0F8] =	vst v63  }
.LBB2_36:
0x360: {  	s0 =	sadd.s32 s6, s0  }
0x361: {  	s0 =	sshrl.u32 s0, $0x2  }
.LBB2_37:
0x362: {  	s1 =	simm.s32 $0x5  }
0x363: {  	_ =	swait.ge [sflag:s1], s0  }
0x364: {  	s31 =	ssub.s32 $0x0, s0;
	[sflag:s1] =	ssyncset.done $0x0  }
0x365: {  	[sflag:s1] =	ssyncadd.s32 s31  }
0x366: {  	[sflag:s1] =	ssyncpa.u1 $0x1  }
.LBB2_38:
0x367: {  	s0 =	sor.u32 s17, s16  }
0x368: {  	p1 =	sne.s32 s0, $0x0  }
.Ltmp31:
0x369: {  	_ = 	snop;
	(pc) =	sbr.rel @p1 .LBB2_53-.Ltmp31, $3  }
0x36a: {  	_ =	sdelay $0x1  }
0x36b: {  	[bflag:$0x0] =	sbarrier.arrive $0xFFFF  }
0x36c: {  	_ =	sfence  }
0x36d: {  	s0 =	simm.s32 $0x7  }
0x36e: {  	s1 =	simm.s32 $0x200;
	s2 =	simm.s32 $0x3658;
	[sflag:s0] =	ssyncpa.u1 $0x0  }
0x36f: {  	[tilespmem:s2], [sflag:$0x7] =	stream.linear.gather [spmem:s1], $0x20, $0x38;
	[tilespmem:$0x1F0F8] =	vst v63  }
0x370: {  	s30 =	simm.s32 $0x3678;
	s1 =	simm.s32 $0x0  }
0x371: {  	[tilespmem:s30], [sflag:$0x7] =	stream.linear.gather [spmem:s1], $0x200, $0x38;
	[tilespmem:$0x1F0F8] =	vst v63  }
.Ltmp32:
0x372: {  	_ = 	snop;
	(pc) =	sbr.rel .LBB2_40-.Ltmp32, $4  }
0x373: {  	_ =	swait.ge [sflag:s0], $0x220  }
0x374: {  	[sflag:s0] =	ssyncset.done $0x0  }
0x375: {  	s31 =	simm.s32 $0x8;
	[sflag:s0] =	ssyncadd.s32 $0xFFFFFDE0  }
0x376: {  	s2 =	simm.s32 $0x0;
	[sflag:s31] =	ssyncpa.u1 $0x0  }
.LBB2_45:
0x377: {  	p1 =	slt.u32 s4, $0x8000  }
0x378: {  	s0 =	sand.u32 @p1 $0x7FF8, s4  }
0x379: {  	s4 =	sand.u32 @p1 $0x7, s4;
	s5 =	simm.s32 @p1 $0x3638;
	s0 =	sadd.s32 @p1 s3, s0  }
0x37a: {  	[tilespmem:s5], [sflag:$0x8] =	stream.linear.gather @p1 [hbm4b:s0+s4], $0x4, $0x38;
	[tilespmem:$0x1F0F8] =	vst v63  }
0x37b: {  	s0 =	simm.s32 @p1 $0x8  }
0x37c: {  	_ =	swait.ge @p1 [sflag:s0], $0x4  }
0x37d: {  	[sflag:s0] =	ssyncset.done @p1 $0x0  }
0x37e: {  	[sflag:s0] =	ssyncadd.s32 @p1 $0xFFFFFFFC  }
0x37f: {  	v1 =	vld @p1 [tilespmem:$0x3638];
	_ =	sdelay $0x2  }
0x380: {  	s0 =	sshll.u32 @p1 s2, $0x6  }
0x381: {  	s5 =	sshll.u32 @!p1 s2, $0x6;
	s4 =	sshrl.u32 @p1 s0, $0x2  }
0x382: {  	s5 =	smov.u32 @p1 s0;
	[tilespmem:s4+$0x3678] =	vst.add.f32.msk @p1 $0xffff, v1  }
0x383: {  	s0 =	sshrl.u32 s5, $0x2;
	[tilespmem:s1+$0x3658] =	vst.msk $0x1, v0  }
0x384: {  	v0 =	vld [tilespmem:s0+$0x3678];
	_ =	sdelay $0x2  }
0x385: {  	s31 =	sshll.u32 s1, $0x6  }
0x386: {  	s0 =	sshra.s32 s31, $0x2  }
0x387: {  	s1 =	sadd.s32 $0x1, s1;
	[tilespmem:s0+$0x3678] =	vst v0  }
.LBB2_47:
0x388: {  	s2 =	sadd.s32 $0x1, s2  }
0x389: {  	p1 =	sne.s32 s2, $0x20  }
.Ltmp33:
0x38a: {  	_ = 	snop;
	(pc) =	sbr.rel @!p1 .LBB2_48-.Ltmp33, $1  }
0x38b: {  	_ =	sdelay $0x3  }
.LBB2_40:
0x38c: {  	v0 =	vld.msk [tilespmem:s2+$0x3658], $0x1;
	_ =	sdelay $0x4  }
0x38d: {  	(v2sf) =	vpush v0, $0x0;
	_ =	sdelay $0xe  }
0x38e: {  	s4 =	spop (v2sf)  }
0x38f: {  	p1 =	seq.s32 s4, $0xFFFFFFFF  }
.Ltmp34:
0x390: {  	_ = 	snop;
	(pc) =	sbr.rel @p1 .LBB2_47-.Ltmp34, $1  }
0x391: {  	_ =	sdelay $0x3  }
0x392: {  	p1 =	slt.s32 s1, $0x1  }
.Ltmp35:
0x393: {  	_ = 	snop;
	(pc) =	sbr.rel @p1 .LBB2_45-.Ltmp35, $1  }
0x394: {  	_ =	sdelay $0x3  }
0x395: {  	s5 =	simm.s32 $0x3658;
	p1 =	por $0x0, $0x0  }
0x396: {  	v1 =	vld.msk @!p1 [tilespmem:s5+$0x0], $0x1;
	_ =	sdelay $0x4  }
0x397: {  	(v2sf) =	vpush @!p1 v1, $0x0;
	_ =	sdelay $0xd  }
0x398: {  	p3 =	sne.s32 s1, $0x1  }
.Ltmp36:
0x399: {  	s0 =	spop @!p1 (v2sf);
	(pc) =	sbr.rel @!p3 .LBB2_44-.Ltmp36, $4  }
0x39a: {  	p2 =	seq.s32 @!p1 s4, s0  }
0x39b: {  	s6 =	simm.s32 $0x0;
	p2 =	por !p2, p1  }
0x39c: {  	s0 =	simm.s32 $0xFFFFFFFF;
	s6 =	simm.s32 @p2 $0xFFFFFFFF  }
0x39d: {  	s7 =	simm.s32 $0x1;
	s6 =	smov.u32 @p1 s0  }
.LBB2_43:
0x39e: {  	s0 =	smov.u32 s6;
	p1 =	sne.s32 s6, $0xFFFFFFFF  }
0x39f: {  	s5 =	sadd.s32 $0x1, s5;
	s6 =	smov.u32 s7;
	s7 =	sadd.s32 $0x1, s7  }
0x3a0: {  	p2 =	sne.s32 s1, s7;
	v1 =	vld.msk @!p1 [tilespmem:s5+$0x0], $0x1;
	_ =	sdelay $0x4  }
0x3a1: {  	(v2sf) =	vpush @!p1 v1, $0x0;
	_ =	sdelay $0xe  }
.Ltmp37:
0x3a2: {  	s8 =	spop @!p1 (v2sf);
	(pc) =	sbr.rel @p2 .LBB2_43-.Ltmp37, $4  }
0x3a3: {  	p3 =	seq.s32 @!p1 s4, s8  }
0x3a4: {  	p3 =	por !p3, p1  }
0x3a5: {  	s6 =	simm.s32 @p3 $0xFFFFFFFF  }
0x3a6: {  	s6 =	smov.u32 @p1 s0  }
.LBB2_44:
0x3a7: {  	p1 =	sne.s32 s6, $0xFFFFFFFF  }
.Ltmp38:
0x3a8: {  	_ = 	snop;
	(pc) =	sbr.rel @!p1 .LBB2_45-.Ltmp38, $1  }
0x3a9: {  	_ =	sdelay $0x3  }
0x3aa: {  	s0 =	sshll.u32 s2, $0x4  }
0x3ab: {  	s0 =	sand.u32 $0x3FFFFFF0, s0  }
0x3ac: {  	v0 =	vld [tilespmem:s0+$0x3678]  }
.Ltmp39:
0x3ad: {  	_ = 	snop;
	(pc) =	sbr.rel .LBB2_47-.Ltmp39, $4  }
0x3ae: {  	_ = 	snop  }
0x3af: {  	s31 =	sshll.u32 s6, $0x6  }
0x3b0: {  	s0 =	sshra.s32 s31, $0x2  }
0x3b1: {  	[tilespmem:s0+$0x3678] =	vst.add.f32.msk $0xffff, v0  }
.LBB2_48:
0x3b2: {  	p1 =	slt.s32 s1, $0x1  }
.Ltmp40:
0x3b3: {  	_ = 	snop;
	(pc) =	sbr.rel @p1 .LBB2_52-.Ltmp40, $3  }
0x3b4: {  	_ =	sdelay $0x1  }
0x3b5: {  	s0 =	simm.s32 $0x8  }
0x3b6: {  	s2 =	simm.s32 $0x0;
	[sflag:s0] =	ssyncpa.u1 $0x1  }
0x3b7: {  	s0 =	simm.s32 $0x3658  }
0x3b8: {  	v0 =	vld.msk [tilespmem:s0+$0x0], $0x1;
	_ =	sdelay $0x4  }
0x3b9: {  	(v2sf) =	vpush v0, $0x0;
	_ =	sdelay $0xe  }
0x3ba: {  	s1 =	sadd.s32 $0xFFFFFFFF, s1;
	s0 =	spop (v2sf)  }
0x3bb: {  	p2 =	sne.s32 s1, $0x0;
	p1 =	sgt.u32 s0, $0x7FFF  }
.Ltmp41:
0x3bc: {  	s5 =	sand.u32 @!p1 $0x7FF8, s0;
	(pc) =	sbr.rel @!p2 .LBB2_51-.Ltmp41, $4  }
0x3bd: {  	s4 =	simm.s32 $0x3678;
	s0 =	sand.u32 @!p1 $0x7, s0;
	s5 =	sadd.s32 @!p1 s3, s5  }
0x3be: {  	[hbm4b:s5+s0] =	stream.linear.scatter @!p1 [tilespmem:s4], [sflag:$0x7], $0x4, $0x38;
	[tilespmem:$0x1F0F8] =	vst v63  }
0x3bf: {  	s0 =	simm.s32 $0x0  }
0x3c0: {  	s5 =	simm.s32 $0x3659;
	s0 =	simm.s32 @!p1 $0x10  }
.LBB2_50:
0x3c1: {  	v0 =	vld.msk [tilespmem:s5+$0x0], $0x1;
	s1 =	sadd.s32 $0xFFFFFFFF, s1;
	s2 =	sadd.s32 s2, s0  }
0x3c2: {  	p1 =	sne.s32 s1, $0x0;
	_ =	sdelay $0x3  }
0x3c3: {  	(v2sf) =	vpush v0, $0x0;
	_ =	sdelay $0xe  }
.Ltmp42:
0x3c4: {  	s6 =	spop (v2sf);
	(pc) =	sbr.rel @p1 .LBB2_50-.Ltmp42, $4  }
0x3c5: {  	s0 =	simm.s32 $0x0;
	p2 =	sgt.u32 s6, $0x7FFF  }
0x3c6: {  	s4 =	sadd.s32 $0x10, s4;
	s0 =	simm.s32 @!p2 $0x10;
	s7 =	sand.u32 @!p2 $0x7FF8, s6  }
0x3c7: {  	s5 =	sadd.s32 $0x1, s5;
	s6 =	sand.u32 @!p2 $0x7, s6;
	s7 =	sadd.s32 @!p2 s3, s7  }
0x3c8: {  	[hbm4b:s7+s6] =	stream.linear.scatter @!p2 [tilespmem:s4], [sflag:$0x7], $0x4, $0x38;
	[tilespmem:$0x1F0F8] =	vst v63  }
.LBB2_51:
0x3c9: {  	s0 =	sadd.s32 s2, s0  }
0x3ca: {  	s2 =	sshrl.u32 s0, $0x2  }
.LBB2_52:
0x3cb: {  	s0 =	simm.s32 $0x7  }
0x3cc: {  	_ =	swait.ge [sflag:s0], s2  }
0x3cd: {  	s1 =	ssub.s32 $0x0, s2;
	[sflag:s0] =	ssyncset.done $0x0  }
0x3ce: {  	[sflag:s0] =	ssyncadd.s32 s1  }
0x3cf: {  	[sflag:s0] =	ssyncpa.u1 $0x1  }
.LBB2_53:
0x3d0: {  	_ =	sfence;
	s0 =	simm.s32 $0x1  }
0x3d1: {  	[sflag:s0] =	ssyncpa.u1 $0x1  }
0x3d2: {  	_ =	strace $0x90000050  }
0x3d3: {  	[bflag:$0x2] =	sbarrier.arrive $0xFFFF  }
0x3d4: {  	s0 =	rddreg [dreg:$0x3]  }
0x3d5: {  	s0 =	sadd.s32 @!p0 $0x100000, s0  }
0x3d6: {  	[sflag:s0] =	ssyncadd.tile.s32 @!p0 $0x1;
	_ =	shalt  }
.Lfunc_end2:
_tile_overlayer_lowered:
.L_overlay_start_2:
0x3d7: {  	(tag) =	ssettag $0x2  }
0x3d8: {  	s0 =	rddreg [dreg:$0x0];
	s2 =	stileid.u32  }
0x3d9: {  	s1 =	rddreg [dreg:$0x1];
	p0 =	sne.s32 s2, $0x0  }
0x3da: {  	s3 =	rddreg [dreg:$0x2];
	[bflag:$0x3] =	sbarrier.arrive $0xFFFF;
	s2 =	simm.s32 @!p0 $0x1C01  }
0x3db: {  	[timem:s3], [sflag:s2] =	dma.local @!p0 [hbm:s0], s1  }
0x3dc: {  	s0 =	simm.s32 @!p0 $0x1  }
0x3dd: {  	_ =	swait.ge @!p0 [sflag:s0], s1  }
0x3de: {  	s1 =	ssub.s32 @!p0 $0x0, s1;
	[sflag:s0] =	ssyncset.done @!p0 $0x0  }
0x3df: {  	[sflag:s0] =	ssyncadd.s32 @!p0 s1  }
0x3e0: {  	[bflag:$0x3] =	sbarrier.arrive $0xFFFF  }
0x3e1: {  	_ =	shalt  }

// kernel: scatter_offload_async_start
scs
__scs_entry_jumppad:
0x0: {  	(pc) =	sbr.rel $0x88, $3  }
0x1: {  	(tag) =	ssettag $0x0;
	lr =	simm.s32 $0x1  }
0x2: {  	[smem:$0x3F94] =	sst lr;
	_ =	strace $0xD0000000  }
0x3: {  	_ = 	snop  }
0x4: {  	_ = 	snop  }
0x5: {  	_ = 	snop  }
0x6: {  	_ = 	snop  }
0x7: {  	_ = 	snop  }
__scs_overlays_trampoline_lowered:
0x8: {  	[smem:$0x3FA3] =	sst s0  }
0x9: {  	[smem:$0x3FA4] =	sst s1  }
0xa: {  	[smem:$0x3FA5] =	sst s2  }
0xb: {  	[smem:$0x3FA6] =	sst s3  }
0xc: {  	[smem:$0x3FA7] =	sst s4  }
0xd: {  	[smem:$0x3FA8] =	sst s5  }
0xe: {  	[smem:$0x3FA9] =	sst s6  }
0xf: {  	[smem:$0x3FAA] =	sst s7  }
0x10: {  	[smem:$0x3FAB] =	sst s8  }
0x11: {  	[smem:$0x3FAC] =	sst s9;
	s0 =	simm.s32 @!p0 $0x0  }
0x12: {  	s1 =	sld [smem:$0x3F92];
	s0 =	simm.s32 @p0 $0x1  }
0x13: {  	[smem:$0x3FAD] =	sst s0;
	s0 =	simm.s32 @!p1 $0x0  }
0x14: {  	s2 =	sld [smem:$0x3F91];
	s0 =	simm.s32 @p1 $0x1  }
0x15: {  	[smem:$0x3FAE] =	sst s0;
	s0 =	simm.s32 @!p2 $0x0  }
0x16: {  	s3 =	sld [smem:$0x3FDB];
	s0 =	simm.s32 @p2 $0x1  }
0x17: {  	s4 =	simm.s32 $0x1BF5;
	[smem:$0x3FB0] =	sst s0  }
0x18: {  	s0 =	sld [smem:$0x3F93];
	_ =	swait.ge [sflag:s4], $0x0  }
0x19: {  	s7 =	sld [smem:$0x3F94]  }
0x1a: {  	s8 =	sadd.s32 $0xFFFFE003, lr  }
0x1b: {  	s9 =	sadd.s32 $0xFFFFFEF7, lr;
	s5 =	simm.s32 $0xFFFFFFFF;
	p2 =	slt.u32 s8, $0xFFFFF086  }
0x1c: {  	p1 =	slt.u32 s9, $0xF7A;
	s5 =	simm.s32 @!p2 $0x0  }
0x1d: {  	s5 =	simm.s32 @p1 $0x1;
	p0 =	seq.s32 s7, s2  }
0x1e: {  	s7 =	smul.u32 @!p0 $0xF7A, s2;
	p2 =	seq.s32 @!p0 s5, $0x0  }
0x1f: {  	s9 =	smul.u32 $0xF7A, s1;
	s8 =	simm.s32 @!p0 $0x1BF5;
	p2 =	por !p2, p0  }
0x20: {  	[sflag:s8] =	ssyncset.s32 @!p0 $0xFFFFF086;
	s6 =	sadd.s32 @!p0 s3, s7;
	s7 =	simm.s32 @!p0 $0x108  }
0x21: {  	s3 =	sadd.s32 s3, s9;
	s6 =	sadd.s32 @!p0 $0x88, s6;
	s7 =	simm.s32 @p2 $0x1082  }
0x22: {  	[simem:s7], [sflag:s8] =	dma.local @!p0 [hbm:s6], $0xF7A  }
0x23: {  	s9 =	sor.u32 $0xD0000000, s2;
	s6 =	simm.s32 $0x108;
	_ =	swait.ge @!p0 [sflag:s8], $0x0  }
0x24: {  	s3 =	sadd.s32 $0x88, s3;
	s6 =	simm.s32 @!p1 $0x1082;
	[sflag:s4] =	ssyncset.s32 $0xFFFFF086  }
0x25: {  	[simem:s6], [sflag:s4] =	dma.local [hbm:s3], $0xF7A  }
0x26: {  	[smem:$0x3F94] =	sst s1;
	(tag) =	ssettag s2;
	_ =	strace s9  }
0x27: {  	s1 =	sld [smem:$0x3FA4]  }
0x28: {  	s2 =	sld [smem:$0x3FA5]  }
0x29: {  	s4 =	sld [smem:$0x3FA7]  }
0x2a: {  	p0 =	seq.s32 s5, $0x0;
	s5 =	sld [smem:$0x3FA8]  }
0x2b: {  	s6 =	sld [smem:$0x3FA9]  }
0x2c: {  	s7 =	sld [smem:$0x3FAA]  }
0x2d: {  	s3 =	simm.s32 $0x108;
	s8 =	sld [smem:$0x3FAB]  }
0x2e: {  	s3 =	simm.s32 @!p0 $0x1082;
	s9 =	sld [smem:$0x3FAC]  }
0x2f: {  	lr =	sadd.s32 s0, s3;
	s0 =	sld [smem:$0x3FA3]  }
0x30: {  	s3 =	sld [smem:$0x3FA6]  }
0x31: {  	[smem:$0x3FAF] =	sst s10  }
0x32: {  	s10 =	sld [smem:$0x3FAD];
	_ =	sdelay $0x3  }
0x33: {  	p0 =	seq.s32 s10, $0x1;
	s10 =	sld [smem:$0x3FAF];
	_ =	sdelay $0x3  }
0x34: {  	[smem:$0x3FAF] =	sst s10  }
0x35: {  	s10 =	sld [smem:$0x3FAE];
	_ =	sdelay $0x3  }
0x36: {  	p1 =	seq.s32 s10, $0x1;
	s10 =	sld [smem:$0x3FAF];
	_ =	sdelay $0x3  }
0x37: {  	[smem:$0x3FAF] =	sst s10  }
0x38: {  	s10 =	sld [smem:$0x3FB0]  }
0x39: {  	_ = 	snop;
	(pc) =	sbr.ind lr, $3  }
0x3a: {  	_ = 	snop  }
0x3b: {  	_ = 	snop  }
0x3c: {  	p2 =	seq.s32 s10, $0x1;
	s10 =	sld [smem:$0x3FAF]  }
0x3d: {  	_ =	shalt  }
0x3e: {  	_ =	shalt  }
0x3f: {  	_ =	shalt  }
0x40: {  	_ =	shalt  }
0x41: {  	_ =	shalt  }
0x42: {  	_ =	shalt  }
0x43: {  	_ =	shalt  }
0x44: {  	_ =	shalt  }
0x45: {  	_ =	shalt  }
0x46: {  	_ =	shalt  }
0x47: {  	_ =	shalt  }
0x48: {  	_ =	shalt  }
0x49: {  	_ =	shalt  }
0x4a: {  	_ =	shalt  }
0x4b: {  	_ =	shalt  }
0x4c: {  	_ =	shalt  }
0x4d: {  	_ =	shalt  }
0x4e: {  	_ =	shalt  }
0x4f: {  	_ =	shalt  }
0x50: {  	_ =	shalt  }
0x51: {  	_ =	shalt  }
0x52: {  	_ =	shalt  }
0x53: {  	_ =	shalt  }
0x54: {  	_ =	shalt  }
0x55: {  	_ =	shalt  }
0x56: {  	_ =	shalt  }
0x57: {  	_ =	shalt  }
0x58: {  	_ =	shalt  }
0x59: {  	_ =	shalt  }
0x5a: {  	_ =	shalt  }
0x5b: {  	_ =	shalt  }
0x5c: {  	_ =	shalt  }
0x5d: {  	_ =	shalt  }
0x5e: {  	_ =	shalt  }
0x5f: {  	_ =	shalt  }
0x60: {  	_ =	shalt  }
0x61: {  	_ =	shalt  }
0x62: {  	_ =	shalt  }
0x63: {  	_ =	shalt  }
0x64: {  	_ =	shalt  }
0x65: {  	_ =	shalt  }
0x66: {  	_ =	shalt  }
0x67: {  	_ =	shalt  }
0x68: {  	_ =	shalt  }
0x69: {  	_ =	shalt  }
0x6a: {  	_ =	shalt  }
0x6b: {  	_ =	shalt  }
0x6c: {  	_ =	shalt  }
0x6d: {  	_ =	shalt  }
0x6e: {  	_ =	shalt  }
0x6f: {  	_ =	shalt  }
0x70: {  	_ =	shalt  }
0x71: {  	_ =	shalt  }
0x72: {  	_ =	shalt  }
0x73: {  	_ =	shalt  }
0x74: {  	_ =	shalt  }
0x75: {  	_ =	shalt  }
0x76: {  	_ =	shalt  }
0x77: {  	_ =	shalt  }
0x78: {  	_ =	shalt  }
0x79: {  	_ =	shalt  }
0x7a: {  	_ =	shalt  }
0x7b: {  	_ =	shalt  }
0x7c: {  	_ =	shalt  }
0x7d: {  	_ =	shalt  }
0x7e: {  	_ =	shalt  }
0x7f: {  	_ =	shalt  }
0x80: {  	_ =	shalt  }
0x81: {  	_ =	shalt  }
0x82: {  	_ =	shalt  }
0x83: {  	_ =	shalt  }
0x84: {  	_ =	shalt  }
0x85: {  	_ =	shalt  }
0x86: {  	_ =	shalt  }
0x87: {  	_ =	shalt  }
.Lfunc_end0:
.L_simem_size_0:
called_computation_lowered:
.L_overlay_start_0:
0x88: {  	s0 =	sld [smem:$0x3FD9]  }
0x89: {  	s1 =	sld [smem:$0x3FFE];
	_ =	sdelay $0x3  }
0x8a: {  	s0 =	sadd.s32 s1, s0  }
0x8b: {  	[smem:$0x3FBB] =	sst s0  }
0x8c: {  	_ = 	snop  }
0x8d: {  	s0 =	sld [smem:$0x3FD0];
	_ =	sdelay $0x2  }
0x8e: {  	s13 =	simm.s32 $0xB;
	s2 =	simm.s32 $0x10  }
0x8f: {  	[smem:s2], [sflag:s13] =	dma.local [hbm:s0], $0x1  }
0x90: {  	_ =	swait.eq [sflag:s13], $0x1  }
0x91: {  	[sflag:s13] =	ssyncset.done $0x0  }
0x92: {  	[sflag:s13] =	ssyncadd.s32 $0xFFFFFFFF  }
0x93: {  	s14 =	sld [smem:$0x10];
	(tm) =	ssettm $0x1  }
0x94: {  	s15 =	sld [smem:$0x3FFB];
	_ =	sdelay $0x3  }
0x95: {  	_ =	strace s15  }
0x96: {  	s1 =	sld [smem:$0x3FFC];
	_ =	sdelay $0x3  }
0x97: {  	_ =	strace s1  }
0x98: {  	s1 =	sld [smem:$0x3FFD];
	_ =	sdelay $0x3  }
0x99: {  	_ =	strace s1  }
0x9a: {  	_ =	strace $0x8FFFFFFF  }
0x9b: {  	s16 =	sld [smem:$0x3FDB];
	_ =	sdelay $0x1  }
0x9c: {  	s17 =	simm.s32 $_scs_section_size  }
0x9d: {  	s3 =	simm.s32 $_size__tile_overlayer_lowered;
	s4 =	simm.s32 $_tile_overlayer_lowered  }
0x9e: {  	s20 =	simm.s32 $0x1BFF;
	s19 =	sshll.u32 s4, $0x1;
	s1 =	sadd.s32 s17, s16  }
0x9f: {  	s5 =	simm.s32 $0x0;
	s18 =	sshll.u32 s3, $0x1;
	s3 =	sadd.s32 s19, s1  }
0xa0: {  	[timem:s5], [sflag:s20] =	dma.local [hbm:s3], s18  }
0xa1: {  	_ =	swait.ge [sflag:s20], s18  }
0xa2: {  	s2 =	ssub.s32 $0x0, s18;
	[sflag:s20] =	ssyncset.done $0x0  }
0xa3: {  	[sflag:s20] =	ssyncadd.s32 s2;
	_ =	sdelay $0x1  }
0xa4: {  	s21 =	simm.s32 $0x1B8B  }
0xa5: {  	_ =	swait.ge [sflag:s21], $0x1  }
0xa6: {  	[sflag:s21] =	ssyncset.done $0x0  }
0xa7: {  	s23 =	simm.s32 $0x1B8E;
	s22 =	sld [smem:$0x3FFE];
	[sflag:s21] =	ssyncadd.s32 $0xFFFFFFFF  }
0xa8: {  	s24 =	simm.s32 $execute0_lowered;
	[smem:$0x3FD2] =	sst s23  }
0xa9: {  	s3 =	sshll.u32 s24, $0x1;
	_ =	strace $0x80000046;
	[dreg:$0x1] =	wrdreg $0xFFFFFFFF  }
0xaa: {  	s25 =	simm.s32 $_size_execute0_lowered;
	s1 =	sadd.s32 s1, s3;
	[dreg:$0x0] =	wrdreg $0x0  }
0xab: {  	s3 =	sshll.u32 s25, $0x1;
	[dreg:$0x2] =	wrdreg s1  }
0xac: {  	[dreg:$0x3] =	wrdreg s3  }
0xad: {  	[dreg:$0x4] =	wrdreg $0xC0  }
0xae: {  	_ =	task [dreg:s5], $0x5FFFF  }
0xaf: {  	[dreg:$0x1] =	wrdreg $0xFFFFFFFF  }
0xb0: {  	[dreg:$0x0] =	wrdreg $0x60  }
0xb1: {  	[dreg:$0x2] =	wrdreg s14  }
0xb2: {  	[dreg:$0x3] =	wrdreg s22  }
0xb3: {  	[dreg:$0x4] =	wrdreg $0x9  }
0xb4: {  	_ =	task.clear_ibuf [dreg:s5], $0x5FFFF;
	_ =	strace $0x90000046  }
0xb5: {  	s26 =	simm.s32 $0x9;
	_ =	strace $0x80000048  }
0xb6: {  	_ =	swait.ge [sflag:s26], $0x1  }
0xb7: {  	[sflag:s26] =	ssyncadd.s32 $0xFFFFFFFF  }
0xb8: {  	_ =	strace $0x90000048  }
0xb9: {  	_ =	sfence  }
0xba: {  	s28 =	sld [smem:$0x0];
	_ =	sdelay $0x1  }
0xbb: {  	s29 =	srdreg.scid  }
0xbc: {  	s30 =	sshll.u32 s29, $0xD;
	s31 =	sshrl.u32 s29, $0x2  }
0xbd: {  	s2 =	sand.u32 $0x4000, s30;
	s1 =	sand.u32 $0x1, s29;
	s0 =	sadd.s32 s31, s28  }
0xbe: {  	s1 =	sor.u32 s2, s1;
	s0 =	sshll.u32 s0, $0x11  }
0xbf: {  	s0 =	sor.u32 s0, s1  }
0xc0: {  	s0 =	sadd.s32 $0x8F2B, s0  }
0xc1: {  	[sflag:s0] =	ssyncadd.remote.s32 $0x1  }
0xc2: {  	_ =	sfence.sel $0xFFFF  }
0xc3: {  	[dreg:$0x0] =	wrdreg $0xFFFFFFFF;
	(pc) =	sbr.abs _section_cstart, $3  }
0xc4: {  	[dreg:$0x1] =	wrdreg $0xFFFFFFFF  }
0xc5: {  	_ =	task.clear_ibuf [dreg:s5], $0x2FFFF;
	_ =	strace $0x9FFFFFFF  }
0xc6: {  	(tm) =	ssettm $0x7FFFFFFF  }
0xc7: {  	_ =	shalt  }
tec
execute0_lowered:
.L_overlay_start_1:
0x0: {  	(tag) =	ssettag $0x1  }
0x1: {  	s1 =	rddreg [dreg:$0x0]  }
0x2: {  	s0 =	rddreg [dreg:$0x1];
	_ =	strace $0x80000047;
	s3 =	simm.s32 $0x1  }
0x3: {  	v1 =	vimm.s32 $0xFFFFFFFF;
	[sflag:s3] =	ssyncpa.u1 $0x0  }
0x4: {  	[tilespmem:$0x10] =	vst v1  }
0x5: {  	v0 =	vimm.f32 $0.0e+00;
	[tilespmem:$0x20] =	vst v1  }
0x6: {  	[tilespmem:$0x30] =	vst v0  }
0x7: {  	s2 =	simm.s32 $0x2;
	s6 =	simm.s32 $0x7;
	[tilespmem:$0x40] =	vst v0  }
0x8: {  	s26 =	stileid.u32;
	s7 =	simm.s32 $0x8;
	s31 =	simm.s32 $0x9;
	[tilespmem:$0x50] =	vst v0  }
0x9: {  	s14 =	simm.s32 $0x0;
	s15 =	simm.s32 $0x100;
	s18 =	simm.s32 $0x10;
	[tilespmem:$0x60] =	vst v1  }
0xa: {  	s19 =	simm.s32 $0x9100;
	s20 =	simm.s32 $0xF;
	s21 =	simm.s32 $0x50;
	[tilespmem:$0x70] =	vst v1  }
0xb: {  	s22 =	simm.s32 $0x40FF;
	s23 =	simm.s32 $0x20;
	s24 =	simm.s32 $0x30;
	[tilespmem:$0x80] =	vst v1  }
0xc: {  	s25 =	simm.s32 $0x80FF;
	s30 =	simm.s32 $0x0;
	s29 =	simm.s32 $0x0;
	v1 =	vimm.s32 $0x0;
	[tilespmem:$0xB0] =	vst v0  }
.Ltmp0:
0xd: {  	s4 =	sadd.s32 $0x5400, s0;
	s5 =	sadd.s32 $0x7400, s0;
	[tilespmem:$0x90] =	vst v1;
	(pc) =	sbr.rel .LBB2_1-.Ltmp0, $4  }
0xe: {  	s8 =	sshll.u32 s26, $0xC;
	s10 =	sshll.u32 s26, $0x1;
	[tilespmem:$0xA0] =	vst v1;
	[sflag:s2] =	ssyncpa.u1 $0x0  }
0xf: {  	s12 =	sshllo.u32 s26, $0x1;
	s26 =	simm.s32 $0x80;
	[sflag:s6] =	ssyncpa.u1 $0x0  }
0x10: {  	vm0 =	vmmov $0xffff;
	v2 =	vlaneseq.u32;
	s9 =	sadd.s32 $0x1000, s8;
	s11 =	sor.u32 $0x81, s10;
	[sflag:s7] =	ssyncpa.u1 $0x0  }
0x11: {  	vm1 =	vmxor vm1, vm1;
	vm2 =	vmmov $0x1;
	vm3 =	vcmask $0x3F3C;
	s13 =	sor.u32 $0x80, s10;
	s28 =	smov.u32 s8;
	[sflag:s31] =	ssyncpa.u1 $0x0  }
.LBB2_3:
0x12: {  	s0 =	sshrl.u32 s28, $0x3  }
0x13: {  	s2 =	sand.u32 $0x7, s28;
	s0 =	sadd.s32 s4, s0  }
0x14: {  	[tilespmem:s15], [sflag:$0x7] =	stream.linear.gather [hbm4b:s0+s2], $0x1000, $0x38;
	[tilespmem:$0x9120] =	vst v63  }
.LBB2_4:
0x15: {  	s0 =	sadd.s32 $0x1000, s28  }
0x16: {  	s2 =	smov.u32 s8;
	s29 =	sadd.s32 $0x1, s29;
	p0 =	slt.s32 s0, s9  }
0x17: {  	s2 =	smov.u32 @p0 s0;
	p0 =	sne.s32 s29, $0x4  }
.Ltmp1:
0x18: {  	_ = 	snop;
	(pc) =	sbr.rel @!p0 .LBB2_13-.Ltmp1, $2  }
0x19: {  	_ =	sdelay $0x2  }
0x1a: {  	s30 =	smov.u32 s28;
	s28 =	smov.u32 s2  }
.LBB2_1:
0x1b: {  	p0 =	sgt.s32 s29, $0x1  }
.Ltmp2:
0x1c: {  	_ = 	snop;
	(pc) =	sbr.rel @p0 .LBB2_11-.Ltmp2, $1  }
0x1d: {  	_ =	sdelay $0x3  }
0x1e: {  	p0 =	seq.s32 s29, $0x0  }
.Ltmp3:
0x1f: {  	_ = 	snop;
	(pc) =	sbr.rel @p0 .LBB2_3-.Ltmp3, $1  }
0x20: {  	_ =	sdelay $0x3  }
0x21: {  	_ =	swait.ge [sflag:s6], $0x1000  }
0x22: {  	[sflag:s6] =	ssyncset.done $0x0  }
0x23: {  	[sflag:s6] =	ssyncadd.s32 $0xFFFFF000;
	(ifvalue) =	ssetifvalue $0xFFFFFFFF;
	v3 =	vld.msk [tilespmem:s15+$0x0 ss:$0x1], $0xffff;
	_ =	sdelay $0x4  }
0x24: {  	v4 =	vperm.xlane v3, v1  }
0x25: {  	vm4 =	vlt.u32 v3, $0x800  }
0x26: {  	v3 =	vnsel vm4, $0xFFFFFFFE, v3;
	vm4 =	vlt.u32 v4, $0x800  }
0x27: {  	[tilespmem:$0x70] =	vst v3;
	v3 =	vnsel vm4, $0xFFFFFFFE, v4  }
0x28: {  	s17 =	simm.s32 $0x10F0;
	[tilespmem:$0x80] =	vst v3  }
0x29: {  	v3 =	vld.msk [tilespmem:s17+$0x0 ss:$0x1], $0xffff;
	_ =	sdelay $0x4  }
0x2a: {  	(xrf1) =	vunique.msk.u32 $0xffff, v3;
	_ =	sdelay $0xd  }
0x2b: {  	v4 =	vimm.s32 $0xFFFFFFFF;
	v5, _, _ =	vpop (xrf1)  }
0x2c: {  	vm5 =	vne.s32 v3, v4;
	vm4 =	veq.s32 v5, v2  }
0x2d: {  	vm6 =	vlt.u32 v3, $0x800;
	vm4 =	vmand vm5, vm4  }
0x2e: {  	vm4 =	vmand vm6, vm4  }
0x2f: {  	v4 =	vnsel vm4, $0xFFFFFFFF, v3;
	_ =	sdelay $0x3  }
0x30: {  	s0 =	simm.s32 $0x40F0;
	(ifvalue) =	ssetifvalue $0xFFFFFFFF  }
0x31: {  	v3 =	vperm.xlane v3, v1;
	[tilespmem:s0], [sflag:$0x8] =	stream.indirect_vreg.gather [hbm4b:s1+s14], $0x1, v4, vm0, $0x4038;
	v4 =	vnsel vm6, $0xFFFFFFFE, v4;
	[tilespmem:$0x9120] =	vst v63  }
0x32: {  	s2 =	simm.s32 $0x0;
	s16 =	simm.s32 $0x10E0;
	[tilespmem:s17+$0x0] =	vst v4  }
.LBB2_6:
0x33: {  	v4 =	vld.msk [tilespmem:s16+$0x0 ss:$0x1], $0xffff;
	s2 =	sadd.s32 $0x10, s2;
	v5 =	vmov v3;
	s17 =	smov.u32 s16  }
0x34: {  	p0 =	slt.u32 s2, $0xFF0;
	_ =	sdelay $0x4  }
0x35: {  	v3 =	vperm.xlane v4, v1;
	(xrf1) =	vunique.msk.u32 $0xffff, v4;
	_ =	sdelay $0xd  }
0x36: {  	v6, _, _ =	vpop (xrf1)  }
0x37: {  	vm5 =	vne.s32 v4, v5;
	vm4 =	veq.s32 v6, v2  }
0x38: {  	vm6 =	vlt.u32 v4, $0x800;
	vm4 =	vmand vm5, vm4  }
0x39: {  	vm4 =	vmand vm6, vm4  }
0x3a: {  	v4 =	vnsel vm4, $0xFFFFFFFF, v4  }
.Ltmp4:
0x3b: {  	v5 =	vnsel vm6, $0xFFFFFFFE, v4;
	(pc) =	sbr.rel @p0 .LBB2_6-.Ltmp4, $3  }
0x3c: {  	_ =	sdelay $0x1  }
0x3d: {  	s16 =	sadd.s32 $0xFFFFFFF0, s16;
	s0 =	sadd.s32 $0xFFFFFFF0, s0;
	(ifvalue) =	ssetifvalue $0xFFFFFFFF  }
0x3e: {  	[tilespmem:s0], [sflag:$0x8] =	stream.indirect_vreg.gather [hbm4b:s1+s14], $0x1, v4, vm0, $0x4038;
	[tilespmem:s17+$0x0] =	vst v5  }
.Ltmp5:
0x3f: {  	(pc) =	sbr.rel .LBB2_4-.Ltmp5, $4  }
0x40: {  	_ = 	snop  }
0x41: {  	s0 =	sshrl.u32 s30, $0x3  }
0x42: {  	s2 =	simm.s32 $0x5100;
	s0 =	sadd.s32 s5, s0  }
0x43: {  	[tilespmem:s2], [sflag:$0x8] =	stream.linear.gather [hbm:s0], $0x1000, $0x38;
	[tilespmem:$0x9120] =	vst v63  }
.LBB2_11:
0x44: {  	p0 =	seq.s32 s29, $0x2  }
.Ltmp6:
0x45: {  	_ = 	snop;
	(pc) =	sbr.rel @!p0 .LBB2_12-.Ltmp6, $1  }
0x46: {  	_ =	sdelay $0x3  }
0x47: {  	_ =	swait.ge [sflag:s7], $0x2000  }
0x48: {  	[sflag:s7] =	ssyncset.done $0x0  }
0x49: {  	s0 =	simm.s32 $0x10FF;
	[sflag:s7] =	ssyncadd.s32 $0xFFFFE000  }
0x4a: {  	[spmem:s11] =	stream.linear.scatter [tilespmem:s0], [sflag:$0x1], $0x1, $0x38;
	[tilespmem:$0x9120] =	vst v63  }
0x4b: {  	_ =	swait.ge [sflag:s3], $0x1  }
0x4c: {  	[sflag:s3] =	ssyncset.done $0x0  }
0x4d: {  	[sflag:s3] =	ssyncadd.s32 $0xFFFFFFFF  }
0x4e: {  	v4 =	vld [tilespmem:$0x10]  }
0x4f: {  	v5 =	vld [tilespmem:$0x70]  }
0x50: {  	v3 =	vld [tilespmem:$0x80];
	_ =	sdelay $0x2  }
0x51: {  	(v2sf) =	vpush v4, $0x0  }
0x52: {  	(v2sf) =	vpush v5, $0x0  }
0x53: {  	(v2sf) =	vpush v3, $0x0;
	_ =	sdelay $0xc  }
0x54: {  	s16 =	spop (v2sf)  }
0x55: {  	s2 =	spop (v2sf)  }
0x56: {  	s30 =	spop (v2sf)  }
0x57: {  	p0 =	seq.s32 s16, s2;
	p1 =	seq.s32 s30, s16  }
0x58: {  	p1 =	por p0, p1  }
0x59: {  	v4 =	vpsel p1, $0xFFFFFFFF, v4  }
0x5a: {  	[tilespmem:s18+$0x0] =	vst.msk $0x1, v4  }
0x5b: {  	v4 =	vld [tilespmem:$0x30]  }
0x5c: {  	v5 =	vld [tilespmem:$0x5100]  }
0x5d: {  	v6 =	vld [tilespmem:$0x40];
	_ =	sdelay $0x3  }
0x5e: {  	vm4 =	vmmov vm1;
	v5 =	vadd.f32 v5, v4  }
0x5f: {  	vm5 =	vmmov vm2;
	s31 =	simm.s32 $0x5100;
	vm4 =	vmmov @p0 vm2;
	v4 =	vadd.f32 v6, v4  }
0x60: {  	vm5 =	vmmov @p1 vm1;
	[tilespmem:s31+$0x0] =	vst.msk vm4, v5  }
0x61: {  	[tilespmem:s19+$0x0] =	vst.msk vm5, v4  }
0x62: {  	v4 =	vld [tilespmem:$0x40F0];
	_ =	sdelay $0x3  }
0x63: {  	v5 =	vimm.f32 $0.0e+00  }
0x64: {  	v4 =	vshift.insert v4, v5, s20;
	_ =	sdelay $0x1  }
0x65: {  	[tilespmem:s21+$0x0] =	vst.msk $0x1, v4  }
0x66: {  	[tilespmem:s22+$0x0] =	vst.msk $0x1, v5  }
0x67: {  	v4 =	vld [tilespmem:$0x10F0];
	_ =	sdelay $0x4  }
0x68: {  	v4 =	vshift.insert v4, v1, s20;
	_ =	sdelay $0x1  }
0x69: {  	[tilespmem:s23+$0x0] =	vst.msk $0x1, v4  }
0x6a: {  	s17 =	simm.s32 $0x100;
	v6 =	vld [tilespmem:s31+$0x0]  }
0x6b: {  	v7 =	vld [tilespmem:s17+$0x0];
	_ =	sdelay $0x3  }
0x6c: {  	v5 =	vadd.f32 v6, v5  }
0x6d: {  	vm4 =	vne.s32 v7, $0xFFFFFFFF  }
0x6e: {  	(xrf2) =	vadd.seg.scan.f32 vm4, v5;
	_ =	sdelay $0x3  }
0x6f: {  	s0 =	simm.s32 $0x3100;
	v5 =	vperm.xlane v4, v1  }
0x70: {  	v6 =	vld [tilespmem:s0+$0x0]  }
0x71: {  	vm5 =	veq.s32 v7, v3;
	vm6 =	veq.s32 v7, v5  }
0x72: {  	vm7 =	vgt.u32 v7, $0xFFFFFFFD;
	vm6 =	vmor vm6, vm5  }
0x73: {  	vm6 =	vmor vm6, vm7  }
0x74: {  	v9 =	vld [tilespmem:$0xA0];
	v7 =	vsel vm6, $0xFFFFFFFF, v7  }
0x75: {  	v10 =	vld [tilespmem:$0x90];
	v6 =	vsel vm5, $0x0, v6;
	v8, _, _ =	vpop (xrf2)  }
0x76: {  	v6 =	vadd.f32 v8, v6  }
0x77: {  	s2 =	simm.s32 $0x7100  }
0x78: {  	vm4 =	vmand vm4, vm3;
	[tilespmem:s2+$0x0] =	vst v6;
	(ifvalue) =	ssetifvalue $0xFFFFFFFF  }
0x79: {  	vm6 =	veq.s32 v9, $0x1;
	[hbm4b:s1+s14] =	stream.indirect_vreg.scatter [tilespmem:s2], [sflag:$0x2], $0x1, v7, vm0, $0x4038;
	v7 =	vsel vm4, $0x0, v8;
	[tilespmem:$0x9120] =	vst v63  }
0x7a: {  	s16 =	simm.s32 $0x0;
	s17 =	simm.s32 $0x110;
	vm4 =	vmor vm6, vm5;
	v6 =	vsel vm5, v8, v10;
	v7 =	vshift.insert v7, v0, s20  }
.LBB2_9:
0x7b: {  	v8 =	vld [tilespmem:s17+$0x0];
	s31 =	sadd.s32 $0x10, s31  }
0x7c: {  	s0 =	sadd.s32 $0x10, s0;
	v9 =	vld [tilespmem:s31+$0x0]  }
0x7d: {  	s16 =	sadd.s32 $0x10, s16;
	v10 =	vld [tilespmem:s0+$0x0]  }
0x7e: {  	p0 =	slt.u32 s16, $0xFF0;
	_ =	sdelay $0x2  }
0x7f: {  	v7 =	vadd.f32 v9, v7  }
0x80: {  	vm5 =	vne.s32 v8, $0xFFFFFFFF  }
0x81: {  	vm6 =	vmand vm5, vm3;
	(xrf2) =	vadd.seg.scan.f32 vm5, v7;
	_ =	sdelay $0x5  }
0x82: {  	vm7 =	veq.s32 v8, v5;
	vm5 =	veq.s32 v8, v3  }
0x83: {  	vm8 =	vgt.u32 v8, $0xFFFFFFFD;
	vm4 =	vmor vm4, vm5;
	vm7 =	vmor vm7, vm5  }
0x84: {  	vm7 =	vmor vm7, vm8  }
0x85: {  	v8 =	vsel vm7, $0xFFFFFFFF, v8  }
.Ltmp7:
0x86: {  	v7 =	vsel vm5, $0x0, v10;
	v9, _, _ =	vpop (xrf2);
	(pc) =	sbr.rel @p0 .LBB2_9-.Ltmp7, $4  }
0x87: {  	v6 =	vsel vm5, v9, v6;
	v10 =	vadd.f32 v9, v7;
	v7 =	vsel vm6, $0x0, v9  }
0x88: {  	s2 =	sadd.s32 $0x10, s2;
	v7 =	vshift.insert v7, v0, s20  }
0x89: {  	s17 =	sadd.s32 $0x10, s17;
	[tilespmem:s2+$0x0] =	vst v10;
	(ifvalue) =	ssetifvalue $0xFFFFFFFF  }
0x8a: {  	[hbm4b:s1+s14] =	stream.indirect_vreg.scatter [tilespmem:s2], [sflag:$0x2], $0x1, v8, vm0, $0x4038;
	[tilespmem:$0x9120] =	vst v63  }
0x8b: {  	v3 =	vld [tilespmem:$0x80F0];
	_ =	sdelay $0x4  }
0x8c: {  	v3 =	vshift.insert v3, v0, s20;
	_ =	sdelay $0x1  }
0x8d: {  	[tilespmem:s24+$0x0] =	vst.msk $0x1, v3  }
0x8e: {  	v3 =	vsel vm4, $0x1, v1;
	[tilespmem:$0x90] =	vst v6  }
0x8f: {  	[tilespmem:$0xA0] =	vst v3  }
0x90: {  	[spmem:s12] =	stream.linear.scatter [tilespmem:s25], [sflag:$0x1], $0x1, $0x38;
	[tilespmem:$0x9120] =	vst v63  }
0x91: {  	v3 =	vmctz.xlane vm4;
	_ =	swait.ge [sflag:s3], $0x1  }
0x92: {  	(v2sf) =	vpush v4, $0x0  }
0x93: {  	(v2sf) =	vpush v3, $0x0;
	_ =	sdelay $0xd  }
0x94: {  	s0 =	spop (v2sf)  }
0x95: {  	s2 =	spop (v2sf)  }
0x96: {  	[sflag:s3] =	ssyncset.done $0x0;
	p0 =	sne.s32 s30, s0;
	p1 =	slt.s32 s2, $0xF  }
0x97: {  	[sflag:s3] =	ssyncadd.s32 $0xFFFFFFFF;
	v3 =	vimm.s32 @!p0 $0xFFFFFFFF;
	s2 =	simm.s32 @!p1 $0xF  }
0x98: {  	[tilespmem:$0x80] =	vst @!p0 v3;
	s31 =	sadd.s32 $0x90, s2  }
0x99: {  	[spmem:s10] =	stream.linear.scatter [tilespmem:s31], [sflag:$0x1], $0x1, $0x38;
	[tilespmem:$0x9120] =	vst v63  }
0x9a: {  	_ =	swait.ge [sflag:s3], $0x1  }
0x9b: {  	[sflag:s3] =	ssyncset.done $0x0  }
0x9c: {  	[sflag:s3] =	ssyncadd.s32 $0xFFFFFFFF  }
0x9d: {  	[spmem:s13] =	stream.linear.scatter [tilespmem:s26], [sflag:$0x1], $0x1, $0x38;
	[tilespmem:$0x9120] =	vst v63  }
0x9e: {  	_ =	swait.ge [sflag:s3], $0x1  }
0x9f: {  	[sflag:s3] =	ssyncset.done $0x0  }
0xa0: {  	[sflag:s3] =	ssyncadd.s32 $0xFFFFFFFF;
	(ifvalue) =	ssetifvalue $0xFFFFFFFF;
	v3 =	vld [tilespmem:$0x10];
	_ =	sdelay $0x3  }
.Ltmp8:
0xa1: {  	_ = 	snop;
	(pc) =	sbr.rel .LBB2_4-.Ltmp8, $3  }
0xa2: {  	_ =	sdelay $0x1  }
0xa3: {  	(ifvalue) =	ssetifvalue $0xFFFFFFFF  }
0xa4: {  	[hbm4b:s1+s14] =	stream.indirect_vreg.scatter [tilespmem:s19], [sflag:$0x9], $0x1, v3, vm0, $0x4038;
	[tilespmem:$0x9120] =	vst v63  }
.LBB2_12:
0xa5: {  	s0 =	simm.s32 $0x2  }
0xa6: {  	_ =	swait.ge [sflag:s0], $0x1000  }
0xa7: {  	[sflag:s0] =	ssyncset.done $0x0  }
0xa8: {  	s31 =	simm.s32 $0x9;
	[sflag:s0] =	ssyncadd.s32 $0xFFFFF000  }
0xa9: {  	_ =	swait.ge [sflag:s31], $0x10  }
0xaa: {  	[sflag:s31] =	ssyncset.done $0x0  }
0xab: {  	[sflag:s31] =	ssyncadd.s32 $0xFFFFFFF0  }
.LBB2_13:
0xac: {  	_ =	sfence.sel $0x180000  }
0xad: {  	s0 =	simm.s32 $0x7;
	[bflag:$0x0] =	sbarrier.arrive $0xFFFF  }
0xae: {  	s26 =	simm.s32 $0x8;
	[sflag:s0] =	ssyncpa.u1 $0x1  }
0xaf: {  	s28 =	simm.s32 $0x9;
	[sflag:s26] =	ssyncpa.u1 $0x1  }
0xb0: {  	[sflag:s28] =	ssyncpa.u1 $0x1  }
0xb1: {  	_ =	sfence.stream.spmem  }
0xb2: {  	s29 =	simm.s32 $0x3;
	[bflag:$0x0] =	sbarrier.arrive $0xFFFF  }
0xb3: {  	s30 =	simm.s32 $0x4;
	[sflag:s29] =	ssyncpa.u1 $0x1  }
0xb4: {  	s31 =	simm.s32 $0x3C;
	s2 =	stileid.u32;
	[sflag:s30] =	ssyncpa.u1 $0x1  }
0xb5: {  	p0 =	sne.s32 s2, $0x0;
	[sflag:s31] =	ssyncpa.u1 $0x1  }
0xb6: {  	s0 =	simm.s32 @p0 $0x1;
	_ =	sfence @p0  }
0xb7: {  	[sflag:s0] =	ssyncpa.u1 @p0 $0x1;
	s0 =	simm.s32 @p0 $0x2  }
0xb8: {  	[sflag:s0] =	ssyncpa.u1 @p0 $0x1  }
0xb9: {  	_ =	strace @p0 $0x90000047  }
0xba: {  	[bflag:$0x2] =	sbarrier.arrive @p0 $0xFFFF  }
0xbb: {  	_ =	shalt @p0  }
.LBB2_14:
0xbc: {  	_ =	sfence.stream.spmem;
	s0 =	simm.s32 $0x5  }
0xbd: {  	s2 =	simm.s32 $0x80;
	s3 =	simm.s32 $0xC0;
	[sflag:s0] =	ssyncpa.u1 $0x0  }
0xbe: {  	[tilespmem:s3], [sflag:$0x5] =	stream.linear.gather [spmem:s2], $0x20, $0x38;
	[tilespmem:$0x9120] =	vst v63  }
0xbf: {  	s2 =	simm.s32 $0x0;
	s3 =	simm.s32 $0xE0  }
0xc0: {  	[tilespmem:s3], [sflag:$0x5] =	stream.linear.gather [spmem:s2], $0x20, $0x38;
	[tilespmem:$0x9120] =	vst v63  }
.Ltmp9:
0xc1: {  	_ = 	snop;
	(pc) =	sbr.rel .LBB2_15-.Ltmp9, $4  }
0xc2: {  	_ =	swait.ge [sflag:s0], $0x40  }
0xc3: {  	[sflag:s0] =	ssyncset.done $0x0  }
0xc4: {  	s31 =	simm.s32 $0x6;
	[sflag:s0] =	ssyncadd.s32 $0xFFFFFFC0  }
0xc5: {  	s4 =	simm.s32 $0x0;
	[sflag:s31] =	ssyncpa.u1 $0x0  }
.LBB2_20:
0xc6: {  	p0 =	sgt.u32 s0, $0x7FF  }
0xc7: {  	s5 =	sshrl.u32 @!p0 s0, $0x3  }
0xc8: {  	s0 =	sand.u32 @!p0 $0x7, s0;
	s6 =	simm.s32 @!p0 $0xB0;
	s5 =	sadd.s32 @!p0 s1, s5  }
0xc9: {  	[tilespmem:s6], [sflag:$0x6] =	stream.linear.gather @!p0 [hbm4b:s5+s0], $0x1, $0x38;
	[tilespmem:$0x9120] =	vst v63  }
0xca: {  	s0 =	simm.s32 @!p0 $0x6  }
0xcb: {  	_ =	swait.ge @!p0 [sflag:s0], $0x1  }
0xcc: {  	[sflag:s0] =	ssyncset.done @!p0 $0x0  }
0xcd: {  	[sflag:s0] =	ssyncadd.s32 @!p0 $0xFFFFFFFF  }
0xce: {  	v2 =	vmov @!p0 s4;
	v1 =	vld.msk @!p0 [tilespmem:$0xB0], $0x1;
	_ =	sdelay $0x3  }
0xcf: {  	s0 =	simm.s32 @!p0 $0xE0  }
0xd0: {  	[tilespmem:v2+s0+$0x0], v1 =	vst.idx.ret.add.f32.msk @!p0 $0x1, v1  }
0xd1: {  	[tilespmem:s2+$0xC0] =	vst.msk $0x1, v0  }
0xd2: {  	v0 =	vld.msk [tilespmem:s4+$0xE0], $0x1;
	_ =	sdelay $0x4  }
0xd3: {  	[tilespmem:s2+$0xE0] =	vst.msk $0x1, v0;
	s2 =	sadd.s32 $0x1, s2  }
.LBB2_22:
0xd4: {  	s4 =	sadd.s32 $0x1, s4  }
0xd5: {  	p0 =	sne.s32 s4, $0x20  }
.Ltmp10:
0xd6: {  	_ = 	snop;
	(pc) =	sbr.rel @!p0 .LBB2_23-.Ltmp10, $1  }
0xd7: {  	_ =	sdelay $0x3  }
.LBB2_15:
0xd8: {  	v0 =	vld.msk [tilespmem:s4+$0xC0], $0x1;
	_ =	sdelay $0x4  }
0xd9: {  	(v2sf) =	vpush v0, $0x0;
	_ =	sdelay $0xe  }
0xda: {  	s0 =	spop (v2sf)  }
0xdb: {  	p0 =	seq.s32 s0, $0xFFFFFFFF  }
.Ltmp11:
0xdc: {  	_ = 	snop;
	(pc) =	sbr.rel @p0 .LBB2_22-.Ltmp11, $1  }
0xdd: {  	_ =	sdelay $0x3  }
0xde: {  	p0 =	slt.s32 s2, $0x1  }
.Ltmp12:
0xdf: {  	_ = 	snop;
	(pc) =	sbr.rel @p0 .LBB2_20-.Ltmp12, $1  }
0xe0: {  	_ =	sdelay $0x3  }
0xe1: {  	s5 =	simm.s32 $0xC0;
	p0 =	por $0x0, $0x0  }
0xe2: {  	v1 =	vld.msk @!p0 [tilespmem:s5+$0x0], $0x1;
	_ =	sdelay $0x4  }
0xe3: {  	(v2sf) =	vpush @!p0 v1, $0x0;
	_ =	sdelay $0xd  }
0xe4: {  	p2 =	sne.s32 s2, $0x1  }
.Ltmp13:
0xe5: {  	s6 =	spop @!p0 (v2sf);
	(pc) =	sbr.rel @!p2 .LBB2_19-.Ltmp13, $4  }
0xe6: {  	p1 =	seq.s32 @!p0 s0, s6  }
0xe7: {  	s6 =	simm.s32 $0x0;
	p1 =	por !p1, p0  }
0xe8: {  	s8 =	simm.s32 $0xFFFFFFFF;
	s6 =	simm.s32 @p1 $0xFFFFFFFF  }
0xe9: {  	s7 =	simm.s32 $0x1;
	s6 =	smov.u32 @p0 s8  }
.LBB2_18:
0xea: {  	s8 =	smov.u32 s6;
	p0 =	sne.s32 s6, $0xFFFFFFFF  }
0xeb: {  	s5 =	sadd.s32 $0x1, s5;
	s6 =	smov.u32 s7;
	s7 =	sadd.s32 $0x1, s7  }
0xec: {  	p1 =	sne.s32 s2, s7;
	v1 =	vld.msk @!p0 [tilespmem:s5+$0x0], $0x1;
	_ =	sdelay $0x4  }
0xed: {  	(v2sf) =	vpush @!p0 v1, $0x0;
	_ =	sdelay $0xe  }
.Ltmp14:
0xee: {  	s9 =	spop @!p0 (v2sf);
	(pc) =	sbr.rel @p1 .LBB2_18-.Ltmp14, $4  }
0xef: {  	p2 =	seq.s32 @!p0 s0, s9  }
0xf0: {  	p2 =	por !p2, p0  }
0xf1: {  	s6 =	simm.s32 @p2 $0xFFFFFFFF  }
0xf2: {  	s6 =	smov.u32 @p0 s8  }
.LBB2_19:
0xf3: {  	p0 =	sne.s32 s6, $0xFFFFFFFF  }
.Ltmp15:
0xf4: {  	_ = 	snop;
	(pc) =	sbr.rel @!p0 .LBB2_20-.Ltmp15, $1  }
0xf5: {  	_ =	sdelay $0x3  }
0xf6: {  	v0 =	vld.msk [tilespmem:s4+$0xE0], $0x1;
	v1 =	vmov s6  }
.Ltmp16:
0xf7: {  	_ = 	snop;
	(pc) =	sbr.rel .LBB2_22-.Ltmp16, $2  }
0xf8: {  	_ =	sdelay $0x2  }
0xf9: {  	[tilespmem:v1+s3+$0x0], v0 =	vst.idx.ret.add.f32.msk $0x1, v0  }
.LBB2_23:
0xfa: {  	p0 =	slt.s32 s2, $0x1  }
.Ltmp17:
0xfb: {  	_ = 	snop;
	(pc) =	sbr.rel @p0 .LBB2_27-.Ltmp17, $3  }
0xfc: {  	_ =	sdelay $0x1  }
0xfd: {  	s0 =	simm.s32 $0x6  }
0xfe: {  	[sflag:s0] =	ssyncpa.u1 $0x1;
	s0 =	simm.s32 $0x0  }
0xff: {  	s3 =	simm.s32 $0xC0  }
0x100: {  	v0 =	vld.msk [tilespmem:s3+$0x0], $0x1;
	_ =	sdelay $0x4  }
0x101: {  	(v2sf) =	vpush v0, $0x0;
	_ =	sdelay $0xe  }
0x102: {  	s2 =	sadd.s32 $0xFFFFFFFF, s2;
	s4 =	spop (v2sf)  }
0x103: {  	p1 =	sne.s32 s2, $0x0;
	p0 =	sgt.u32 s4, $0x7FF  }
.Ltmp18:
0x104: {  	s5 =	sshrl.u32 @!p0 s4, $0x3;
	(pc) =	sbr.rel @!p1 .LBB2_26-.Ltmp18, $4  }
0x105: {  	s3 =	simm.s32 $0xE0;
	s4 =	sand.u32 @!p0 $0x7, s4;
	s5 =	sadd.s32 @!p0 s1, s5  }
0x106: {  	[hbm4b:s5+s4] =	stream.linear.scatter @!p0 [tilespmem:s3], [sflag:$0x5], $0x1, $0x38;
	[tilespmem:$0x9120] =	vst v63  }
0x107: {  	s5 =	simm.s32 $0x0  }
0x108: {  	s4 =	simm.s32 $0xC1;
	s5 =	simm.s32 @!p0 $0x4  }
.LBB2_25:
0x109: {  	v0 =	vld.msk [tilespmem:s4+$0x0], $0x1;
	s2 =	sadd.s32 $0xFFFFFFFF, s2;
	s0 =	sadd.s32 s0, s5  }
0x10a: {  	p0 =	sne.s32 s2, $0x0;
	_ =	sdelay $0x3  }
0x10b: {  	(v2sf) =	vpush v0, $0x0;
	_ =	sdelay $0xe  }
.Ltmp19:
0x10c: {  	s6 =	spop (v2sf);
	(pc) =	sbr.rel @p0 .LBB2_25-.Ltmp19, $4  }
0x10d: {  	s5 =	simm.s32 $0x0;
	p1 =	sgt.u32 s6, $0x7FF  }
0x10e: {  	s3 =	sadd.s32 $0x1, s3;
	s5 =	simm.s32 @!p1 $0x4;
	s7 =	sshrl.u32 @!p1 s6, $0x3  }
0x10f: {  	s4 =	sadd.s32 $0x1, s4;
	s6 =	sand.u32 @!p1 $0x7, s6;
	s7 =	sadd.s32 @!p1 s1, s7  }
0x110: {  	[hbm4b:s7+s6] =	stream.linear.scatter @!p1 [tilespmem:s3], [sflag:$0x5], $0x1, $0x38;
	[tilespmem:$0x9120] =	vst v63  }
.LBB2_26:
0x111: {  	s0 =	sadd.s32 s0, s5  }
0x112: {  	s0 =	sshrl.u32 s0, $0x2  }
.LBB2_27:
0x113: {  	s1 =	simm.s32 $0x5  }
0x114: {  	_ =	swait.ge [sflag:s1], s0  }
0x115: {  	s28 =	ssub.s32 $0x0, s0;
	[sflag:s1] =	ssyncset.done $0x0  }
0x116: {  	[sflag:s1] =	ssyncadd.s32 s28  }
0x117: {  	[sflag:s1] =	ssyncpa.u1 $0x1  }
0x118: {  	s29 =	simm.s32 $0x1;
	_ =	sfence  }
0x119: {  	s30 =	simm.s32 $0x2;
	[sflag:s29] =	ssyncpa.u1 $0x1  }
0x11a: {  	[sflag:s30] =	ssyncpa.u1 $0x1  }
0x11b: {  	_ =	strace $0x90000047  }
0x11c: {  	[bflag:$0x2] =	sbarrier.arrive $0xFFFF  }
0x11d: {  	s31 =	rddreg [dreg:$0x2]  }
0x11e: {  	s0 =	sadd.s32 $0x100000, s31  }
0x11f: {  	[sflag:s0] =	ssyncadd.tile.s32 $0x1;
	_ =	shalt  }
.Lfunc_end2:
_tile_overlayer_lowered:
.L_overlay_start_2:
0x120: {  	(tag) =	ssettag $0x2  }
0x121: {  	s0 =	rddreg [dreg:$0x0];
	s2 =	stileid.u32  }
0x122: {  	s1 =	rddreg [dreg:$0x1];
	p0 =	sne.s32 s2, $0x0  }
0x123: {  	s3 =	rddreg [dreg:$0x2];
	[bflag:$0x3] =	sbarrier.arrive $0xFFFF;
	s2 =	simm.s32 @!p0 $0x1C01  }
0x124: {  	[timem:s3], [sflag:s2] =	dma.local @!p0 [hbm:s0], s1  }
0x125: {  	s0 =	simm.s32 @!p0 $0x1  }
0x126: {  	_ =	swait.ge @!p0 [sflag:s0], s1  }
0x127: {  	s1 =	ssub.s32 @!p0 $0x0, s1;
	[sflag:s0] =	ssyncset.done @!p0 $0x0  }
0x128: {  	[sflag:s0] =	ssyncadd.s32 @!p0 s1  }
0x129: {  	[bflag:$0x3] =	sbarrier.arrive $0xFFFF  }
0x12a: {  	_ =	shalt  }

</sc_bundles>
